<compile_context>
chip_gen: v7x
topology: tpu7x:2x2x1
jax: 0.10.2.dev20260603
libtpu: 0.0.44.dev20260713+nightly
codegen_flags: <defaults>
</compile_context>

<pallas_src>
import functools

import jax
import jax.numpy as jnp
from jax import lax
from jax.experimental import pallas as pl
from jax.experimental.pallas import tpu as pltpu
from jax.experimental.pallas import tpu_sc as plsc

_NUM_TABLES = 4
_BATCH = 16384
_DIM = 64
_VOCAB = 100000
_ROWS = _NUM_TABLES * _DIM

_info = plsc.get_sparse_core_info()
_NC = _info.num_cores
_NS = _info.num_subcores
_NW = _NC * _NS
_R_PER_W = _ROWS // _NW
_CHUNK = 4096
_N_CHUNK = _BATCH // _CHUNK


def _make_gather():
    mesh = plsc.VectorSubcoreMesh(core_axis_name="c", subcore_axis_name="s")

    @functools.partial(
        pl.kernel,
        out_type=[jax.ShapeDtypeStruct((_DIM, _BATCH), jnp.float32)
                  for _ in range(_NUM_TABLES)],
        mesh=mesh,
        compiler_params=pltpu.CompilerParams(needs_layout_passes=False),
        scratch_types=[
            pltpu.VMEM((_BATCH,), jnp.int32),
            pltpu.VMEM((_VOCAB,), jnp.float32),
            pltpu.VMEM((_CHUNK,), jnp.float32),
            pltpu.VMEM((_CHUNK,), jnp.float32),
            pltpu.SemaphoreType.DMA,
            pltpu.SemaphoreType.DMA,
            pltpu.SemaphoreType.DMA,
        ],
    )
    def k(tab_hbm, idx_hbm, o0, o1, o2, o3,
          idx_v, row_v, oc0, oc1, sem_r, sem_o0, sem_o1):
        outs = [o0, o1, o2, o3]
        ocs = [oc0, oc1]
        osems = [sem_o0, sem_o1]
        wid = lax.axis_index("s") * _NC + lax.axis_index("c")
        d_per_t = _R_PER_W // _NUM_TABLES
        rows = [(t, wid * d_per_t + j)
                for t in range(_NUM_TABLES) for j in range(d_per_t)]
        def _stage_row(r):
            return (pltpu.async_copy(tab_hbm.at[r], row_v, sem_r),)

        t0, d0 = rows[0]
        row_dma = _stage_row(t0 * _DIM + d0)
        pltpu.sync_copy(idx_hbm, idx_v)
        pending = [None, None]
        for ri, (t, d) in enumerate(rows):
            for h in row_dma:
                h.wait()
            for c in range(_N_CHUNK):
                buf = (ri * _N_CHUNK + c) % 2
                if pending[buf] is not None:
                    pending[buf].wait()
                oc = ocs[buf]
                base = c * _CHUNK

                @plsc.parallel_loop(0, _CHUNK // 16, unroll=8)
                def _gather_chunk(kk):
                    iv = idx_v[pl.ds(base + kk * 16, 16)]
                    oc[pl.ds(kk * 16, 16)] = plsc.load_gather(row_v, [iv])
                pending[buf] = pltpu.async_copy(
                    ocs[buf], outs[t].at[d, pl.ds(c * _CHUNK, _CHUNK)],
                    osems[buf])
            if ri + 1 < len(rows):
                tn, dn = rows[ri + 1]
                row_dma = _stage_row(tn * _DIM + dn)
        for p in pending:
            if p is not None:
                p.wait()

    return k


_gather = _make_gather()


def kernel(idx, tables):
    tt = tables.transpose(0, 1, 3, 2).reshape(_ROWS, _VOCAB)
    o0, o1, o2, o3 = _gather(tt, idx.astype(jnp.int32))
    return ((o0.T, o1.T), (o2.T, o3.T))

# --- scband reference (transcript-rebuilt; emitter-appended) ---
"""Pipeline reference for scband-qubit-embedding-16260746182915 (READ-ONLY COPY).

The authoritative reference and input builder live on the scoring server;
editing this copy changes nothing except your own understanding.
"""

import jax, jax.numpy as jnp
import numpy as np

NUM_ENTITIES = 100000
EMBEDDING_DIM = 64
NUM_CHANNELS = 2
NORM_NUM_CHANNELS = 2
BATCH = 16384


def setup_inputs(seed: int = 0) -> dict:
    key = jax.random.key(seed)
    k_idx, k_tab = jax.random.split(key)
    idx = jax.random.randint(k_idx, (BATCH,), 0, NUM_ENTITIES)
    # One embedding table per (channel, norm_channel) pair, matching
    # QubitEmbedding's ModuleList of ComplexEmbedding modules (each of which
    # holds norm_num_channels embedding tables of shape [num_entities, dim]).
    tables = jax.random.normal(
        k_tab,
        (NUM_CHANNELS, NORM_NUM_CHANNELS, NUM_ENTITIES, EMBEDDING_DIM),
        dtype=jnp.float32,
    ) * 0.05
    return {"idx": idx, "tables": tables}


def reference(idx, tables):
    # QubitEmbedding.forward: for each channel, run the ComplexEmbedding lookup
    # (which itself returns a tuple of norm_num_channels lookups), and return
    # the tuple of per-channel results.
    outputs = []
    for c in range(NUM_CHANNELS):
        channel_out = []
        for n in range(NORM_NUM_CHANNELS):
            channel_out.append(jnp.take(tables[c, n], idx, axis=0))
        outputs.append(tuple(channel_out))
    return tuple(outputs)

if __name__ == "__main__":
    import jax
    _d = setup_inputs()
    print(jax.jit(kernel)(*tuple(_d.values())))

</pallas_src>

<mosaic_0001>
#map = affine_map<(d0, d1) -> (0, 0)>
#map1 = affine_map<(d0, d1) -> (0)>
module attributes {stable_mosaic.version = 14 : i64} {
  func.func @k(%arg0: i32, %arg1: i32, %arg2: memref<256x100000xf32, #tpu.memory_space<hbm>>, %arg3: memref<16384xi32, #tpu.memory_space<hbm>>, %arg4: memref<64x16384xf32, #tpu.memory_space<hbm>>, %arg5: memref<64x16384xf32, #tpu.memory_space<hbm>>, %arg6: memref<64x16384xf32, #tpu.memory_space<hbm>>, %arg7: memref<64x16384xf32, #tpu.memory_space<hbm>>, %arg8: memref<16384xi32, #tpu.memory_space<vmem>>, %arg9: memref<100000xf32, #tpu.memory_space<vmem>>, %arg10: memref<4096xf32, #tpu.memory_space<vmem>>, %arg11: memref<4096xf32, #tpu.memory_space<vmem>>, %arg12: memref<!tpu.dma_semaphore, #tpu.memory_space<semaphore_mem>>, %arg13: memref<!tpu.dma_semaphore, #tpu.memory_space<semaphore_mem>>, %arg14: memref<!tpu.dma_semaphore, #tpu.memory_space<semaphore_mem>>) attributes {dimension_semantics = [#tpu.dimension_semantics<core_parallel>, #tpu.dimension_semantics<subcore_parallel>], iteration_bounds = array<i64: 2, 16>, scalar_prefetch = 0 : i64, scratch_operands = 7 : i64, tpu.core_type = #tpu.core_type<sc_vector_subcore>, window_params = [{transform_indices = #map}, {transform_indices = #map1}, {transform_indices = #map}, {transform_indices = #map}, {transform_indices = #map}, {transform_indices = #map}]} {
    %mul3A = arith.constant 2 : i32
    %mul3A_0 = arith.muli %arg1, %mul3A : i32
    %add3A = arith.addi %mul3A_0, %arg0 : i32
    %mul3A_1 = arith.constant 2 : i32
    %mul3A_2 = arith.muli %add3A, %mul3A_1 : i32
    %add3A_3 = arith.constant 0 : i32
    %add3A_4 = arith.addi %mul3A_2, %add3A_3 : i32
    %mul3A_5 = arith.constant 2 : i32
    %mul3A_6 = arith.muli %add3A, %mul3A_5 : i32
    %add3A_7 = arith.constant 1 : i32
    %add3A_8 = arith.addi %mul3A_6, %add3A_7 : i32
    %mul3A_9 = arith.constant 2 : i32
    %mul3A_10 = arith.muli %add3A, %mul3A_9 : i32
    %add3A_11 = arith.constant 0 : i32
    %add3A_12 = arith.addi %mul3A_10, %add3A_11 : i32
    %mul3A_13 = arith.constant 2 : i32
    %mul3A_14 = arith.muli %add3A, %mul3A_13 : i32
    %add3A_15 = arith.constant 1 : i32
    %add3A_16 = arith.addi %mul3A_14, %add3A_15 : i32
    %mul3A_17 = arith.constant 2 : i32
    %mul3A_18 = arith.muli %add3A, %mul3A_17 : i32
    %add3A_19 = arith.constant 0 : i32
    %add3A_20 = arith.addi %mul3A_18, %add3A_19 : i32
    %mul3A_21 = arith.constant 2 : i32
    %mul3A_22 = arith.muli %add3A, %mul3A_21 : i32
    %add3A_23 = arith.constant 1 : i32
    %add3A_24 = arith.addi %mul3A_22, %add3A_23 : i32
    %mul3A_25 = arith.constant 2 : i32
    %mul3A_26 = arith.muli %add3A, %mul3A_25 : i32
    %add3A_27 = arith.constant 0 : i32
    %add3A_28 = arith.addi %mul3A_26, %add3A_27 : i32
    %mul3A_29 = arith.constant 2 : i32
    %mul3A_30 = arith.muli %add3A, %mul3A_29 : i32
    %add3A_31 = arith.constant 1 : i32
    %add3A_32 = arith.addi %mul3A_30, %add3A_31 : i32
    %add3A_33 = arith.constant 0 : i32
    %add3A_34 = arith.addi %add3A_33, %add3A_4 : i32
    %dma_start3A = arith.constant 0 : i32
    %dma_start3A_35 = tpu.memref_slice %arg2[%add3A_34, %dma_start3A] : memref<256x100000xf32, #tpu.memory_space<hbm>> -> memref<1x100000xf32, #tpu.memory_space<hbm>>
    %dma_start3A_36 = tpu.memref_squeeze %dma_start3A_35 : memref<1x100000xf32, #tpu.memory_space<hbm>> -> memref<100000xf32, #tpu.memory_space<hbm>>
    %dma_start3A_37 = arith.constant 0 : i32
    %dma_start3A_38 = tpu.memref_slice %arg2[%add3A_34, %dma_start3A_37] : memref<256x100000xf32, #tpu.memory_space<hbm>> -> memref<1x100000xf32, #tpu.memory_space<hbm>>
    %dma_start3A_39 = tpu.memref_squeeze %dma_start3A_38 : memref<1x100000xf32, #tpu.memory_space<hbm>> -> memref<100000xf32, #tpu.memory_space<hbm>>
    tpu.enqueue_dma source(%dma_start3A_39 : memref<100000xf32, #tpu.memory_space<hbm>>) target(%arg9 : memref<100000xf32, #tpu.memory_space<vmem>>) target_semaphore(%arg12 : memref<!tpu.dma_semaphore, #tpu.memory_space<semaphore_mem>>)
    "tpu.region"() ({
      %run_scoped3A = tpu.sem_alloc : memref<!tpu.dma_semaphore, #tpu.memory_space<semaphore_mem>>
      tpu.enqueue_dma source(%arg3 : memref<16384xi32, #tpu.memory_space<hbm>>) target(%arg8 : memref<16384xi32, #tpu.memory_space<vmem>>) target_semaphore(%run_scoped3A : memref<!tpu.dma_semaphore, #tpu.memory_space<semaphore_mem>>)
      tpu.wait_dma2 semaphore(%run_scoped3A : memref<!tpu.dma_semaphore, #tpu.memory_space<semaphore_mem>>) src(%arg3 : memref<16384xi32, #tpu.memory_space<hbm>>) dst(%arg8 : memref<16384xi32, #tpu.memory_space<vmem>>)
      tpu.yield
    }) : () -> ()
    %dma_wait3A = arith.constant 0 : i32
    %dma_wait3A_40 = tpu.memref_slice %arg2[%add3A_34, %dma_wait3A] : memref<256x100000xf32, #tpu.memory_space<hbm>> -> memref<1x100000xf32, #tpu.memory_space<hbm>>
    %dma_wait3A_41 = tpu.memref_squeeze %dma_wait3A_40 : memref<1x100000xf32, #tpu.memory_space<hbm>> -> memref<100000xf32, #tpu.memory_space<hbm>>
    %dma_wait3A_42 = arith.constant 0 : i32
    %dma_wait3A_43 = tpu.memref_slice %arg2[%add3A_34, %dma_wait3A_42] : memref<256x100000xf32, #tpu.memory_space<hbm>> -> memref<1x100000xf32, #tpu.memory_space<hbm>>
    %dma_wait3A_44 = tpu.memref_squeeze %dma_wait3A_43 : memref<1x100000xf32, #tpu.memory_space<hbm>> -> memref<100000xf32, #tpu.memory_space<hbm>>
    tpu.wait_dma2 semaphore(%arg12 : memref<!tpu.dma_semaphore, #tpu.memory_space<semaphore_mem>>) src(%dma_wait3A_44 : memref<100000xf32, #tpu.memory_space<hbm>>) dst(%arg9 : memref<100000xf32, #tpu.memory_space<vmem>>)
    %parallel_loop3A = arith.constant 0 : i32
    %parallel_loop3A_45 = arith.constant 256 : i32
    %parallel_loop3A_46 = arith.constant 1 : i32
    scf.for %parallel_loop3A_622 = %parallel_loop3A to %parallel_loop3A_45 step %parallel_loop3A_46  : i32 {
      %parallel_loop3A_623 = arith.constant 16 : i32
      %parallel_loop3A_624 = arith.muli %parallel_loop3A_622, %parallel_loop3A_623 : i32
      %parallel_loop3A_625 = arith.constant 0 : i32
      %parallel_loop3A_626 = arith.addi %parallel_loop3A_625, %parallel_loop3A_624 : i32
      %parallel_loop3A_627 = arith.index_cast %parallel_loop3A_626 : i32 to index
      %parallel_loop3A_628 = tpu.vector_load %arg8[%parallel_loop3A_627] {strides = array<i32>} : memref<16384xi32, #tpu.memory_space<vmem>>, vector<16xi32>,
      %parallel_loop3A_629 = tpu.vector_load_idx %arg9[%parallel_loop3A_628] : memref<100000xf32, #tpu.memory_space<vmem>>[vector<16xi32>], vector<16xf32>,
      %parallel_loop3A_630 = arith.constant 16 : i32
      %parallel_loop3A_631 = arith.muli %parallel_loop3A_622, %parallel_loop3A_630 : i32
      %parallel_loop3A_632 = arith.index_cast %parallel_loop3A_631 : i32 to index
      %parallel_loop3A_633 = tpu.vector_load %arg10[%parallel_loop3A_632] {strides = array<i32>} : memref<4096xf32, #tpu.memory_space<vmem>>, vector<16xf32>,
      tpu.vector_store %arg10[%parallel_loop3A_632], %parallel_loop3A_629 {strides = array<i32>} : memref<4096xf32, #tpu.memory_space<vmem>>, vector<16xf32>,
    } {sc.loop_unroll_factor = 8 : i64, sc.parallel_access}
    %dma_start3A_47 = arith.constant 0 : i32
    %dma_start3A_48 = tpu.memref_slice %arg4[%add3A_4, %dma_start3A_47] : memref<64x16384xf32, #tpu.memory_space<hbm>> -> memref<1x4096xf32, #tpu.memory_space<hbm>>
    %dma_start3A_49 = tpu.memref_squeeze %dma_start3A_48 : memref<1x4096xf32, #tpu.memory_space<hbm>> -> memref<4096xf32, #tpu.memory_space<hbm>>
    %dma_start3A_50 = arith.constant 0 : i32
    %dma_start3A_51 = tpu.memref_slice %arg4[%add3A_4, %dma_start3A_50] : memref<64x16384xf32, #tpu.memory_space<hbm>> -> memref<1x4096xf32, #tpu.memory_space<hbm>>
    %dma_start3A_52 = tpu.memref_squeeze %dma_start3A_51 : memref<1x4096xf32, #tpu.memory_space<hbm>> -> memref<4096xf32, #tpu.memory_space<hbm>>
    tpu.enqueue_dma source(%arg10 : memref<4096xf32, #tpu.memory_space<vmem>>) target(%dma_start3A_52 : memref<4096xf32, #tpu.memory_space<hbm>>) target_semaphore(%arg13 : memref<!tpu.dma_semaphore, #tpu.memory_space<semaphore_mem>>)
    %parallel_loop3A_53 = arith.constant 0 : i32
    %parallel_loop3A_54 = arith.constant 256 : i32
    %parallel_loop3A_55 = arith.constant 1 : i32
    scf.for %parallel_loop3A_622 = %parallel_loop3A_53 to %parallel_loop3A_54 step %parallel_loop3A_55  : i32 {
      %parallel_loop3A_623 = arith.constant 16 : i32
      %parallel_loop3A_624 = arith.muli %parallel_loop3A_622, %parallel_loop3A_623 : i32
      %parallel_loop3A_625 = arith.constant 4096 : i32
      %parallel_loop3A_626 = arith.addi %parallel_loop3A_625, %parallel_loop3A_624 : i32
      %parallel_loop3A_627 = arith.index_cast %parallel_loop3A_626 : i32 to index
      %parallel_loop3A_628 = tpu.vector_load %arg8[%parallel_loop3A_627] {strides = array<i32>} : memref<16384xi32, #tpu.memory_space<vmem>>, vector<16xi32>,
      %parallel_loop3A_629 = tpu.vector_load_idx %arg9[%parallel_loop3A_628] : memref<100000xf32, #tpu.memory_space<vmem>>[vector<16xi32>], vector<16xf32>,
      %parallel_loop3A_630 = arith.constant 16 : i32
      %parallel_loop3A_631 = arith.muli %parallel_loop3A_622, %parallel_loop3A_630 : i32
      %parallel_loop3A_632 = arith.index_cast %parallel_loop3A_631 : i32 to index
      %parallel_loop3A_633 = tpu.vector_load %arg11[%parallel_loop3A_632] {strides = array<i32>} : memref<4096xf32, #tpu.memory_space<vmem>>, vector<16xf32>,
      tpu.vector_store %arg11[%parallel_loop3A_632], %parallel_loop3A_629 {strides = array<i32>} : memref<4096xf32, #tpu.memory_space<vmem>>, vector<16xf32>,
    } {sc.loop_unroll_factor = 8 : i64, sc.parallel_access}
    %dma_start3A_56 = arith.constant 4096 : i32
    %dma_start3A_57 = tpu.memref_slice %arg4[%add3A_4, %dma_start3A_56] : memref<64x16384xf32, #tpu.memory_space<hbm>> -> memref<1x4096xf32, #tpu.memory_space<hbm>>
    %dma_start3A_58 = tpu.memref_squeeze %dma_start3A_57 : memref<1x4096xf32, #tpu.memory_space<hbm>> -> memref<4096xf32, #tpu.memory_space<hbm>>
    %dma_start3A_59 = arith.constant 4096 : i32
    %dma_start3A_60 = tpu.memref_slice %arg4[%add3A_4, %dma_start3A_59] : memref<64x16384xf32, #tpu.memory_space<hbm>> -> memref<1x4096xf32, #tpu.memory_space<hbm>>
    %dma_start3A_61 = tpu.memref_squeeze %dma_start3A_60 : memref<1x4096xf32, #tpu.memory_space<hbm>> -> memref<4096xf32, #tpu.memory_space<hbm>>
    tpu.enqueue_dma source(%arg11 : memref<4096xf32, #tpu.memory_space<vmem>>) target(%dma_start3A_61 : memref<4096xf32, #tpu.memory_space<hbm>>) target_semaphore(%arg14 : memref<!tpu.dma_semaphore, #tpu.memory_space<semaphore_mem>>)
    %dma_wait3A_62 = arith.constant 0 : i32
    %dma_wait3A_63 = tpu.memref_slice %arg4[%add3A_4, %dma_wait3A_62] : memref<64x16384xf32, #tpu.memory_space<hbm>> -> memref<1x4096xf32, #tpu.memory_space<hbm>>
    %dma_wait3A_64 = tpu.memref_squeeze %dma_wait3A_63 : memref<1x4096xf32, #tpu.memory_space<hbm>> -> memref<4096xf32, #tpu.memory_space<hbm>>
    %dma_wait3A_65 = arith.constant 0 : i32
    %dma_wait3A_66 = tpu.memref_slice %arg4[%add3A_4, %dma_wait3A_65] : memref<64x16384xf32, #tpu.memory_space<hbm>> -> memref<1x4096xf32, #tpu.memory_space<hbm>>
    %dma_wait3A_67 = tpu.memref_squeeze %dma_wait3A_66 : memref<1x4096xf32, #tpu.memory_space<hbm>> -> memref<4096xf32, #tpu.memory_space<hbm>>
    tpu.wait_dma2 semaphore(%arg13 : memref<!tpu.dma_semaphore, #tpu.memory_space<semaphore_mem>>) src(%arg10 : memref<4096xf32, #tpu.memory_space<vmem>>) dst(%dma_wait3A_67 : memref<4096xf32, #tpu.memory_space<hbm>>)
    %parallel_loop3A_68 = arith.constant 0 : i32
    %parallel_loop3A_69 = arith.constant 256 : i32
    %parallel_loop3A_70 = arith.constant 1 : i32
    scf.for %parallel_loop3A_622 = %parallel_loop3A_68 to %parallel_loop3A_69 step %parallel_loop3A_70  : i32 {
      %parallel_loop3A_623 = arith.constant 16 : i32
      %parallel_loop3A_624 = arith.muli %parallel_loop3A_622, %parallel_loop3A_623 : i32
      %parallel_loop3A_625 = arith.constant 8192 : i32
      %parallel_loop3A_626 = arith.addi %parallel_loop3A_625, %parallel_loop3A_624 : i32
      %parallel_loop3A_627 = arith.index_cast %parallel_loop3A_626 : i32 to index
      %parallel_loop3A_628 = tpu.vector_load %arg8[%parallel_loop3A_627] {strides = array<i32>} : memref<16384xi32, #tpu.memory_space<vmem>>, vector<16xi32>,
      %parallel_loop3A_629 = tpu.vector_load_idx %arg9[%parallel_loop3A_628] : memref<100000xf32, #tpu.memory_space<vmem>>[vector<16xi32>], vector<16xf32>,
      %parallel_loop3A_630 = arith.constant 16 : i32
      %parallel_loop3A_631 = arith.muli %parallel_loop3A_622, %parallel_loop3A_630 : i32
      %parallel_loop3A_632 = arith.index_cast %parallel_loop3A_631 : i32 to index
      %parallel_loop3A_633 = tpu.vector_load %arg10[%parallel_loop3A_632] {strides = array<i32>} : memref<4096xf32, #tpu.memory_space<vmem>>, vector<16xf32>,
      tpu.vector_store %arg10[%parallel_loop3A_632], %parallel_loop3A_629 {strides = array<i32>} : memref<4096xf32, #tpu.memory_space<vmem>>, vector<16xf32>,
    } {sc.loop_unroll_factor = 8 : i64, sc.parallel_access}
    %dma_start3A_71 = arith.constant 8192 : i32
    %dma_start3A_72 = tpu.memref_slice %arg4[%add3A_4, %dma_start3A_71] : memref<64x16384xf32, #tpu.memory_space<hbm>> -> memref<1x4096xf32, #tpu.memory_space<hbm>>
    %dma_start3A_73 = tpu.memref_squeeze %dma_start3A_72 : memref<1x4096xf32, #tpu.memory_space<hbm>> -> memref<4096xf32, #tpu.memory_space<hbm>>
    %dma_start3A_74 = arith.constant 8192 : i32
    %dma_start3A_75 = tpu.memref_slice %arg4[%add3A_4, %dma_start3A_74] : memref<64x16384xf32, #tpu.memory_space<hbm>> -> memref<1x4096xf32, #tpu.memory_space<hbm>>
    %dma_start3A_76 = tpu.memref_squeeze %dma_start3A_75 : memref<1x4096xf32, #tpu.memory_space<hbm>> -> memref<4096xf32, #tpu.memory_space<hbm>>
    tpu.enqueue_dma source(%arg10 : memref<4096xf32, #tpu.memory_space<vmem>>) target(%dma_start3A_76 : memref<4096xf32, #tpu.memory_space<hbm>>) target_semaphore(%arg13 : memref<!tpu.dma_semaphore, #tpu.memory_space<semaphore_mem>>)
    %dma_wait3A_77 = arith.constant 4096 : i32
    %dma_wait3A_78 = tpu.memref_slice %arg4[%add3A_4, %dma_wait3A_77] : memref<64x16384xf32, #tpu.memory_space<hbm>> -> memref<1x4096xf32, #tpu.memory_space<hbm>>
    %dma_wait3A_79 = tpu.memref_squeeze %dma_wait3A_78 : memref<1x4096xf32, #tpu.memory_space<hbm>> -> memref<4096xf32, #tpu.memory_space<hbm>>
    %dma_wait3A_80 = arith.constant 4096 : i32
    %dma_wait3A_81 = tpu.memref_slice %arg4[%add3A_4, %dma_wait3A_80] : memref<64x16384xf32, #tpu.memory_space<hbm>> -> memref<1x4096xf32, #tpu.memory_space<hbm>>
    %dma_wait3A_82 = tpu.memref_squeeze %dma_wait3A_81 : memref<1x4096xf32, #tpu.memory_space<hbm>> -> memref<4096xf32, #tpu.memory_space<hbm>>
    tpu.wait_dma2 semaphore(%arg14 : memref<!tpu.dma_semaphore, #tpu.memory_space<semaphore_mem>>) src(%arg11 : memref<4096xf32, #tpu.memory_space<vmem>>) dst(%dma_wait3A_82 : memref<4096xf32, #tpu.memory_space<hbm>>)
    %parallel_loop3A_83 = arith.constant 0 : i32
    %parallel_loop3A_84 = arith.constant 256 : i32
    %parallel_loop3A_85 = arith.constant 1 : i32
    scf.for %parallel_loop3A_622 = %parallel_loop3A_83 to %parallel_loop3A_84 step %parallel_loop3A_85  : i32 {
      %parallel_loop3A_623 = arith.constant 16 : i32
      %parallel_loop3A_624 = arith.muli %parallel_loop3A_622, %parallel_loop3A_623 : i32
      %parallel_loop3A_625 = arith.constant 12288 : i32
      %parallel_loop3A_626 = arith.addi %parallel_loop3A_625, %parallel_loop3A_624 : i32
      %parallel_loop3A_627 = arith.index_cast %parallel_loop3A_626 : i32 to index
      %parallel_loop3A_628 = tpu.vector_load %arg8[%parallel_loop3A_627] {strides = array<i32>} : memref<16384xi32, #tpu.memory_space<vmem>>, vector<16xi32>,
      %parallel_loop3A_629 = tpu.vector_load_idx %arg9[%parallel_loop3A_628] : memref<100000xf32, #tpu.memory_space<vmem>>[vector<16xi32>], vector<16xf32>,
      %parallel_loop3A_630 = arith.constant 16 : i32
      %parallel_loop3A_631 = arith.muli %parallel_loop3A_622, %parallel_loop3A_630 : i32
      %parallel_loop3A_632 = arith.index_cast %parallel_loop3A_631 : i32 to index
      %parallel_loop3A_633 = tpu.vector_load %arg11[%parallel_loop3A_632] {strides = array<i32>} : memref<4096xf32, #tpu.memory_space<vmem>>, vector<16xf32>,
      tpu.vector_store %arg11[%parallel_loop3A_632], %parallel_loop3A_629 {strides = array<i32>} : memref<4096xf32, #tpu.memory_space<vmem>>, vector<16xf32>,
    } {sc.loop_unroll_factor = 8 : i64, sc.parallel_access}
    %dma_start3A_86 = arith.constant 12288 : i32
    %dma_start3A_87 = tpu.memref_slice %arg4[%add3A_4, %dma_start3A_86] : memref<64x16384xf32, #tpu.memory_space<hbm>> -> memref<1x4096xf32, #tpu.memory_space<hbm>>
    %dma_start3A_88 = tpu.memref_squeeze %dma_start3A_87 : memref<1x4096xf32, #tpu.memory_space<hbm>> -> memref<4096xf32, #tpu.memory_space<hbm>>
    %dma_start3A_89 = arith.constant 12288 : i32
    %dma_start3A_90 = tpu.memref_slice %arg4[%add3A_4, %dma_start3A_89] : memref<64x16384xf32, #tpu.memory_space<hbm>> -> memref<1x4096xf32, #tpu.memory_space<hbm>>
    %dma_start3A_91 = tpu.memref_squeeze %dma_start3A_90 : memref<1x4096xf32, #tpu.memory_space<hbm>> -> memref<4096xf32, #tpu.memory_space<hbm>>
    tpu.enqueue_dma source(%arg11 : memref<4096xf32, #tpu.memory_space<vmem>>) target(%dma_start3A_91 : memref<4096xf32, #tpu.memory_space<hbm>>) target_semaphore(%arg14 : memref<!tpu.dma_semaphore, #tpu.memory_space<semaphore_mem>>)
    %add3A_92 = arith.constant 0 : i32
    %add3A_93 = arith.addi %add3A_92, %add3A_8 : i32
    %dma_start3A_94 = arith.constant 0 : i32
    %dma_start3A_95 = tpu.memref_slice %arg2[%add3A_93, %dma_start3A_94] : memref<256x100000xf32, #tpu.memory_space<hbm>> -> memref<1x100000xf32, #tpu.memory_space<hbm>>
    %dma_start3A_96 = tpu.memref_squeeze %dma_start3A_95 : memref<1x100000xf32, #tpu.memory_space<hbm>> -> memref<100000xf32, #tpu.memory_space<hbm>>
    %dma_start3A_97 = arith.constant 0 : i32
    %dma_start3A_98 = tpu.memref_slice %arg2[%add3A_93, %dma_start3A_97] : memref<256x100000xf32, #tpu.memory_space<hbm>> -> memref<1x100000xf32, #tpu.memory_space<hbm>>
    %dma_start3A_99 = tpu.memref_squeeze %dma_start3A_98 : memref<1x100000xf32, #tpu.memory_space<hbm>> -> memref<100000xf32, #tpu.memory_space<hbm>>
    tpu.enqueue_dma source(%dma_start3A_99 : memref<100000xf32, #tpu.memory_space<hbm>>) target(%arg9 : memref<100000xf32, #tpu.memory_space<vmem>>) target_semaphore(%arg12 : memref<!tpu.dma_semaphore, #tpu.memory_space<semaphore_mem>>)
    %dma_wait3A_100 = arith.constant 0 : i32
    %dma_wait3A_101 = tpu.memref_slice %arg2[%add3A_93, %dma_wait3A_100] : memref<256x100000xf32, #tpu.memory_space<hbm>> -> memref<1x100000xf32, #tpu.memory_space<hbm>>
    %dma_wait3A_102 = tpu.memref_squeeze %dma_wait3A_101 : memref<1x100000xf32, #tpu.memory_space<hbm>> -> memref<100000xf32, #tpu.memory_space<hbm>>
    %dma_wait3A_103 = arith.constant 0 : i32
    %dma_wait3A_104 = tpu.memref_slice %arg2[%add3A_93, %dma_wait3A_103] : memref<256x100000xf32, #tpu.memory_space<hbm>> -> memref<1x100000xf32, #tpu.memory_space<hbm>>
    %dma_wait3A_105 = tpu.memref_squeeze %dma_wait3A_104 : memref<1x100000xf32, #tpu.memory_space<hbm>> -> memref<100000xf32, #tpu.memory_space<hbm>>
    tpu.wait_dma2 semaphore(%arg12 : memref<!tpu.dma_semaphore, #tpu.memory_space<semaphore_mem>>) src(%dma_wait3A_105 : memref<100000xf32, #tpu.memory_space<hbm>>) dst(%arg9 : memref<100000xf32, #tpu.memory_space<vmem>>)
    %dma_wait3A_106 = arith.constant 8192 : i32
    %dma_wait3A_107 = tpu.memref_slice %arg4[%add3A_4, %dma_wait3A_106] : memref<64x16384xf32, #tpu.memory_space<hbm>> -> memref<1x4096xf32, #tpu.memory_space<hbm>>
    %dma_wait3A_108 = tpu.memref_squeeze %dma_wait3A_107 : memref<1x4096xf32, #tpu.memory_space<hbm>> -> memref<4096xf32, #tpu.memory_space<hbm>>
    %dma_wait3A_109 = arith.constant 8192 : i32
    %dma_wait3A_110 = tpu.memref_slice %arg4[%add3A_4, %dma_wait3A_109] : memref<64x16384xf32, #tpu.memory_space<hbm>> -> memref<1x4096xf32, #tpu.memory_space<hbm>>
    %dma_wait3A_111 = tpu.memref_squeeze %dma_wait3A_110 : memref<1x4096xf32, #tpu.memory_space<hbm>> -> memref<4096xf32, #tpu.memory_space<hbm>>
    tpu.wait_dma2 semaphore(%arg13 : memref<!tpu.dma_semaphore, #tpu.memory_space<semaphore_mem>>) src(%arg10 : memref<4096xf32, #tpu.memory_space<vmem>>) dst(%dma_wait3A_111 : memref<4096xf32, #tpu.memory_space<hbm>>)
    %parallel_loop3A_112 = arith.constant 0 : i32
    %parallel_loop3A_113 = arith.constant 256 : i32
    %parallel_loop3A_114 = arith.constant 1 : i32
    scf.for %parallel_loop3A_622 = %parallel_loop3A_112 to %parallel_loop3A_113 step %parallel_loop3A_114  : i32 {
      %parallel_loop3A_623 = arith.constant 16 : i32
      %parallel_loop3A_624 = arith.muli %parallel_loop3A_622, %parallel_loop3A_623 : i32
      %parallel_loop3A_625 = arith.constant 0 : i32
      %parallel_loop3A_626 = arith.addi %parallel_loop3A_625, %parallel_loop3A_624 : i32
      %parallel_loop3A_627 = arith.index_cast %parallel_loop3A_626 : i32 to index
      %parallel_loop3A_628 = tpu.vector_load %arg8[%parallel_loop3A_627] {strides = array<i32>} : memref<16384xi32, #tpu.memory_space<vmem>>, vector<16xi32>,
      %parallel_loop3A_629 = tpu.vector_load_idx %arg9[%parallel_loop3A_628] : memref<100000xf32, #tpu.memory_space<vmem>>[vector<16xi32>], vector<16xf32>,
      %parallel_loop3A_630 = arith.constant 16 : i32
      %parallel_loop3A_631 = arith.muli %parallel_loop3A_622, %parallel_loop3A_630 : i32
      %parallel_loop3A_632 = arith.index_cast %parallel_loop3A_631 : i32 to index
      %parallel_loop3A_633 = tpu.vector_load %arg10[%parallel_loop3A_632] {strides = array<i32>} : memref<4096xf32, #tpu.memory_space<vmem>>, vector<16xf32>,
      tpu.vector_store %arg10[%parallel_loop3A_632], %parallel_loop3A_629 {strides = array<i32>} : memref<4096xf32, #tpu.memory_space<vmem>>, vector<16xf32>,
    } {sc.loop_unroll_factor = 8 : i64, sc.parallel_access}
    %dma_start3A_115 = arith.constant 0 : i32
    %dma_start3A_116 = tpu.memref_slice %arg4[%add3A_8, %dma_start3A_115] : memref<64x16384xf32, #tpu.memory_space<hbm>> -> memref<1x4096xf32, #tpu.memory_space<hbm>>
    %dma_start3A_117 = tpu.memref_squeeze %dma_start3A_116 : memref<1x4096xf32, #tpu.memory_space<hbm>> -> memref<4096xf32, #tpu.memory_space<hbm>>
    %dma_start3A_118 = arith.constant 0 : i32
    %dma_start3A_119 = tpu.memref_slice %arg4[%add3A_8, %dma_start3A_118] : memref<64x16384xf32, #tpu.memory_space<hbm>> -> memref<1x4096xf32, #tpu.memory_space<hbm>>
    %dma_start3A_120 = tpu.memref_squeeze %dma_start3A_119 : memref<1x4096xf32, #tpu.memory_space<hbm>> -> memref<4096xf32, #tpu.memory_space<hbm>>
    tpu.enqueue_dma source(%arg10 : memref<4096xf32, #tpu.memory_space<vmem>>) target(%dma_start3A_120 : memref<4096xf32, #tpu.memory_space<hbm>>) target_semaphore(%arg13 : memref<!tpu.dma_semaphore, #tpu.memory_space<semaphore_mem>>)
    %dma_wait3A_121 = arith.constant 12288 : i32
    %dma_wait3A_122 = tpu.memref_slice %arg4[%add3A_4, %dma_wait3A_121] : memref<64x16384xf32, #tpu.memory_space<hbm>> -> memref<1x4096xf32, #tpu.memory_space<hbm>>
    %dma_wait3A_123 = tpu.memref_squeeze %dma_wait3A_122 : memref<1x4096xf32, #tpu.memory_space<hbm>> -> memref<4096xf32, #tpu.memory_space<hbm>>
    %dma_wait3A_124 = arith.constant 12288 : i32
    %dma_wait3A_125 = tpu.memref_slice %arg4[%add3A_4, %dma_wait3A_124] : memref<64x16384xf32, #tpu.memory_space<hbm>> -> memref<1x4096xf32, #tpu.memory_space<hbm>>
    %dma_wait3A_126 = tpu.memref_squeeze %dma_wait3A_125 : memref<1x4096xf32, #tpu.memory_space<hbm>> -> memref<4096xf32, #tpu.memory_space<hbm>>
    tpu.wait_dma2 semaphore(%arg14 : memref<!tpu.dma_semaphore, #tpu.memory_space<semaphore_mem>>) src(%arg11 : memref<4096xf32, #tpu.memory_space<vmem>>) dst(%dma_wait3A_126 : memref<4096xf32, #tpu.memory_space<hbm>>)
    %parallel_loop3A_127 = arith.constant 0 : i32
    %parallel_loop3A_128 = arith.constant 256 : i32
    %parallel_loop3A_129 = arith.constant 1 : i32
    scf.for %parallel_loop3A_622 = %parallel_loop3A_127 to %parallel_loop3A_128 step %parallel_loop3A_129  : i32 {
      %parallel_loop3A_623 = arith.constant 16 : i32
      %parallel_loop3A_624 = arith.muli %parallel_loop3A_622, %parallel_loop3A_623 : i32
      %parallel_loop3A_625 = arith.constant 4096 : i32
      %parallel_loop3A_626 = arith.addi %parallel_loop3A_625, %parallel_loop3A_624 : i32
      %parallel_loop3A_627 = arith.index_cast %parallel_loop3A_626 : i32 to index
      %parallel_loop3A_628 = tpu.vector_load %arg8[%parallel_loop3A_627] {strides = array<i32>} : memref<16384xi32, #tpu.memory_space<vmem>>, vector<16xi32>,
      %parallel_loop3A_629 = tpu.vector_load_idx %arg9[%parallel_loop3A_628] : memref<100000xf32, #tpu.memory_space<vmem>>[vector<16xi32>], vector<16xf32>,
      %parallel_loop3A_630 = arith.constant 16 : i32
      %parallel_loop3A_631 = arith.muli %parallel_loop3A_622, %parallel_loop3A_630 : i32
      %parallel_loop3A_632 = arith.index_cast %parallel_loop3A_631 : i32 to index
      %parallel_loop3A_633 = tpu.vector_load %arg11[%parallel_loop3A_632] {strides = array<i32>} : memref<4096xf32, #tpu.memory_space<vmem>>, vector<16xf32>,
      tpu.vector_store %arg11[%parallel_loop3A_632], %parallel_loop3A_629 {strides = array<i32>} : memref<4096xf32, #tpu.memory_space<vmem>>, vector<16xf32>,
    } {sc.loop_unroll_factor = 8 : i64, sc.parallel_access}
    %dma_start3A_130 = arith.constant 4096 : i32
    %dma_start3A_131 = tpu.memref_slice %arg4[%add3A_8, %dma_start3A_130] : memref<64x16384xf32, #tpu.memory_space<hbm>> -> memref<1x4096xf32, #tpu.memory_space<hbm>>
    %dma_start3A_132 = tpu.memref_squeeze %dma_start3A_131 : memref<1x4096xf32, #tpu.memory_space<hbm>> -> memref<4096xf32, #tpu.memory_space<hbm>>
    %dma_start3A_133 = arith.constant 4096 : i32
    %dma_start3A_134 = tpu.memref_slice %arg4[%add3A_8, %dma_start3A_133] : memref<64x16384xf32, #tpu.memory_space<hbm>> -> memref<1x4096xf32, #tpu.memory_space<hbm>>
    %dma_start3A_135 = tpu.memref_squeeze %dma_start3A_134 : memref<1x4096xf32, #tpu.memory_space<hbm>> -> memref<4096xf32, #tpu.memory_space<hbm>>
    tpu.enqueue_dma source(%arg11 : memref<4096xf32, #tpu.memory_space<vmem>>) target(%dma_start3A_135 : memref<4096xf32, #tpu.memory_space<hbm>>) target_semaphore(%arg14 : memref<!tpu.dma_semaphore, #tpu.memory_space<semaphore_mem>>)
    %dma_wait3A_136 = arith.constant 0 : i32
    %dma_wait3A_137 = tpu.memref_slice %arg4[%add3A_8, %dma_wait3A_136] : memref<64x16384xf32, #tpu.memory_space<hbm>> -> memref<1x4096xf32, #tpu.memory_space<hbm>>
    %dma_wait3A_138 = tpu.memref_squeeze %dma_wait3A_137 : memref<1x4096xf32, #tpu.memory_space<hbm>> -> memref<4096xf32, #tpu.memory_space<hbm>>
    %dma_wait3A_139 = arith.constant 0 : i32
    %dma_wait3A_140 = tpu.memref_slice %arg4[%add3A_8, %dma_wait3A_139] : memref<64x16384xf32, #tpu.memory_space<hbm>> -> memref<1x4096xf32, #tpu.memory_space<hbm>>
    %dma_wait3A_141 = tpu.memref_squeeze %dma_wait3A_140 : memref<1x4096xf32, #tpu.memory_space<hbm>> -> memref<4096xf32, #tpu.memory_space<hbm>>
    tpu.wait_dma2 semaphore(%arg13 : memref<!tpu.dma_semaphore, #tpu.memory_space<semaphore_mem>>) src(%arg10 : memref<4096xf32, #tpu.memory_space<vmem>>) dst(%dma_wait3A_141 : memref<4096xf32, #tpu.memory_space<hbm>>)
    %parallel_loop3A_142 = arith.constant 0 : i32
    %parallel_loop3A_143 = arith.constant 256 : i32
    %parallel_loop3A_144 = arith.constant 1 : i32
    scf.for %parallel_loop3A_622 = %parallel_loop3A_142 to %parallel_loop3A_143 step %parallel_loop3A_144  : i32 {
      %parallel_loop3A_623 = arith.constant 16 : i32
      %parallel_loop3A_624 = arith.muli %parallel_loop3A_622, %parallel_loop3A_623 : i32
      %parallel_loop3A_625 = arith.constant 8192 : i32
      %parallel_loop3A_626 = arith.addi %parallel_loop3A_625, %parallel_loop3A_624 : i32
      %parallel_loop3A_627 = arith.index_cast %parallel_loop3A_626 : i32 to index
      %parallel_loop3A_628 = tpu.vector_load %arg8[%parallel_loop3A_627] {strides = array<i32>} : memref<16384xi32, #tpu.memory_space<vmem>>, vector<16xi32>,
      %parallel_loop3A_629 = tpu.vector_load_idx %arg9[%parallel_loop3A_628] : memref<100000xf32, #tpu.memory_space<vmem>>[vector<16xi32>], vector<16xf32>,
      %parallel_loop3A_630 = arith.constant 16 : i32
      %parallel_loop3A_631 = arith.muli %parallel_loop3A_622, %parallel_loop3A_630 : i32
      %parallel_loop3A_632 = arith.index_cast %parallel_loop3A_631 : i32 to index
      %parallel_loop3A_633 = tpu.vector_load %arg10[%parallel_loop3A_632] {strides = array<i32>} : memref<4096xf32, #tpu.memory_space<vmem>>, vector<16xf32>,
      tpu.vector_store %arg10[%parallel_loop3A_632], %parallel_loop3A_629 {strides = array<i32>} : memref<4096xf32, #tpu.memory_space<vmem>>, vector<16xf32>,
    } {sc.loop_unroll_factor = 8 : i64, sc.parallel_access}
    %dma_start3A_145 = arith.constant 8192 : i32
    %dma_start3A_146 = tpu.memref_slice %arg4[%add3A_8, %dma_start3A_145] : memref<64x16384xf32, #tpu.memory_space<hbm>> -> memref<1x4096xf32, #tpu.memory_space<hbm>>
    %dma_start3A_147 = tpu.memref_squeeze %dma_start3A_146 : memref<1x4096xf32, #tpu.memory_space<hbm>> -> memref<4096xf32, #tpu.memory_space<hbm>>
    %dma_start3A_148 = arith.constant 8192 : i32
    %dma_start3A_149 = tpu.memref_slice %arg4[%add3A_8, %dma_start3A_148] : memref<64x16384xf32, #tpu.memory_space<hbm>> -> memref<1x4096xf32, #tpu.memory_space<hbm>>
    %dma_start3A_150 = tpu.memref_squeeze %dma_start3A_149 : memref<1x4096xf32, #tpu.memory_space<hbm>> -> memref<4096xf32, #tpu.memory_space<hbm>>
    tpu.enqueue_dma source(%arg10 : memref<4096xf32, #tpu.memory_space<vmem>>) target(%dma_start3A_150 : memref<4096xf32, #tpu.memory_space<hbm>>) target_semaphore(%arg13 : memref<!tpu.dma_semaphore, #tpu.memory_space<semaphore_mem>>)
    %dma_wait3A_151 = arith.constant 4096 : i32
    %dma_wait3A_152 = tpu.memref_slice %arg4[%add3A_8, %dma_wait3A_151] : memref<64x16384xf32, #tpu.memory_space<hbm>> -> memref<1x4096xf32, #tpu.memory_space<hbm>>
    %dma_wait3A_153 = tpu.memref_squeeze %dma_wait3A_152 : memref<1x4096xf32, #tpu.memory_space<hbm>> -> memref<4096xf32, #tpu.memory_space<hbm>>
    %dma_wait3A_154 = arith.constant 4096 : i32
    %dma_wait3A_155 = tpu.memref_slice %arg4[%add3A_8, %dma_wait3A_154] : memref<64x16384xf32, #tpu.memory_space<hbm>> -> memref<1x4096xf32, #tpu.memory_space<hbm>>
    %dma_wait3A_156 = tpu.memref_squeeze %dma_wait3A_155 : memref<1x4096xf32, #tpu.memory_space<hbm>> -> memref<4096xf32, #tpu.memory_space<hbm>>
    tpu.wait_dma2 semaphore(%arg14 : memref<!tpu.dma_semaphore, #tpu.memory_space<semaphore_mem>>) src(%arg11 : memref<4096xf32, #tpu.memory_space<vmem>>) dst(%dma_wait3A_156 : memref<4096xf32, #tpu.memory_space<hbm>>)
    %parallel_loop3A_157 = arith.constant 0 : i32
    %parallel_loop3A_158 = arith.constant 256 : i32
    %parallel_loop3A_159 = arith.constant 1 : i32
    scf.for %parallel_loop3A_622 = %parallel_loop3A_157 to %parallel_loop3A_158 step %parallel_loop3A_159  : i32 {
      %parallel_loop3A_623 = arith.constant 16 : i32
      %parallel_loop3A_624 = arith.muli %parallel_loop3A_622, %parallel_loop3A_623 : i32
      %parallel_loop3A_625 = arith.constant 12288 : i32
      %parallel_loop3A_626 = arith.addi %parallel_loop3A_625, %parallel_loop3A_624 : i32
      %parallel_loop3A_627 = arith.index_cast %parallel_loop3A_626 : i32 to index
      %parallel_loop3A_628 = tpu.vector_load %arg8[%parallel_loop3A_627] {strides = array<i32>} : memref<16384xi32, #tpu.memory_space<vmem>>, vector<16xi32>,
      %parallel_loop3A_629 = tpu.vector_load_idx %arg9[%parallel_loop3A_628] : memref<100000xf32, #tpu.memory_space<vmem>>[vector<16xi32>], vector<16xf32>,
      %parallel_loop3A_630 = arith.constant 16 : i32
      %parallel_loop3A_631 = arith.muli %parallel_loop3A_622, %parallel_loop3A_630 : i32
      %parallel_loop3A_632 = arith.index_cast %parallel_loop3A_631 : i32 to index
      %parallel_loop3A_633 = tpu.vector_load %arg11[%parallel_loop3A_632] {strides = array<i32>} : memref<4096xf32, #tpu.memory_space<vmem>>, vector<16xf32>,
      tpu.vector_store %arg11[%parallel_loop3A_632], %parallel_loop3A_629 {strides = array<i32>} : memref<4096xf32, #tpu.memory_space<vmem>>, vector<16xf32>,
    } {sc.loop_unroll_factor = 8 : i64, sc.parallel_access}
    %dma_start3A_160 = arith.constant 12288 : i32
    %dma_start3A_161 = tpu.memref_slice %arg4[%add3A_8, %dma_start3A_160] : memref<64x16384xf32, #tpu.memory_space<hbm>> -> memref<1x4096xf32, #tpu.memory_space<hbm>>
    %dma_start3A_162 = tpu.memref_squeeze %dma_start3A_161 : memref<1x4096xf32, #tpu.memory_space<hbm>> -> memref<4096xf32, #tpu.memory_space<hbm>>
    %dma_start3A_163 = arith.constant 12288 : i32
    %dma_start3A_164 = tpu.memref_slice %arg4[%add3A_8, %dma_start3A_163] : memref<64x16384xf32, #tpu.memory_space<hbm>> -> memref<1x4096xf32, #tpu.memory_space<hbm>>
    %dma_start3A_165 = tpu.memref_squeeze %dma_start3A_164 : memref<1x4096xf32, #tpu.memory_space<hbm>> -> memref<4096xf32, #tpu.memory_space<hbm>>
    tpu.enqueue_dma source(%arg11 : memref<4096xf32, #tpu.memory_space<vmem>>) target(%dma_start3A_165 : memref<4096xf32, #tpu.memory_space<hbm>>) target_semaphore(%arg14 : memref<!tpu.dma_semaphore, #tpu.memory_space<semaphore_mem>>)
    %add3A_166 = arith.constant 64 : i32
    %add3A_167 = arith.addi %add3A_166, %add3A_12 : i32
    %dma_start3A_168 = arith.constant 0 : i32
    %dma_start3A_169 = tpu.memref_slice %arg2[%add3A_167, %dma_start3A_168] : memref<256x100000xf32, #tpu.memory_space<hbm>> -> memref<1x100000xf32, #tpu.memory_space<hbm>>
    %dma_start3A_170 = tpu.memref_squeeze %dma_start3A_169 : memref<1x100000xf32, #tpu.memory_space<hbm>> -> memref<100000xf32, #tpu.memory_space<hbm>>
    %dma_start3A_171 = arith.constant 0 : i32
    %dma_start3A_172 = tpu.memref_slice %arg2[%add3A_167, %dma_start3A_171] : memref<256x100000xf32, #tpu.memory_space<hbm>> -> memref<1x100000xf32, #tpu.memory_space<hbm>>
    %dma_start3A_173 = tpu.memref_squeeze %dma_start3A_172 : memref<1x100000xf32, #tpu.memory_space<hbm>> -> memref<100000xf32, #tpu.memory_space<hbm>>
    tpu.enqueue_dma source(%dma_start3A_173 : memref<100000xf32, #tpu.memory_space<hbm>>) target(%arg9 : memref<100000xf32, #tpu.memory_space<vmem>>) target_semaphore(%arg12 : memref<!tpu.dma_semaphore, #tpu.memory_space<semaphore_mem>>)
    %dma_wait3A_174 = arith.constant 0 : i32
    %dma_wait3A_175 = tpu.memref_slice %arg2[%add3A_167, %dma_wait3A_174] : memref<256x100000xf32, #tpu.memory_space<hbm>> -> memref<1x100000xf32, #tpu.memory_space<hbm>>
    %dma_wait3A_176 = tpu.memref_squeeze %dma_wait3A_175 : memref<1x100000xf32, #tpu.memory_space<hbm>> -> memref<100000xf32, #tpu.memory_space<hbm>>
    %dma_wait3A_177 = arith.constant 0 : i32
    %dma_wait3A_178 = tpu.memref_slice %arg2[%add3A_167, %dma_wait3A_177] : memref<256x100000xf32, #tpu.memory_space<hbm>> -> memref<1x100000xf32, #tpu.memory_space<hbm>>
    %dma_wait3A_179 = tpu.memref_squeeze %dma_wait3A_178 : memref<1x100000xf32, #tpu.memory_space<hbm>> -> memref<100000xf32, #tpu.memory_space<hbm>>
    tpu.wait_dma2 semaphore(%arg12 : memref<!tpu.dma_semaphore, #tpu.memory_space<semaphore_mem>>) src(%dma_wait3A_179 : memref<100000xf32, #tpu.memory_space<hbm>>) dst(%arg9 : memref<100000xf32, #tpu.memory_space<vmem>>)
    %dma_wait3A_180 = arith.constant 8192 : i32
    %dma_wait3A_181 = tpu.memref_slice %arg4[%add3A_8, %dma_wait3A_180] : memref<64x16384xf32, #tpu.memory_space<hbm>> -> memref<1x4096xf32, #tpu.memory_space<hbm>>
    %dma_wait3A_182 = tpu.memref_squeeze %dma_wait3A_181 : memref<1x4096xf32, #tpu.memory_space<hbm>> -> memref<4096xf32, #tpu.memory_space<hbm>>
    %dma_wait3A_183 = arith.constant 8192 : i32
    %dma_wait3A_184 = tpu.memref_slice %arg4[%add3A_8, %dma_wait3A_183] : memref<64x16384xf32, #tpu.memory_space<hbm>> -> memref<1x4096xf32, #tpu.memory_space<hbm>>
    %dma_wait3A_185 = tpu.memref_squeeze %dma_wait3A_184 : memref<1x4096xf32, #tpu.memory_space<hbm>> -> memref<4096xf32, #tpu.memory_space<hbm>>
    tpu.wait_dma2 semaphore(%arg13 : memref<!tpu.dma_semaphore, #tpu.memory_space<semaphore_mem>>) src(%arg10 : memref<4096xf32, #tpu.memory_space<vmem>>) dst(%dma_wait3A_185 : memref<4096xf32, #tpu.memory_space<hbm>>)
    %parallel_loop3A_186 = arith.constant 0 : i32
    %parallel_loop3A_187 = arith.constant 256 : i32
    %parallel_loop3A_188 = arith.constant 1 : i32
    scf.for %parallel_loop3A_622 = %parallel_loop3A_186 to %parallel_loop3A_187 step %parallel_loop3A_188  : i32 {
      %parallel_loop3A_623 = arith.constant 16 : i32
      %parallel_loop3A_624 = arith.muli %parallel_loop3A_622, %parallel_loop3A_623 : i32
      %parallel_loop3A_625 = arith.constant 0 : i32
      %parallel_loop3A_626 = arith.addi %parallel_loop3A_625, %parallel_loop3A_624 : i32
      %parallel_loop3A_627 = arith.index_cast %parallel_loop3A_626 : i32 to index
      %parallel_loop3A_628 = tpu.vector_load %arg8[%parallel_loop3A_627] {strides = array<i32>} : memref<16384xi32, #tpu.memory_space<vmem>>, vector<16xi32>,
      %parallel_loop3A_629 = tpu.vector_load_idx %arg9[%parallel_loop3A_628] : memref<100000xf32, #tpu.memory_space<vmem>>[vector<16xi32>], vector<16xf32>,
      %parallel_loop3A_630 = arith.constant 16 : i32
      %parallel_loop3A_631 = arith.muli %parallel_loop3A_622, %parallel_loop3A_630 : i32
      %parallel_loop3A_632 = arith.index_cast %parallel_loop3A_631 : i32 to index
      %parallel_loop3A_633 = tpu.vector_load %arg10[%parallel_loop3A_632] {strides = array<i32>} : memref<4096xf32, #tpu.memory_space<vmem>>, vector<16xf32>,
      tpu.vector_store %arg10[%parallel_loop3A_632], %parallel_loop3A_629 {strides = array<i32>} : memref<4096xf32, #tpu.memory_space<vmem>>, vector<16xf32>,
    } {sc.loop_unroll_factor = 8 : i64, sc.parallel_access}
    %dma_start3A_189 = arith.constant 0 : i32
    %dma_start3A_190 = tpu.memref_slice %arg5[%add3A_12, %dma_start3A_189] : memref<64x16384xf32, #tpu.memory_space<hbm>> -> memref<1x4096xf32, #tpu.memory_space<hbm>>
    %dma_start3A_191 = tpu.memref_squeeze %dma_start3A_190 : memref<1x4096xf32, #tpu.memory_space<hbm>> -> memref<4096xf32, #tpu.memory_space<hbm>>
    %dma_start3A_192 = arith.constant 0 : i32
    %dma_start3A_193 = tpu.memref_slice %arg5[%add3A_12, %dma_start3A_192] : memref<64x16384xf32, #tpu.memory_space<hbm>> -> memref<1x4096xf32, #tpu.memory_space<hbm>>
    %dma_start3A_194 = tpu.memref_squeeze %dma_start3A_193 : memref<1x4096xf32, #tpu.memory_space<hbm>> -> memref<4096xf32, #tpu.memory_space<hbm>>
    tpu.enqueue_dma source(%arg10 : memref<4096xf32, #tpu.memory_space<vmem>>) target(%dma_start3A_194 : memref<4096xf32, #tpu.memory_space<hbm>>) target_semaphore(%arg13 : memref<!tpu.dma_semaphore, #tpu.memory_space<semaphore_mem>>)
    %dma_wait3A_195 = arith.constant 12288 : i32
    %dma_wait3A_196 = tpu.memref_slice %arg4[%add3A_8, %dma_wait3A_195] : memref<64x16384xf32, #tpu.memory_space<hbm>> -> memref<1x4096xf32, #tpu.memory_space<hbm>>
    %dma_wait3A_197 = tpu.memref_squeeze %dma_wait3A_196 : memref<1x4096xf32, #tpu.memory_space<hbm>> -> memref<4096xf32, #tpu.memory_space<hbm>>
    %dma_wait3A_198 = arith.constant 12288 : i32
    %dma_wait3A_199 = tpu.memref_slice %arg4[%add3A_8, %dma_wait3A_198] : memref<64x16384xf32, #tpu.memory_space<hbm>> -> memref<1x4096xf32, #tpu.memory_space<hbm>>
    %dma_wait3A_200 = tpu.memref_squeeze %dma_wait3A_199 : memref<1x4096xf32, #tpu.memory_space<hbm>> -> memref<4096xf32, #tpu.memory_space<hbm>>
    tpu.wait_dma2 semaphore(%arg14 : memref<!tpu.dma_semaphore, #tpu.memory_space<semaphore_mem>>) src(%arg11 : memref<4096xf32, #tpu.memory_space<vmem>>) dst(%dma_wait3A_200 : memref<4096xf32, #tpu.memory_space<hbm>>)
    %parallel_loop3A_201 = arith.constant 0 : i32
    %parallel_loop3A_202 = arith.constant 256 : i32
    %parallel_loop3A_203 = arith.constant 1 : i32
    scf.for %parallel_loop3A_622 = %parallel_loop3A_201 to %parallel_loop3A_202 step %parallel_loop3A_203  : i32 {
      %parallel_loop3A_623 = arith.constant 16 : i32
      %parallel_loop3A_624 = arith.muli %parallel_loop3A_622, %parallel_loop3A_623 : i32
      %parallel_loop3A_625 = arith.constant 4096 : i32
      %parallel_loop3A_626 = arith.addi %parallel_loop3A_625, %parallel_loop3A_624 : i32
      %parallel_loop3A_627 = arith.index_cast %parallel_loop3A_626 : i32 to index
      %parallel_loop3A_628 = tpu.vector_load %arg8[%parallel_loop3A_627] {strides = array<i32>} : memref<16384xi32, #tpu.memory_space<vmem>>, vector<16xi32>,
      %parallel_loop3A_629 = tpu.vector_load_idx %arg9[%parallel_loop3A_628] : memref<100000xf32, #tpu.memory_space<vmem>>[vector<16xi32>], vector<16xf32>,
      %parallel_loop3A_630 = arith.constant 16 : i32
      %parallel_loop3A_631 = arith.muli %parallel_loop3A_622, %parallel_loop3A_630 : i32
      %parallel_loop3A_632 = arith.index_cast %parallel_loop3A_631 : i32 to index
      %parallel_loop3A_633 = tpu.vector_load %arg11[%parallel_loop3A_632] {strides = array<i32>} : memref<4096xf32, #tpu.memory_space<vmem>>, vector<16xf32>,
      tpu.vector_store %arg11[%parallel_loop3A_632], %parallel_loop3A_629 {strides = array<i32>} : memref<4096xf32, #tpu.memory_space<vmem>>, vector<16xf32>,
    } {sc.loop_unroll_factor = 8 : i64, sc.parallel_access}
    %dma_start3A_204 = arith.constant 4096 : i32
    %dma_start3A_205 = tpu.memref_slice %arg5[%add3A_12, %dma_start3A_204] : memref<64x16384xf32, #tpu.memory_space<hbm>> -> memref<1x4096xf32, #tpu.memory_space<hbm>>
    %dma_start3A_206 = tpu.memref_squeeze %dma_start3A_205 : memref<1x4096xf32, #tpu.memory_space<hbm>> -> memref<4096xf32, #tpu.memory_space<hbm>>
    %dma_start3A_207 = arith.constant 4096 : i32
    %dma_start3A_208 = tpu.memref_slice %arg5[%add3A_12, %dma_start3A_207] : memref<64x16384xf32, #tpu.memory_space<hbm>> -> memref<1x4096xf32, #tpu.memory_space<hbm>>
    %dma_start3A_209 = tpu.memref_squeeze %dma_start3A_208 : memref<1x4096xf32, #tpu.memory_space<hbm>> -> memref<4096xf32, #tpu.memory_space<hbm>>
    tpu.enqueue_dma source(%arg11 : memref<4096xf32, #tpu.memory_space<vmem>>) target(%dma_start3A_209 : memref<4096xf32, #tpu.memory_space<hbm>>) target_semaphore(%arg14 : memref<!tpu.dma_semaphore, #tpu.memory_space<semaphore_mem>>)
    %dma_wait3A_210 = arith.constant 0 : i32
    %dma_wait3A_211 = tpu.memref_slice %arg5[%add3A_12, %dma_wait3A_210] : memref<64x16384xf32, #tpu.memory_space<hbm>> -> memref<1x4096xf32, #tpu.memory_space<hbm>>
    %dma_wait3A_212 = tpu.memref_squeeze %dma_wait3A_211 : memref<1x4096xf32, #tpu.memory_space<hbm>> -> memref<4096xf32, #tpu.memory_space<hbm>>
    %dma_wait3A_213 = arith.constant 0 : i32
    %dma_wait3A_214 = tpu.memref_slice %arg5[%add3A_12, %dma_wait3A_213] : memref<64x16384xf32, #tpu.memory_space<hbm>> -> memref<1x4096xf32, #tpu.memory_space<hbm>>
    %dma_wait3A_215 = tpu.memref_squeeze %dma_wait3A_214 : memref<1x4096xf32, #tpu.memory_space<hbm>> -> memref<4096xf32, #tpu.memory_space<hbm>>
    tpu.wait_dma2 semaphore(%arg13 : memref<!tpu.dma_semaphore, #tpu.memory_space<semaphore_mem>>) src(%arg10 : memref<4096xf32, #tpu.memory_space<vmem>>) dst(%dma_wait3A_215 : memref<4096xf32, #tpu.memory_space<hbm>>)
    %parallel_loop3A_216 = arith.constant 0 : i32
    %parallel_loop3A_217 = arith.constant 256 : i32
    %parallel_loop3A_218 = arith.constant 1 : i32
    scf.for %parallel_loop3A_622 = %parallel_loop3A_216 to %parallel_loop3A_217 step %parallel_loop3A_218  : i32 {
      %parallel_loop3A_623 = arith.constant 16 : i32
      %parallel_loop3A_624 = arith.muli %parallel_loop3A_622, %parallel_loop3A_623 : i32
      %parallel_loop3A_625 = arith.constant 8192 : i32
      %parallel_loop3A_626 = arith.addi %parallel_loop3A_625, %parallel_loop3A_624 : i32
      %parallel_loop3A_627 = arith.index_cast %parallel_loop3A_626 : i32 to index
      %parallel_loop3A_628 = tpu.vector_load %arg8[%parallel_loop3A_627] {strides = array<i32>} : memref<16384xi32, #tpu.memory_space<vmem>>, vector<16xi32>,
      %parallel_loop3A_629 = tpu.vector_load_idx %arg9[%parallel_loop3A_628] : memref<100000xf32, #tpu.memory_space<vmem>>[vector<16xi32>], vector<16xf32>,
      %parallel_loop3A_630 = arith.constant 16 : i32
      %parallel_loop3A_631 = arith.muli %parallel_loop3A_622, %parallel_loop3A_630 : i32
      %parallel_loop3A_632 = arith.index_cast %parallel_loop3A_631 : i32 to index
      %parallel_loop3A_633 = tpu.vector_load %arg10[%parallel_loop3A_632] {strides = array<i32>} : memref<4096xf32, #tpu.memory_space<vmem>>, vector<16xf32>,
      tpu.vector_store %arg10[%parallel_loop3A_632], %parallel_loop3A_629 {strides = array<i32>} : memref<4096xf32, #tpu.memory_space<vmem>>, vector<16xf32>,
    } {sc.loop_unroll_factor = 8 : i64, sc.parallel_access}
    %dma_start3A_219 = arith.constant 8192 : i32
    %dma_start3A_220 = tpu.memref_slice %arg5[%add3A_12, %dma_start3A_219] : memref<64x16384xf32, #tpu.memory_space<hbm>> -> memref<1x4096xf32, #tpu.memory_space<hbm>>
    %dma_start3A_221 = tpu.memref_squeeze %dma_start3A_220 : memref<1x4096xf32, #tpu.memory_space<hbm>> -> memref<4096xf32, #tpu.memory_space<hbm>>
    %dma_start3A_222 = arith.constant 8192 : i32
    %dma_start3A_223 = tpu.memref_slice %arg5[%add3A_12, %dma_start3A_222] : memref<64x16384xf32, #tpu.memory_space<hbm>> -> memref<1x4096xf32, #tpu.memory_space<hbm>>
    %dma_start3A_224 = tpu.memref_squeeze %dma_start3A_223 : memref<1x4096xf32, #tpu.memory_space<hbm>> -> memref<4096xf32, #tpu.memory_space<hbm>>
    tpu.enqueue_dma source(%arg10 : memref<4096xf32, #tpu.memory_space<vmem>>) target(%dma_start3A_224 : memref<4096xf32, #tpu.memory_space<hbm>>) target_semaphore(%arg13 : memref<!tpu.dma_semaphore, #tpu.memory_space<semaphore_mem>>)
    %dma_wait3A_225 = arith.constant 4096 : i32
    %dma_wait3A_226 = tpu.memref_slice %arg5[%add3A_12, %dma_wait3A_225] : memref<64x16384xf32, #tpu.memory_space<hbm>> -> memref<1x4096xf32, #tpu.memory_space<hbm>>
    %dma_wait3A_227 = tpu.memref_squeeze %dma_wait3A_226 : memref<1x4096xf32, #tpu.memory_space<hbm>> -> memref<4096xf32, #tpu.memory_space<hbm>>
    %dma_wait3A_228 = arith.constant 4096 : i32
    %dma_wait3A_229 = tpu.memref_slice %arg5[%add3A_12, %dma_wait3A_228] : memref<64x16384xf32, #tpu.memory_space<hbm>> -> memref<1x4096xf32, #tpu.memory_space<hbm>>
    %dma_wait3A_230 = tpu.memref_squeeze %dma_wait3A_229 : memref<1x4096xf32, #tpu.memory_space<hbm>> -> memref<4096xf32, #tpu.memory_space<hbm>>
    tpu.wait_dma2 semaphore(%arg14 : memref<!tpu.dma_semaphore, #tpu.memory_space<semaphore_mem>>) src(%arg11 : memref<4096xf32, #tpu.memory_space<vmem>>) dst(%dma_wait3A_230 : memref<4096xf32, #tpu.memory_space<hbm>>)
    %parallel_loop3A_231 = arith.constant 0 : i32
    %parallel_loop3A_232 = arith.constant 256 : i32
    %parallel_loop3A_233 = arith.constant 1 : i32
    scf.for %parallel_loop3A_622 = %parallel_loop3A_231 to %parallel_loop3A_232 step %parallel_loop3A_233  : i32 {
      %parallel_loop3A_623 = arith.constant 16 : i32
      %parallel_loop3A_624 = arith.muli %parallel_loop3A_622, %parallel_loop3A_623 : i32
      %parallel_loop3A_625 = arith.constant 12288 : i32
      %parallel_loop3A_626 = arith.addi %parallel_loop3A_625, %parallel_loop3A_624 : i32
      %parallel_loop3A_627 = arith.index_cast %parallel_loop3A_626 : i32 to index
      %parallel_loop3A_628 = tpu.vector_load %arg8[%parallel_loop3A_627] {strides = array<i32>} : memref<16384xi32, #tpu.memory_space<vmem>>, vector<16xi32>,
      %parallel_loop3A_629 = tpu.vector_load_idx %arg9[%parallel_loop3A_628] : memref<100000xf32, #tpu.memory_space<vmem>>[vector<16xi32>], vector<16xf32>,
      %parallel_loop3A_630 = arith.constant 16 : i32
      %parallel_loop3A_631 = arith.muli %parallel_loop3A_622, %parallel_loop3A_630 : i32
      %parallel_loop3A_632 = arith.index_cast %parallel_loop3A_631 : i32 to index
      %parallel_loop3A_633 = tpu.vector_load %arg11[%parallel_loop3A_632] {strides = array<i32>} : memref<4096xf32, #tpu.memory_space<vmem>>, vector<16xf32>,
      tpu.vector_store %arg11[%parallel_loop3A_632], %parallel_loop3A_629 {strides = array<i32>} : memref<4096xf32, #tpu.memory_space<vmem>>, vector<16xf32>,
    } {sc.loop_unroll_factor = 8 : i64, sc.parallel_access}
    %dma_start3A_234 = arith.constant 12288 : i32
    %dma_start3A_235 = tpu.memref_slice %arg5[%add3A_12, %dma_start3A_234] : memref<64x16384xf32, #tpu.memory_space<hbm>> -> memref<1x4096xf32, #tpu.memory_space<hbm>>
    %dma_start3A_236 = tpu.memref_squeeze %dma_start3A_235 : memref<1x4096xf32, #tpu.memory_space<hbm>> -> memref<4096xf32, #tpu.memory_space<hbm>>
    %dma_start3A_237 = arith.constant 12288 : i32
    %dma_start3A_238 = tpu.memref_slice %arg5[%add3A_12, %dma_start3A_237] : memref<64x16384xf32, #tpu.memory_space<hbm>> -> memref<1x4096xf32, #tpu.memory_space<hbm>>
    %dma_start3A_239 = tpu.memref_squeeze %dma_start3A_238 : memref<1x4096xf32, #tpu.memory_space<hbm>> -> memref<4096xf32, #tpu.memory_space<hbm>>
    tpu.enqueue_dma source(%arg11 : memref<4096xf32, #tpu.memory_space<vmem>>) target(%dma_start3A_239 : memref<4096xf32, #tpu.memory_space<hbm>>) target_semaphore(%arg14 : memref<!tpu.dma_semaphore, #tpu.memory_space<semaphore_mem>>)
    %add3A_240 = arith.constant 64 : i32
    %add3A_241 = arith.addi %add3A_240, %add3A_16 : i32
    %dma_start3A_242 = arith.constant 0 : i32
    %dma_start3A_243 = tpu.memref_slice %arg2[%add3A_241, %dma_start3A_242] : memref<256x100000xf32, #tpu.memory_space<hbm>> -> memref<1x100000xf32, #tpu.memory_space<hbm>>
    %dma_start3A_244 = tpu.memref_squeeze %dma_start3A_243 : memref<1x100000xf32, #tpu.memory_space<hbm>> -> memref<100000xf32, #tpu.memory_space<hbm>>
    %dma_start3A_245 = arith.constant 0 : i32
    %dma_start3A_246 = tpu.memref_slice %arg2[%add3A_241, %dma_start3A_245] : memref<256x100000xf32, #tpu.memory_space<hbm>> -> memref<1x100000xf32, #tpu.memory_space<hbm>>
    %dma_start3A_247 = tpu.memref_squeeze %dma_start3A_246 : memref<1x100000xf32, #tpu.memory_space<hbm>> -> memref<100000xf32, #tpu.memory_space<hbm>>
    tpu.enqueue_dma source(%dma_start3A_247 : memref<100000xf32, #tpu.memory_space<hbm>>) target(%arg9 : memref<100000xf32, #tpu.memory_space<vmem>>) target_semaphore(%arg12 : memref<!tpu.dma_semaphore, #tpu.memory_space<semaphore_mem>>)
    %dma_wait3A_248 = arith.constant 0 : i32
    %dma_wait3A_249 = tpu.memref_slice %arg2[%add3A_241, %dma_wait3A_248] : memref<256x100000xf32, #tpu.memory_space<hbm>> -> memref<1x100000xf32, #tpu.memory_space<hbm>>
    %dma_wait3A_250 = tpu.memref_squeeze %dma_wait3A_249 : memref<1x100000xf32, #tpu.memory_space<hbm>> -> memref<100000xf32, #tpu.memory_space<hbm>>
    %dma_wait3A_251 = arith.constant 0 : i32
    %dma_wait3A_252 = tpu.memref_slice %arg2[%add3A_241, %dma_wait3A_251] : memref<256x100000xf32, #tpu.memory_space<hbm>> -> memref<1x100000xf32, #tpu.memory_space<hbm>>
    %dma_wait3A_253 = tpu.memref_squeeze %dma_wait3A_252 : memref<1x100000xf32, #tpu.memory_space<hbm>> -> memref<100000xf32, #tpu.memory_space<hbm>>
    tpu.wait_dma2 semaphore(%arg12 : memref<!tpu.dma_semaphore, #tpu.memory_space<semaphore_mem>>) src(%dma_wait3A_253 : memref<100000xf32, #tpu.memory_space<hbm>>) dst(%arg9 : memref<100000xf32, #tpu.memory_space<vmem>>)
    %dma_wait3A_254 = arith.constant 8192 : i32
    %dma_wait3A_255 = tpu.memref_slice %arg5[%add3A_12, %dma_wait3A_254] : memref<64x16384xf32, #tpu.memory_space<hbm>> -> memref<1x4096xf32, #tpu.memory_space<hbm>>
    %dma_wait3A_256 = tpu.memref_squeeze %dma_wait3A_255 : memref<1x4096xf32, #tpu.memory_space<hbm>> -> memref<4096xf32, #tpu.memory_space<hbm>>
    %dma_wait3A_257 = arith.constant 8192 : i32
    %dma_wait3A_258 = tpu.memref_slice %arg5[%add3A_12, %dma_wait3A_257] : memref<64x16384xf32, #tpu.memory_space<hbm>> -> memref<1x4096xf32, #tpu.memory_space<hbm>>
    %dma_wait3A_259 = tpu.memref_squeeze %dma_wait3A_258 : memref<1x4096xf32, #tpu.memory_space<hbm>> -> memref<4096xf32, #tpu.memory_space<hbm>>
    tpu.wait_dma2 semaphore(%arg13 : memref<!tpu.dma_semaphore, #tpu.memory_space<semaphore_mem>>) src(%arg10 : memref<4096xf32, #tpu.memory_space<vmem>>) dst(%dma_wait3A_259 : memref<4096xf32, #tpu.memory_space<hbm>>)
    %parallel_loop3A_260 = arith.constant 0 : i32
    %parallel_loop3A_261 = arith.constant 256 : i32
    %parallel_loop3A_262 = arith.constant 1 : i32
    scf.for %parallel_loop3A_622 = %parallel_loop3A_260 to %parallel_loop3A_261 step %parallel_loop3A_262  : i32 {
      %parallel_loop3A_623 = arith.constant 16 : i32
      %parallel_loop3A_624 = arith.muli %parallel_loop3A_622, %parallel_loop3A_623 : i32
      %parallel_loop3A_625 = arith.constant 0 : i32
      %parallel_loop3A_626 = arith.addi %parallel_loop3A_625, %parallel_loop3A_624 : i32
      %parallel_loop3A_627 = arith.index_cast %parallel_loop3A_626 : i32 to index
      %parallel_loop3A_628 = tpu.vector_load %arg8[%parallel_loop3A_627] {strides = array<i32>} : memref<16384xi32, #tpu.memory_space<vmem>>, vector<16xi32>,
      %parallel_loop3A_629 = tpu.vector_load_idx %arg9[%parallel_loop3A_628] : memref<100000xf32, #tpu.memory_space<vmem>>[vector<16xi32>], vector<16xf32>,
      %parallel_loop3A_630 = arith.constant 16 : i32
      %parallel_loop3A_631 = arith.muli %parallel_loop3A_622, %parallel_loop3A_630 : i32
      %parallel_loop3A_632 = arith.index_cast %parallel_loop3A_631 : i32 to index
      %parallel_loop3A_633 = tpu.vector_load %arg10[%parallel_loop3A_632] {strides = array<i32>} : memref<4096xf32, #tpu.memory_space<vmem>>, vector<16xf32>,
      tpu.vector_store %arg10[%parallel_loop3A_632], %parallel_loop3A_629 {strides = array<i32>} : memref<4096xf32, #tpu.memory_space<vmem>>, vector<16xf32>,
    } {sc.loop_unroll_factor = 8 : i64, sc.parallel_access}
    %dma_start3A_263 = arith.constant 0 : i32
    %dma_start3A_264 = tpu.memref_slice %arg5[%add3A_16, %dma_start3A_263] : memref<64x16384xf32, #tpu.memory_space<hbm>> -> memref<1x4096xf32, #tpu.memory_space<hbm>>
    %dma_start3A_265 = tpu.memref_squeeze %dma_start3A_264 : memref<1x4096xf32, #tpu.memory_space<hbm>> -> memref<4096xf32, #tpu.memory_space<hbm>>
    %dma_start3A_266 = arith.constant 0 : i32
    %dma_start3A_267 = tpu.memref_slice %arg5[%add3A_16, %dma_start3A_266] : memref<64x16384xf32, #tpu.memory_space<hbm>> -> memref<1x4096xf32, #tpu.memory_space<hbm>>
    %dma_start3A_268 = tpu.memref_squeeze %dma_start3A_267 : memref<1x4096xf32, #tpu.memory_space<hbm>> -> memref<4096xf32, #tpu.memory_space<hbm>>
    tpu.enqueue_dma source(%arg10 : memref<4096xf32, #tpu.memory_space<vmem>>) target(%dma_start3A_268 : memref<4096xf32, #tpu.memory_space<hbm>>) target_semaphore(%arg13 : memref<!tpu.dma_semaphore, #tpu.memory_space<semaphore_mem>>)
    %dma_wait3A_269 = arith.constant 12288 : i32
    %dma_wait3A_270 = tpu.memref_slice %arg5[%add3A_12, %dma_wait3A_269] : memref<64x16384xf32, #tpu.memory_space<hbm>> -> memref<1x4096xf32, #tpu.memory_space<hbm>>
    %dma_wait3A_271 = tpu.memref_squeeze %dma_wait3A_270 : memref<1x4096xf32, #tpu.memory_space<hbm>> -> memref<4096xf32, #tpu.memory_space<hbm>>
    %dma_wait3A_272 = arith.constant 12288 : i32
    %dma_wait3A_273 = tpu.memref_slice %arg5[%add3A_12, %dma_wait3A_272] : memref<64x16384xf32, #tpu.memory_space<hbm>> -> memref<1x4096xf32, #tpu.memory_space<hbm>>
    %dma_wait3A_274 = tpu.memref_squeeze %dma_wait3A_273 : memref<1x4096xf32, #tpu.memory_space<hbm>> -> memref<4096xf32, #tpu.memory_space<hbm>>
    tpu.wait_dma2 semaphore(%arg14 : memref<!tpu.dma_semaphore, #tpu.memory_space<semaphore_mem>>) src(%arg11 : memref<4096xf32, #tpu.memory_space<vmem>>) dst(%dma_wait3A_274 : memref<4096xf32, #tpu.memory_space<hbm>>)
    %parallel_loop3A_275 = arith.constant 0 : i32
    %parallel_loop3A_276 = arith.constant 256 : i32
    %parallel_loop3A_277 = arith.constant 1 : i32
    scf.for %parallel_loop3A_622 = %parallel_loop3A_275 to %parallel_loop3A_276 step %parallel_loop3A_277  : i32 {
      %parallel_loop3A_623 = arith.constant 16 : i32
      %parallel_loop3A_624 = arith.muli %parallel_loop3A_622, %parallel_loop3A_623 : i32
      %parallel_loop3A_625 = arith.constant 4096 : i32
      %parallel_loop3A_626 = arith.addi %parallel_loop3A_625, %parallel_loop3A_624 : i32
      %parallel_loop3A_627 = arith.index_cast %parallel_loop3A_626 : i32 to index
      %parallel_loop3A_628 = tpu.vector_load %arg8[%parallel_loop3A_627] {strides = array<i32>} : memref<16384xi32, #tpu.memory_space<vmem>>, vector<16xi32>,
      %parallel_loop3A_629 = tpu.vector_load_idx %arg9[%parallel_loop3A_628] : memref<100000xf32, #tpu.memory_space<vmem>>[vector<16xi32>], vector<16xf32>,
      %parallel_loop3A_630 = arith.constant 16 : i32
      %parallel_loop3A_631 = arith.muli %parallel_loop3A_622, %parallel_loop3A_630 : i32
      %parallel_loop3A_632 = arith.index_cast %parallel_loop3A_631 : i32 to index
      %parallel_loop3A_633 = tpu.vector_load %arg11[%parallel_loop3A_632] {strides = array<i32>} : memref<4096xf32, #tpu.memory_space<vmem>>, vector<16xf32>,
      tpu.vector_store %arg11[%parallel_loop3A_632], %parallel_loop3A_629 {strides = array<i32>} : memref<4096xf32, #tpu.memory_space<vmem>>, vector<16xf32>,
    } {sc.loop_unroll_factor = 8 : i64, sc.parallel_access}
    %dma_start3A_278 = arith.constant 4096 : i32
    %dma_start3A_279 = tpu.memref_slice %arg5[%add3A_16, %dma_start3A_278] : memref<64x16384xf32, #tpu.memory_space<hbm>> -> memref<1x4096xf32, #tpu.memory_space<hbm>>
    %dma_start3A_280 = tpu.memref_squeeze %dma_start3A_279 : memref<1x4096xf32, #tpu.memory_space<hbm>> -> memref<4096xf32, #tpu.memory_space<hbm>>
    %dma_start3A_281 = arith.constant 4096 : i32
    %dma_start3A_282 = tpu.memref_slice %arg5[%add3A_16, %dma_start3A_281] : memref<64x16384xf32, #tpu.memory_space<hbm>> -> memref<1x4096xf32, #tpu.memory_space<hbm>>
    %dma_start3A_283 = tpu.memref_squeeze %dma_start3A_282 : memref<1x4096xf32, #tpu.memory_space<hbm>> -> memref<4096xf32, #tpu.memory_space<hbm>>
    tpu.enqueue_dma source(%arg11 : memref<4096xf32, #tpu.memory_space<vmem>>) target(%dma_start3A_283 : memref<4096xf32, #tpu.memory_space<hbm>>) target_semaphore(%arg14 : memref<!tpu.dma_semaphore, #tpu.memory_space<semaphore_mem>>)
    %dma_wait3A_284 = arith.constant 0 : i32
    %dma_wait3A_285 = tpu.memref_slice %arg5[%add3A_16, %dma_wait3A_284] : memref<64x16384xf32, #tpu.memory_space<hbm>> -> memref<1x4096xf32, #tpu.memory_space<hbm>>
    %dma_wait3A_286 = tpu.memref_squeeze %dma_wait3A_285 : memref<1x4096xf32, #tpu.memory_space<hbm>> -> memref<4096xf32, #tpu.memory_space<hbm>>
    %dma_wait3A_287 = arith.constant 0 : i32
    %dma_wait3A_288 = tpu.memref_slice %arg5[%add3A_16, %dma_wait3A_287] : memref<64x16384xf32, #tpu.memory_space<hbm>> -> memref<1x4096xf32, #tpu.memory_space<hbm>>
    %dma_wait3A_289 = tpu.memref_squeeze %dma_wait3A_288 : memref<1x4096xf32, #tpu.memory_space<hbm>> -> memref<4096xf32, #tpu.memory_space<hbm>>
    tpu.wait_dma2 semaphore(%arg13 : memref<!tpu.dma_semaphore, #tpu.memory_space<semaphore_mem>>) src(%arg10 : memref<4096xf32, #tpu.memory_space<vmem>>) dst(%dma_wait3A_289 : memref<4096xf32, #tpu.memory_space<hbm>>)
    %parallel_loop3A_290 = arith.constant 0 : i32
    %parallel_loop3A_291 = arith.constant 256 : i32
    %parallel_loop3A_292 = arith.constant 1 : i32
    scf.for %parallel_loop3A_622 = %parallel_loop3A_290 to %parallel_loop3A_291 step %parallel_loop3A_292  : i32 {
      %parallel_loop3A_623 = arith.constant 16 : i32
      %parallel_loop3A_624 = arith.muli %parallel_loop3A_622, %parallel_loop3A_623 : i32
      %parallel_loop3A_625 = arith.constant 8192 : i32
      %parallel_loop3A_626 = arith.addi %parallel_loop3A_625, %parallel_loop3A_624 : i32
      %parallel_loop3A_627 = arith.index_cast %parallel_loop3A_626 : i32 to index
      %parallel_loop3A_628 = tpu.vector_load %arg8[%parallel_loop3A_627] {strides = array<i32>} : memref<16384xi32, #tpu.memory_space<vmem>>, vector<16xi32>,
      %parallel_loop3A_629 = tpu.vector_load_idx %arg9[%parallel_loop3A_628] : memref<100000xf32, #tpu.memory_space<vmem>>[vector<16xi32>], vector<16xf32>,
      %parallel_loop3A_630 = arith.constant 16 : i32
      %parallel_loop3A_631 = arith.muli %parallel_loop3A_622, %parallel_loop3A_630 : i32
      %parallel_loop3A_632 = arith.index_cast %parallel_loop3A_631 : i32 to index
      %parallel_loop3A_633 = tpu.vector_load %arg10[%parallel_loop3A_632] {strides = array<i32>} : memref<4096xf32, #tpu.memory_space<vmem>>, vector<16xf32>,
      tpu.vector_store %arg10[%parallel_loop3A_632], %parallel_loop3A_629 {strides = array<i32>} : memref<4096xf32, #tpu.memory_space<vmem>>, vector<16xf32>,
    } {sc.loop_unroll_factor = 8 : i64, sc.parallel_access}
    %dma_start3A_293 = arith.constant 8192 : i32
    %dma_start3A_294 = tpu.memref_slice %arg5[%add3A_16, %dma_start3A_293] : memref<64x16384xf32, #tpu.memory_space<hbm>> -> memref<1x4096xf32, #tpu.memory_space<hbm>>
    %dma_start3A_295 = tpu.memref_squeeze %dma_start3A_294 : memref<1x4096xf32, #tpu.memory_space<hbm>> -> memref<4096xf32, #tpu.memory_space<hbm>>
    %dma_start3A_296 = arith.constant 8192 : i32
    %dma_start3A_297 = tpu.memref_slice %arg5[%add3A_16, %dma_start3A_296] : memref<64x16384xf32, #tpu.memory_space<hbm>> -> memref<1x4096xf32, #tpu.memory_space<hbm>>
    %dma_start3A_298 = tpu.memref_squeeze %dma_start3A_297 : memref<1x4096xf32, #tpu.memory_space<hbm>> -> memref<4096xf32, #tpu.memory_space<hbm>>
    tpu.enqueue_dma source(%arg10 : memref<4096xf32, #tpu.memory_space<vmem>>) target(%dma_start3A_298 : memref<4096xf32, #tpu.memory_space<hbm>>) target_semaphore(%arg13 : memref<!tpu.dma_semaphore, #tpu.memory_space<semaphore_mem>>)
    %dma_wait3A_299 = arith.constant 4096 : i32
    %dma_wait3A_300 = tpu.memref_slice %arg5[%add3A_16, %dma_wait3A_299] : memref<64x16384xf32, #tpu.memory_space<hbm>> -> memref<1x4096xf32, #tpu.memory_space<hbm>>
    %dma_wait3A_301 = tpu.memref_squeeze %dma_wait3A_300 : memref<1x4096xf32, #tpu.memory_space<hbm>> -> memref<4096xf32, #tpu.memory_space<hbm>>
    %dma_wait3A_302 = arith.constant 4096 : i32
    %dma_wait3A_303 = tpu.memref_slice %arg5[%add3A_16, %dma_wait3A_302] : memref<64x16384xf32, #tpu.memory_space<hbm>> -> memref<1x4096xf32, #tpu.memory_space<hbm>>
    %dma_wait3A_304 = tpu.memref_squeeze %dma_wait3A_303 : memref<1x4096xf32, #tpu.memory_space<hbm>> -> memref<4096xf32, #tpu.memory_space<hbm>>
    tpu.wait_dma2 semaphore(%arg14 : memref<!tpu.dma_semaphore, #tpu.memory_space<semaphore_mem>>) src(%arg11 : memref<4096xf32, #tpu.memory_space<vmem>>) dst(%dma_wait3A_304 : memref<4096xf32, #tpu.memory_space<hbm>>)
    %parallel_loop3A_305 = arith.constant 0 : i32
    %parallel_loop3A_306 = arith.constant 256 : i32
    %parallel_loop3A_307 = arith.constant 1 : i32
    scf.for %parallel_loop3A_622 = %parallel_loop3A_305 to %parallel_loop3A_306 step %parallel_loop3A_307  : i32 {
      %parallel_loop3A_623 = arith.constant 16 : i32
      %parallel_loop3A_624 = arith.muli %parallel_loop3A_622, %parallel_loop3A_623 : i32
      %parallel_loop3A_625 = arith.constant 12288 : i32
      %parallel_loop3A_626 = arith.addi %parallel_loop3A_625, %parallel_loop3A_624 : i32
      %parallel_loop3A_627 = arith.index_cast %parallel_loop3A_626 : i32 to index
      %parallel_loop3A_628 = tpu.vector_load %arg8[%parallel_loop3A_627] {strides = array<i32>} : memref<16384xi32, #tpu.memory_space<vmem>>, vector<16xi32>,
      %parallel_loop3A_629 = tpu.vector_load_idx %arg9[%parallel_loop3A_628] : memref<100000xf32, #tpu.memory_space<vmem>>[vector<16xi32>], vector<16xf32>,
      %parallel_loop3A_630 = arith.constant 16 : i32
      %parallel_loop3A_631 = arith.muli %parallel_loop3A_622, %parallel_loop3A_630 : i32
      %parallel_loop3A_632 = arith.index_cast %parallel_loop3A_631 : i32 to index
      %parallel_loop3A_633 = tpu.vector_load %arg11[%parallel_loop3A_632] {strides = array<i32>} : memref<4096xf32, #tpu.memory_space<vmem>>, vector<16xf32>,
      tpu.vector_store %arg11[%parallel_loop3A_632], %parallel_loop3A_629 {strides = array<i32>} : memref<4096xf32, #tpu.memory_space<vmem>>, vector<16xf32>,
    } {sc.loop_unroll_factor = 8 : i64, sc.parallel_access}
    %dma_start3A_308 = arith.constant 12288 : i32
    %dma_start3A_309 = tpu.memref_slice %arg5[%add3A_16, %dma_start3A_308] : memref<64x16384xf32, #tpu.memory_space<hbm>> -> memref<1x4096xf32, #tpu.memory_space<hbm>>
    %dma_start3A_310 = tpu.memref_squeeze %dma_start3A_309 : memref<1x4096xf32, #tpu.memory_space<hbm>> -> memref<4096xf32, #tpu.memory_space<hbm>>
    %dma_start3A_311 = arith.constant 12288 : i32
    %dma_start3A_312 = tpu.memref_slice %arg5[%add3A_16, %dma_start3A_311] : memref<64x16384xf32, #tpu.memory_space<hbm>> -> memref<1x4096xf32, #tpu.memory_space<hbm>>
    %dma_start3A_313 = tpu.memref_squeeze %dma_start3A_312 : memref<1x4096xf32, #tpu.memory_space<hbm>> -> memref<4096xf32, #tpu.memory_space<hbm>>
    tpu.enqueue_dma source(%arg11 : memref<4096xf32, #tpu.memory_space<vmem>>) target(%dma_start3A_313 : memref<4096xf32, #tpu.memory_space<hbm>>) target_semaphore(%arg14 : memref<!tpu.dma_semaphore, #tpu.memory_space<semaphore_mem>>)
    %add3A_314 = arith.constant 128 : i32
    %add3A_315 = arith.addi %add3A_314, %add3A_20 : i32
    %dma_start3A_316 = arith.constant 0 : i32
    %dma_start3A_317 = tpu.memref_slice %arg2[%add3A_315, %dma_start3A_316] : memref<256x100000xf32, #tpu.memory_space<hbm>> -> memref<1x100000xf32, #tpu.memory_space<hbm>>
    %dma_start3A_318 = tpu.memref_squeeze %dma_start3A_317 : memref<1x100000xf32, #tpu.memory_space<hbm>> -> memref<100000xf32, #tpu.memory_space<hbm>>
    %dma_start3A_319 = arith.constant 0 : i32
    %dma_start3A_320 = tpu.memref_slice %arg2[%add3A_315, %dma_start3A_319] : memref<256x100000xf32, #tpu.memory_space<hbm>> -> memref<1x100000xf32, #tpu.memory_space<hbm>>
    %dma_start3A_321 = tpu.memref_squeeze %dma_start3A_320 : memref<1x100000xf32, #tpu.memory_space<hbm>> -> memref<100000xf32, #tpu.memory_space<hbm>>
    tpu.enqueue_dma source(%dma_start3A_321 : memref<100000xf32, #tpu.memory_space<hbm>>) target(%arg9 : memref<100000xf32, #tpu.memory_space<vmem>>) target_semaphore(%arg12 : memref<!tpu.dma_semaphore, #tpu.memory_space<semaphore_mem>>)
    %dma_wait3A_322 = arith.constant 0 : i32
    %dma_wait3A_323 = tpu.memref_slice %arg2[%add3A_315, %dma_wait3A_322] : memref<256x100000xf32, #tpu.memory_space<hbm>> -> memref<1x100000xf32, #tpu.memory_space<hbm>>
    %dma_wait3A_324 = tpu.memref_squeeze %dma_wait3A_323 : memref<1x100000xf32, #tpu.memory_space<hbm>> -> memref<100000xf32, #tpu.memory_space<hbm>>
    %dma_wait3A_325 = arith.constant 0 : i32
    %dma_wait3A_326 = tpu.memref_slice %arg2[%add3A_315, %dma_wait3A_325] : memref<256x100000xf32, #tpu.memory_space<hbm>> -> memref<1x100000xf32, #tpu.memory_space<hbm>>
    %dma_wait3A_327 = tpu.memref_squeeze %dma_wait3A_326 : memref<1x100000xf32, #tpu.memory_space<hbm>> -> memref<100000xf32, #tpu.memory_space<hbm>>
    tpu.wait_dma2 semaphore(%arg12 : memref<!tpu.dma_semaphore, #tpu.memory_space<semaphore_mem>>) src(%dma_wait3A_327 : memref<100000xf32, #tpu.memory_space<hbm>>) dst(%arg9 : memref<100000xf32, #tpu.memory_space<vmem>>)
    %dma_wait3A_328 = arith.constant 8192 : i32
    %dma_wait3A_329 = tpu.memref_slice %arg5[%add3A_16, %dma_wait3A_328] : memref<64x16384xf32, #tpu.memory_space<hbm>> -> memref<1x4096xf32, #tpu.memory_space<hbm>>
    %dma_wait3A_330 = tpu.memref_squeeze %dma_wait3A_329 : memref<1x4096xf32, #tpu.memory_space<hbm>> -> memref<4096xf32, #tpu.memory_space<hbm>>
    %dma_wait3A_331 = arith.constant 8192 : i32
    %dma_wait3A_332 = tpu.memref_slice %arg5[%add3A_16, %dma_wait3A_331] : memref<64x16384xf32, #tpu.memory_space<hbm>> -> memref<1x4096xf32, #tpu.memory_space<hbm>>
    %dma_wait3A_333 = tpu.memref_squeeze %dma_wait3A_332 : memref<1x4096xf32, #tpu.memory_space<hbm>> -> memref<4096xf32, #tpu.memory_space<hbm>>
    tpu.wait_dma2 semaphore(%arg13 : memref<!tpu.dma_semaphore, #tpu.memory_space<semaphore_mem>>) src(%arg10 : memref<4096xf32, #tpu.memory_space<vmem>>) dst(%dma_wait3A_333 : memref<4096xf32, #tpu.memory_space<hbm>>)
    %parallel_loop3A_334 = arith.constant 0 : i32
    %parallel_loop3A_335 = arith.constant 256 : i32
    %parallel_loop3A_336 = arith.constant 1 : i32
    scf.for %parallel_loop3A_622 = %parallel_loop3A_334 to %parallel_loop3A_335 step %parallel_loop3A_336  : i32 {
      %parallel_loop3A_623 = arith.constant 16 : i32
      %parallel_loop3A_624 = arith.muli %parallel_loop3A_622, %parallel_loop3A_623 : i32
      %parallel_loop3A_625 = arith.constant 0 : i32
      %parallel_loop3A_626 = arith.addi %parallel_loop3A_625, %parallel_loop3A_624 : i32
      %parallel_loop3A_627 = arith.index_cast %parallel_loop3A_626 : i32 to index
      %parallel_loop3A_628 = tpu.vector_load %arg8[%parallel_loop3A_627] {strides = array<i32>} : memref<16384xi32, #tpu.memory_space<vmem>>, vector<16xi32>,
      %parallel_loop3A_629 = tpu.vector_load_idx %arg9[%parallel_loop3A_628] : memref<100000xf32, #tpu.memory_space<vmem>>[vector<16xi32>], vector<16xf32>,
      %parallel_loop3A_630 = arith.constant 16 : i32
      %parallel_loop3A_631 = arith.muli %parallel_loop3A_622, %parallel_loop3A_630 : i32
      %parallel_loop3A_632 = arith.index_cast %parallel_loop3A_631 : i32 to index
      %parallel_loop3A_633 = tpu.vector_load %arg10[%parallel_loop3A_632] {strides = array<i32>} : memref<4096xf32, #tpu.memory_space<vmem>>, vector<16xf32>,
      tpu.vector_store %arg10[%parallel_loop3A_632], %parallel_loop3A_629 {strides = array<i32>} : memref<4096xf32, #tpu.memory_space<vmem>>, vector<16xf32>,
    } {sc.loop_unroll_factor = 8 : i64, sc.parallel_access}
    %dma_start3A_337 = arith.constant 0 : i32
    %dma_start3A_338 = tpu.memref_slice %arg6[%add3A_20, %dma_start3A_337] : memref<64x16384xf32, #tpu.memory_space<hbm>> -> memref<1x4096xf32, #tpu.memory_space<hbm>>
    %dma_start3A_339 = tpu.memref_squeeze %dma_start3A_338 : memref<1x4096xf32, #tpu.memory_space<hbm>> -> memref<4096xf32, #tpu.memory_space<hbm>>
    %dma_start3A_340 = arith.constant 0 : i32
    %dma_start3A_341 = tpu.memref_slice %arg6[%add3A_20, %dma_start3A_340] : memref<64x16384xf32, #tpu.memory_space<hbm>> -> memref<1x4096xf32, #tpu.memory_space<hbm>>
    %dma_start3A_342 = tpu.memref_squeeze %dma_start3A_341 : memref<1x4096xf32, #tpu.memory_space<hbm>> -> memref<4096xf32, #tpu.memory_space<hbm>>
    tpu.enqueue_dma source(%arg10 : memref<4096xf32, #tpu.memory_space<vmem>>) target(%dma_start3A_342 : memref<4096xf32, #tpu.memory_space<hbm>>) target_semaphore(%arg13 : memref<!tpu.dma_semaphore, #tpu.memory_space<semaphore_mem>>)
    %dma_wait3A_343 = arith.constant 12288 : i32
    %dma_wait3A_344 = tpu.memref_slice %arg5[%add3A_16, %dma_wait3A_343] : memref<64x16384xf32, #tpu.memory_space<hbm>> -> memref<1x4096xf32, #tpu.memory_space<hbm>>
    %dma_wait3A_345 = tpu.memref_squeeze %dma_wait3A_344 : memref<1x4096xf32, #tpu.memory_space<hbm>> -> memref<4096xf32, #tpu.memory_space<hbm>>
    %dma_wait3A_346 = arith.constant 12288 : i32
    %dma_wait3A_347 = tpu.memref_slice %arg5[%add3A_16, %dma_wait3A_346] : memref<64x16384xf32, #tpu.memory_space<hbm>> -> memref<1x4096xf32, #tpu.memory_space<hbm>>
    %dma_wait3A_348 = tpu.memref_squeeze %dma_wait3A_347 : memref<1x4096xf32, #tpu.memory_space<hbm>> -> memref<4096xf32, #tpu.memory_space<hbm>>
    tpu.wait_dma2 semaphore(%arg14 : memref<!tpu.dma_semaphore, #tpu.memory_space<semaphore_mem>>) src(%arg11 : memref<4096xf32, #tpu.memory_space<vmem>>) dst(%dma_wait3A_348 : memref<4096xf32, #tpu.memory_space<hbm>>)
    %parallel_loop3A_349 = arith.constant 0 : i32
    %parallel_loop3A_350 = arith.constant 256 : i32
    %parallel_loop3A_351 = arith.constant 1 : i32
    scf.for %parallel_loop3A_622 = %parallel_loop3A_349 to %parallel_loop3A_350 step %parallel_loop3A_351  : i32 {
      %parallel_loop3A_623 = arith.constant 16 : i32
      %parallel_loop3A_624 = arith.muli %parallel_loop3A_622, %parallel_loop3A_623 : i32
      %parallel_loop3A_625 = arith.constant 4096 : i32
      %parallel_loop3A_626 = arith.addi %parallel_loop3A_625, %parallel_loop3A_624 : i32
      %parallel_loop3A_627 = arith.index_cast %parallel_loop3A_626 : i32 to index
      %parallel_loop3A_628 = tpu.vector_load %arg8[%parallel_loop3A_627] {strides = array<i32>} : memref<16384xi32, #tpu.memory_space<vmem>>, vector<16xi32>,
      %parallel_loop3A_629 = tpu.vector_load_idx %arg9[%parallel_loop3A_628] : memref<100000xf32, #tpu.memory_space<vmem>>[vector<16xi32>], vector<16xf32>,
      %parallel_loop3A_630 = arith.constant 16 : i32
      %parallel_loop3A_631 = arith.muli %parallel_loop3A_622, %parallel_loop3A_630 : i32
      %parallel_loop3A_632 = arith.index_cast %parallel_loop3A_631 : i32 to index
      %parallel_loop3A_633 = tpu.vector_load %arg11[%parallel_loop3A_632] {strides = array<i32>} : memref<4096xf32, #tpu.memory_space<vmem>>, vector<16xf32>,
      tpu.vector_store %arg11[%parallel_loop3A_632], %parallel_loop3A_629 {strides = array<i32>} : memref<4096xf32, #tpu.memory_space<vmem>>, vector<16xf32>,
    } {sc.loop_unroll_factor = 8 : i64, sc.parallel_access}
    %dma_start3A_352 = arith.constant 4096 : i32
    %dma_start3A_353 = tpu.memref_slice %arg6[%add3A_20, %dma_start3A_352] : memref<64x16384xf32, #tpu.memory_space<hbm>> -> memref<1x4096xf32, #tpu.memory_space<hbm>>
    %dma_start3A_354 = tpu.memref_squeeze %dma_start3A_353 : memref<1x4096xf32, #tpu.memory_space<hbm>> -> memref<4096xf32, #tpu.memory_space<hbm>>
    %dma_start3A_355 = arith.constant 4096 : i32
    %dma_start3A_356 = tpu.memref_slice %arg6[%add3A_20, %dma_start3A_355] : memref<64x16384xf32, #tpu.memory_space<hbm>> -> memref<1x4096xf32, #tpu.memory_space<hbm>>
    %dma_start3A_357 = tpu.memref_squeeze %dma_start3A_356 : memref<1x4096xf32, #tpu.memory_space<hbm>> -> memref<4096xf32, #tpu.memory_space<hbm>>
    tpu.enqueue_dma source(%arg11 : memref<4096xf32, #tpu.memory_space<vmem>>) target(%dma_start3A_357 : memref<4096xf32, #tpu.memory_space<hbm>>) target_semaphore(%arg14 : memref<!tpu.dma_semaphore, #tpu.memory_space<semaphore_mem>>)
    %dma_wait3A_358 = arith.constant 0 : i32
    %dma_wait3A_359 = tpu.memref_slice %arg6[%add3A_20, %dma_wait3A_358] : memref<64x16384xf32, #tpu.memory_space<hbm>> -> memref<1x4096xf32, #tpu.memory_space<hbm>>
    %dma_wait3A_360 = tpu.memref_squeeze %dma_wait3A_359 : memref<1x4096xf32, #tpu.memory_space<hbm>> -> memref<4096xf32, #tpu.memory_space<hbm>>
    %dma_wait3A_361 = arith.constant 0 : i32
    %dma_wait3A_362 = tpu.memref_slice %arg6[%add3A_20, %dma_wait3A_361] : memref<64x16384xf32, #tpu.memory_space<hbm>> -> memref<1x4096xf32, #tpu.memory_space<hbm>>
    %dma_wait3A_363 = tpu.memref_squeeze %dma_wait3A_362 : memref<1x4096xf32, #tpu.memory_space<hbm>> -> memref<4096xf32, #tpu.memory_space<hbm>>
    tpu.wait_dma2 semaphore(%arg13 : memref<!tpu.dma_semaphore, #tpu.memory_space<semaphore_mem>>) src(%arg10 : memref<4096xf32, #tpu.memory_space<vmem>>) dst(%dma_wait3A_363 : memref<4096xf32, #tpu.memory_space<hbm>>)
    %parallel_loop3A_364 = arith.constant 0 : i32
    %parallel_loop3A_365 = arith.constant 256 : i32
    %parallel_loop3A_366 = arith.constant 1 : i32
    scf.for %parallel_loop3A_622 = %parallel_loop3A_364 to %parallel_loop3A_365 step %parallel_loop3A_366  : i32 {
      %parallel_loop3A_623 = arith.constant 16 : i32
      %parallel_loop3A_624 = arith.muli %parallel_loop3A_622, %parallel_loop3A_623 : i32
      %parallel_loop3A_625 = arith.constant 8192 : i32
      %parallel_loop3A_626 = arith.addi %parallel_loop3A_625, %parallel_loop3A_624 : i32
      %parallel_loop3A_627 = arith.index_cast %parallel_loop3A_626 : i32 to index
      %parallel_loop3A_628 = tpu.vector_load %arg8[%parallel_loop3A_627] {strides = array<i32>} : memref<16384xi32, #tpu.memory_space<vmem>>, vector<16xi32>,
      %parallel_loop3A_629 = tpu.vector_load_idx %arg9[%parallel_loop3A_628] : memref<100000xf32, #tpu.memory_space<vmem>>[vector<16xi32>], vector<16xf32>,
      %parallel_loop3A_630 = arith.constant 16 : i32
      %parallel_loop3A_631 = arith.muli %parallel_loop3A_622, %parallel_loop3A_630 : i32
      %parallel_loop3A_632 = arith.index_cast %parallel_loop3A_631 : i32 to index
      %parallel_loop3A_633 = tpu.vector_load %arg10[%parallel_loop3A_632] {strides = array<i32>} : memref<4096xf32, #tpu.memory_space<vmem>>, vector<16xf32>,
      tpu.vector_store %arg10[%parallel_loop3A_632], %parallel_loop3A_629 {strides = array<i32>} : memref<4096xf32, #tpu.memory_space<vmem>>, vector<16xf32>,
    } {sc.loop_unroll_factor = 8 : i64, sc.parallel_access}
    %dma_start3A_367 = arith.constant 8192 : i32
    %dma_start3A_368 = tpu.memref_slice %arg6[%add3A_20, %dma_start3A_367] : memref<64x16384xf32, #tpu.memory_space<hbm>> -> memref<1x4096xf32, #tpu.memory_space<hbm>>
    %dma_start3A_369 = tpu.memref_squeeze %dma_start3A_368 : memref<1x4096xf32, #tpu.memory_space<hbm>> -> memref<4096xf32, #tpu.memory_space<hbm>>
    %dma_start3A_370 = arith.constant 8192 : i32
    %dma_start3A_371 = tpu.memref_slice %arg6[%add3A_20, %dma_start3A_370] : memref<64x16384xf32, #tpu.memory_space<hbm>> -> memref<1x4096xf32, #tpu.memory_space<hbm>>
    %dma_start3A_372 = tpu.memref_squeeze %dma_start3A_371 : memref<1x4096xf32, #tpu.memory_space<hbm>> -> memref<4096xf32, #tpu.memory_space<hbm>>
    tpu.enqueue_dma source(%arg10 : memref<4096xf32, #tpu.memory_space<vmem>>) target(%dma_start3A_372 : memref<4096xf32, #tpu.memory_space<hbm>>) target_semaphore(%arg13 : memref<!tpu.dma_semaphore, #tpu.memory_space<semaphore_mem>>)
    %dma_wait3A_373 = arith.constant 4096 : i32
    %dma_wait3A_374 = tpu.memref_slice %arg6[%add3A_20, %dma_wait3A_373] : memref<64x16384xf32, #tpu.memory_space<hbm>> -> memref<1x4096xf32, #tpu.memory_space<hbm>>
    %dma_wait3A_375 = tpu.memref_squeeze %dma_wait3A_374 : memref<1x4096xf32, #tpu.memory_space<hbm>> -> memref<4096xf32, #tpu.memory_space<hbm>>
    %dma_wait3A_376 = arith.constant 4096 : i32
    %dma_wait3A_377 = tpu.memref_slice %arg6[%add3A_20, %dma_wait3A_376] : memref<64x16384xf32, #tpu.memory_space<hbm>> -> memref<1x4096xf32, #tpu.memory_space<hbm>>
    %dma_wait3A_378 = tpu.memref_squeeze %dma_wait3A_377 : memref<1x4096xf32, #tpu.memory_space<hbm>> -> memref<4096xf32, #tpu.memory_space<hbm>>
    tpu.wait_dma2 semaphore(%arg14 : memref<!tpu.dma_semaphore, #tpu.memory_space<semaphore_mem>>) src(%arg11 : memref<4096xf32, #tpu.memory_space<vmem>>) dst(%dma_wait3A_378 : memref<4096xf32, #tpu.memory_space<hbm>>)
    %parallel_loop3A_379 = arith.constant 0 : i32
    %parallel_loop3A_380 = arith.constant 256 : i32
    %parallel_loop3A_381 = arith.constant 1 : i32
    scf.for %parallel_loop3A_622 = %parallel_loop3A_379 to %parallel_loop3A_380 step %parallel_loop3A_381  : i32 {
      %parallel_loop3A_623 = arith.constant 16 : i32
      %parallel_loop3A_624 = arith.muli %parallel_loop3A_622, %parallel_loop3A_623 : i32
      %parallel_loop3A_625 = arith.constant 12288 : i32
      %parallel_loop3A_626 = arith.addi %parallel_loop3A_625, %parallel_loop3A_624 : i32
      %parallel_loop3A_627 = arith.index_cast %parallel_loop3A_626 : i32 to index
      %parallel_loop3A_628 = tpu.vector_load %arg8[%parallel_loop3A_627] {strides = array<i32>} : memref<16384xi32, #tpu.memory_space<vmem>>, vector<16xi32>,
      %parallel_loop3A_629 = tpu.vector_load_idx %arg9[%parallel_loop3A_628] : memref<100000xf32, #tpu.memory_space<vmem>>[vector<16xi32>], vector<16xf32>,
      %parallel_loop3A_630 = arith.constant 16 : i32
      %parallel_loop3A_631 = arith.muli %parallel_loop3A_622, %parallel_loop3A_630 : i32
      %parallel_loop3A_632 = arith.index_cast %parallel_loop3A_631 : i32 to index
      %parallel_loop3A_633 = tpu.vector_load %arg11[%parallel_loop3A_632] {strides = array<i32>} : memref<4096xf32, #tpu.memory_space<vmem>>, vector<16xf32>,
      tpu.vector_store %arg11[%parallel_loop3A_632], %parallel_loop3A_629 {strides = array<i32>} : memref<4096xf32, #tpu.memory_space<vmem>>, vector<16xf32>,
    } {sc.loop_unroll_factor = 8 : i64, sc.parallel_access}
    %dma_start3A_382 = arith.constant 12288 : i32
    %dma_start3A_383 = tpu.memref_slice %arg6[%add3A_20, %dma_start3A_382] : memref<64x16384xf32, #tpu.memory_space<hbm>> -> memref<1x4096xf32, #tpu.memory_space<hbm>>
    %dma_start3A_384 = tpu.memref_squeeze %dma_start3A_383 : memref<1x4096xf32, #tpu.memory_space<hbm>> -> memref<4096xf32, #tpu.memory_space<hbm>>
    %dma_start3A_385 = arith.constant 12288 : i32
    %dma_start3A_386 = tpu.memref_slice %arg6[%add3A_20, %dma_start3A_385] : memref<64x16384xf32, #tpu.memory_space<hbm>> -> memref<1x4096xf32, #tpu.memory_space<hbm>>
    %dma_start3A_387 = tpu.memref_squeeze %dma_start3A_386 : memref<1x4096xf32, #tpu.memory_space<hbm>> -> memref<4096xf32, #tpu.memory_space<hbm>>
    tpu.enqueue_dma source(%arg11 : memref<4096xf32, #tpu.memory_space<vmem>>) target(%dma_start3A_387 : memref<4096xf32, #tpu.memory_space<hbm>>) target_semaphore(%arg14 : memref<!tpu.dma_semaphore, #tpu.memory_space<semaphore_mem>>)
    %add3A_388 = arith.constant 128 : i32
    %add3A_389 = arith.addi %add3A_388, %add3A_24 : i32
    %dma_start3A_390 = arith.constant 0 : i32
    %dma_start3A_391 = tpu.memref_slice %arg2[%add3A_389, %dma_start3A_390] : memref<256x100000xf32, #tpu.memory_space<hbm>> -> memref<1x100000xf32, #tpu.memory_space<hbm>>
    %dma_start3A_392 = tpu.memref_squeeze %dma_start3A_391 : memref<1x100000xf32, #tpu.memory_space<hbm>> -> memref<100000xf32, #tpu.memory_space<hbm>>
    %dma_start3A_393 = arith.constant 0 : i32
    %dma_start3A_394 = tpu.memref_slice %arg2[%add3A_389, %dma_start3A_393] : memref<256x100000xf32, #tpu.memory_space<hbm>> -> memref<1x100000xf32, #tpu.memory_space<hbm>>
    %dma_start3A_395 = tpu.memref_squeeze %dma_start3A_394 : memref<1x100000xf32, #tpu.memory_space<hbm>> -> memref<100000xf32, #tpu.memory_space<hbm>>
    tpu.enqueue_dma source(%dma_start3A_395 : memref<100000xf32, #tpu.memory_space<hbm>>) target(%arg9 : memref<100000xf32, #tpu.memory_space<vmem>>) target_semaphore(%arg12 : memref<!tpu.dma_semaphore, #tpu.memory_space<semaphore_mem>>)
    %dma_wait3A_396 = arith.constant 0 : i32
    %dma_wait3A_397 = tpu.memref_slice %arg2[%add3A_389, %dma_wait3A_396] : memref<256x100000xf32, #tpu.memory_space<hbm>> -> memref<1x100000xf32, #tpu.memory_space<hbm>>
    %dma_wait3A_398 = tpu.memref_squeeze %dma_wait3A_397 : memref<1x100000xf32, #tpu.memory_space<hbm>> -> memref<100000xf32, #tpu.memory_space<hbm>>
    %dma_wait3A_399 = arith.constant 0 : i32
    %dma_wait3A_400 = tpu.memref_slice %arg2[%add3A_389, %dma_wait3A_399] : memref<256x100000xf32, #tpu.memory_space<hbm>> -> memref<1x100000xf32, #tpu.memory_space<hbm>>
    %dma_wait3A_401 = tpu.memref_squeeze %dma_wait3A_400 : memref<1x100000xf32, #tpu.memory_space<hbm>> -> memref<100000xf32, #tpu.memory_space<hbm>>
    tpu.wait_dma2 semaphore(%arg12 : memref<!tpu.dma_semaphore, #tpu.memory_space<semaphore_mem>>) src(%dma_wait3A_401 : memref<100000xf32, #tpu.memory_space<hbm>>) dst(%arg9 : memref<100000xf32, #tpu.memory_space<vmem>>)
    %dma_wait3A_402 = arith.constant 8192 : i32
    %dma_wait3A_403 = tpu.memref_slice %arg6[%add3A_20, %dma_wait3A_402] : memref<64x16384xf32, #tpu.memory_space<hbm>> -> memref<1x4096xf32, #tpu.memory_space<hbm>>
    %dma_wait3A_404 = tpu.memref_squeeze %dma_wait3A_403 : memref<1x4096xf32, #tpu.memory_space<hbm>> -> memref<4096xf32, #tpu.memory_space<hbm>>
    %dma_wait3A_405 = arith.constant 8192 : i32
    %dma_wait3A_406 = tpu.memref_slice %arg6[%add3A_20, %dma_wait3A_405] : memref<64x16384xf32, #tpu.memory_space<hbm>> -> memref<1x4096xf32, #tpu.memory_space<hbm>>
    %dma_wait3A_407 = tpu.memref_squeeze %dma_wait3A_406 : memref<1x4096xf32, #tpu.memory_space<hbm>> -> memref<4096xf32, #tpu.memory_space<hbm>>
    tpu.wait_dma2 semaphore(%arg13 : memref<!tpu.dma_semaphore, #tpu.memory_space<semaphore_mem>>) src(%arg10 : memref<4096xf32, #tpu.memory_space<vmem>>) dst(%dma_wait3A_407 : memref<4096xf32, #tpu.memory_space<hbm>>)
    %parallel_loop3A_408 = arith.constant 0 : i32
    %parallel_loop3A_409 = arith.constant 256 : i32
    %parallel_loop3A_410 = arith.constant 1 : i32
    scf.for %parallel_loop3A_622 = %parallel_loop3A_408 to %parallel_loop3A_409 step %parallel_loop3A_410  : i32 {
      %parallel_loop3A_623 = arith.constant 16 : i32
      %parallel_loop3A_624 = arith.muli %parallel_loop3A_622, %parallel_loop3A_623 : i32
      %parallel_loop3A_625 = arith.constant 0 : i32
      %parallel_loop3A_626 = arith.addi %parallel_loop3A_625, %parallel_loop3A_624 : i32
      %parallel_loop3A_627 = arith.index_cast %parallel_loop3A_626 : i32 to index
      %parallel_loop3A_628 = tpu.vector_load %arg8[%parallel_loop3A_627] {strides = array<i32>} : memref<16384xi32, #tpu.memory_space<vmem>>, vector<16xi32>,
      %parallel_loop3A_629 = tpu.vector_load_idx %arg9[%parallel_loop3A_628] : memref<100000xf32, #tpu.memory_space<vmem>>[vector<16xi32>], vector<16xf32>,
      %parallel_loop3A_630 = arith.constant 16 : i32
      %parallel_loop3A_631 = arith.muli %parallel_loop3A_622, %parallel_loop3A_630 : i32
      %parallel_loop3A_632 = arith.index_cast %parallel_loop3A_631 : i32 to index
      %parallel_loop3A_633 = tpu.vector_load %arg10[%parallel_loop3A_632] {strides = array<i32>} : memref<4096xf32, #tpu.memory_space<vmem>>, vector<16xf32>,
      tpu.vector_store %arg10[%parallel_loop3A_632], %parallel_loop3A_629 {strides = array<i32>} : memref<4096xf32, #tpu.memory_space<vmem>>, vector<16xf32>,
    } {sc.loop_unroll_factor = 8 : i64, sc.parallel_access}
    %dma_start3A_411 = arith.constant 0 : i32
    %dma_start3A_412 = tpu.memref_slice %arg6[%add3A_24, %dma_start3A_411] : memref<64x16384xf32, #tpu.memory_space<hbm>> -> memref<1x4096xf32, #tpu.memory_space<hbm>>
    %dma_start3A_413 = tpu.memref_squeeze %dma_start3A_412 : memref<1x4096xf32, #tpu.memory_space<hbm>> -> memref<4096xf32, #tpu.memory_space<hbm>>
    %dma_start3A_414 = arith.constant 0 : i32
    %dma_start3A_415 = tpu.memref_slice %arg6[%add3A_24, %dma_start3A_414] : memref<64x16384xf32, #tpu.memory_space<hbm>> -> memref<1x4096xf32, #tpu.memory_space<hbm>>
    %dma_start3A_416 = tpu.memref_squeeze %dma_start3A_415 : memref<1x4096xf32, #tpu.memory_space<hbm>> -> memref<4096xf32, #tpu.memory_space<hbm>>
    tpu.enqueue_dma source(%arg10 : memref<4096xf32, #tpu.memory_space<vmem>>) target(%dma_start3A_416 : memref<4096xf32, #tpu.memory_space<hbm>>) target_semaphore(%arg13 : memref<!tpu.dma_semaphore, #tpu.memory_space<semaphore_mem>>)
    %dma_wait3A_417 = arith.constant 12288 : i32
    %dma_wait3A_418 = tpu.memref_slice %arg6[%add3A_20, %dma_wait3A_417] : memref<64x16384xf32, #tpu.memory_space<hbm>> -> memref<1x4096xf32, #tpu.memory_space<hbm>>
    %dma_wait3A_419 = tpu.memref_squeeze %dma_wait3A_418 : memref<1x4096xf32, #tpu.memory_space<hbm>> -> memref<4096xf32, #tpu.memory_space<hbm>>
    %dma_wait3A_420 = arith.constant 12288 : i32
    %dma_wait3A_421 = tpu.memref_slice %arg6[%add3A_20, %dma_wait3A_420] : memref<64x16384xf32, #tpu.memory_space<hbm>> -> memref<1x4096xf32, #tpu.memory_space<hbm>>
    %dma_wait3A_422 = tpu.memref_squeeze %dma_wait3A_421 : memref<1x4096xf32, #tpu.memory_space<hbm>> -> memref<4096xf32, #tpu.memory_space<hbm>>
    tpu.wait_dma2 semaphore(%arg14 : memref<!tpu.dma_semaphore, #tpu.memory_space<semaphore_mem>>) src(%arg11 : memref<4096xf32, #tpu.memory_space<vmem>>) dst(%dma_wait3A_422 : memref<4096xf32, #tpu.memory_space<hbm>>)
    %parallel_loop3A_423 = arith.constant 0 : i32
    %parallel_loop3A_424 = arith.constant 256 : i32
    %parallel_loop3A_425 = arith.constant 1 : i32
    scf.for %parallel_loop3A_622 = %parallel_loop3A_423 to %parallel_loop3A_424 step %parallel_loop3A_425  : i32 {
      %parallel_loop3A_623 = arith.constant 16 : i32
      %parallel_loop3A_624 = arith.muli %parallel_loop3A_622, %parallel_loop3A_623 : i32
      %parallel_loop3A_625 = arith.constant 4096 : i32
      %parallel_loop3A_626 = arith.addi %parallel_loop3A_625, %parallel_loop3A_624 : i32
      %parallel_loop3A_627 = arith.index_cast %parallel_loop3A_626 : i32 to index
      %parallel_loop3A_628 = tpu.vector_load %arg8[%parallel_loop3A_627] {strides = array<i32>} : memref<16384xi32, #tpu.memory_space<vmem>>, vector<16xi32>,
      %parallel_loop3A_629 = tpu.vector_load_idx %arg9[%parallel_loop3A_628] : memref<100000xf32, #tpu.memory_space<vmem>>[vector<16xi32>], vector<16xf32>,
      %parallel_loop3A_630 = arith.constant 16 : i32
      %parallel_loop3A_631 = arith.muli %parallel_loop3A_622, %parallel_loop3A_630 : i32
      %parallel_loop3A_632 = arith.index_cast %parallel_loop3A_631 : i32 to index
      %parallel_loop3A_633 = tpu.vector_load %arg11[%parallel_loop3A_632] {strides = array<i32>} : memref<4096xf32, #tpu.memory_space<vmem>>, vector<16xf32>,
      tpu.vector_store %arg11[%parallel_loop3A_632], %parallel_loop3A_629 {strides = array<i32>} : memref<4096xf32, #tpu.memory_space<vmem>>, vector<16xf32>,
    } {sc.loop_unroll_factor = 8 : i64, sc.parallel_access}
    %dma_start3A_426 = arith.constant 4096 : i32
    %dma_start3A_427 = tpu.memref_slice %arg6[%add3A_24, %dma_start3A_426] : memref<64x16384xf32, #tpu.memory_space<hbm>> -> memref<1x4096xf32, #tpu.memory_space<hbm>>
    %dma_start3A_428 = tpu.memref_squeeze %dma_start3A_427 : memref<1x4096xf32, #tpu.memory_space<hbm>> -> memref<4096xf32, #tpu.memory_space<hbm>>
    %dma_start3A_429 = arith.constant 4096 : i32
    %dma_start3A_430 = tpu.memref_slice %arg6[%add3A_24, %dma_start3A_429] : memref<64x16384xf32, #tpu.memory_space<hbm>> -> memref<1x4096xf32, #tpu.memory_space<hbm>>
    %dma_start3A_431 = tpu.memref_squeeze %dma_start3A_430 : memref<1x4096xf32, #tpu.memory_space<hbm>> -> memref<4096xf32, #tpu.memory_space<hbm>>
    tpu.enqueue_dma source(%arg11 : memref<4096xf32, #tpu.memory_space<vmem>>) target(%dma_start3A_431 : memref<4096xf32, #tpu.memory_space<hbm>>) target_semaphore(%arg14 : memref<!tpu.dma_semaphore, #tpu.memory_space<semaphore_mem>>)
    %dma_wait3A_432 = arith.constant 0 : i32
    %dma_wait3A_433 = tpu.memref_slice %arg6[%add3A_24, %dma_wait3A_432] : memref<64x16384xf32, #tpu.memory_space<hbm>> -> memref<1x4096xf32, #tpu.memory_space<hbm>>
    %dma_wait3A_434 = tpu.memref_squeeze %dma_wait3A_433 : memref<1x4096xf32, #tpu.memory_space<hbm>> -> memref<4096xf32, #tpu.memory_space<hbm>>
    %dma_wait3A_435 = arith.constant 0 : i32
    %dma_wait3A_436 = tpu.memref_slice %arg6[%add3A_24, %dma_wait3A_435] : memref<64x16384xf32, #tpu.memory_space<hbm>> -> memref<1x4096xf32, #tpu.memory_space<hbm>>
    %dma_wait3A_437 = tpu.memref_squeeze %dma_wait3A_436 : memref<1x4096xf32, #tpu.memory_space<hbm>> -> memref<4096xf32, #tpu.memory_space<hbm>>
    tpu.wait_dma2 semaphore(%arg13 : memref<!tpu.dma_semaphore, #tpu.memory_space<semaphore_mem>>) src(%arg10 : memref<4096xf32, #tpu.memory_space<vmem>>) dst(%dma_wait3A_437 : memref<4096xf32, #tpu.memory_space<hbm>>)
    %parallel_loop3A_438 = arith.constant 0 : i32
    %parallel_loop3A_439 = arith.constant 256 : i32
    %parallel_loop3A_440 = arith.constant 1 : i32
    scf.for %parallel_loop3A_622 = %parallel_loop3A_438 to %parallel_loop3A_439 step %parallel_loop3A_440  : i32 {
      %parallel_loop3A_623 = arith.constant 16 : i32
      %parallel_loop3A_624 = arith.muli %parallel_loop3A_622, %parallel_loop3A_623 : i32
      %parallel_loop3A_625 = arith.constant 8192 : i32
      %parallel_loop3A_626 = arith.addi %parallel_loop3A_625, %parallel_loop3A_624 : i32
      %parallel_loop3A_627 = arith.index_cast %parallel_loop3A_626 : i32 to index
      %parallel_loop3A_628 = tpu.vector_load %arg8[%parallel_loop3A_627] {strides = array<i32>} : memref<16384xi32, #tpu.memory_space<vmem>>, vector<16xi32>,
      %parallel_loop3A_629 = tpu.vector_load_idx %arg9[%parallel_loop3A_628] : memref<100000xf32, #tpu.memory_space<vmem>>[vector<16xi32>], vector<16xf32>,
      %parallel_loop3A_630 = arith.constant 16 : i32
      %parallel_loop3A_631 = arith.muli %parallel_loop3A_622, %parallel_loop3A_630 : i32
      %parallel_loop3A_632 = arith.index_cast %parallel_loop3A_631 : i32 to index
      %parallel_loop3A_633 = tpu.vector_load %arg10[%parallel_loop3A_632] {strides = array<i32>} : memref<4096xf32, #tpu.memory_space<vmem>>, vector<16xf32>,
      tpu.vector_store %arg10[%parallel_loop3A_632], %parallel_loop3A_629 {strides = array<i32>} : memref<4096xf32, #tpu.memory_space<vmem>>, vector<16xf32>,
    } {sc.loop_unroll_factor = 8 : i64, sc.parallel_access}
    %dma_start3A_441 = arith.constant 8192 : i32
    %dma_start3A_442 = tpu.memref_slice %arg6[%add3A_24, %dma_start3A_441] : memref<64x16384xf32, #tpu.memory_space<hbm>> -> memref<1x4096xf32, #tpu.memory_space<hbm>>
    %dma_start3A_443 = tpu.memref_squeeze %dma_start3A_442 : memref<1x4096xf32, #tpu.memory_space<hbm>> -> memref<4096xf32, #tpu.memory_space<hbm>>
    %dma_start3A_444 = arith.constant 8192 : i32
    %dma_start3A_445 = tpu.memref_slice %arg6[%add3A_24, %dma_start3A_444] : memref<64x16384xf32, #tpu.memory_space<hbm>> -> memref<1x4096xf32, #tpu.memory_space<hbm>>
    %dma_start3A_446 = tpu.memref_squeeze %dma_start3A_445 : memref<1x4096xf32, #tpu.memory_space<hbm>> -> memref<4096xf32, #tpu.memory_space<hbm>>
    tpu.enqueue_dma source(%arg10 : memref<4096xf32, #tpu.memory_space<vmem>>) target(%dma_start3A_446 : memref<4096xf32, #tpu.memory_space<hbm>>) target_semaphore(%arg13 : memref<!tpu.dma_semaphore, #tpu.memory_space<semaphore_mem>>)
    %dma_wait3A_447 = arith.constant 4096 : i32
    %dma_wait3A_448 = tpu.memref_slice %arg6[%add3A_24, %dma_wait3A_447] : memref<64x16384xf32, #tpu.memory_space<hbm>> -> memref<1x4096xf32, #tpu.memory_space<hbm>>
    %dma_wait3A_449 = tpu.memref_squeeze %dma_wait3A_448 : memref<1x4096xf32, #tpu.memory_space<hbm>> -> memref<4096xf32, #tpu.memory_space<hbm>>
    %dma_wait3A_450 = arith.constant 4096 : i32
    %dma_wait3A_451 = tpu.memref_slice %arg6[%add3A_24, %dma_wait3A_450] : memref<64x16384xf32, #tpu.memory_space<hbm>> -> memref<1x4096xf32, #tpu.memory_space<hbm>>
    %dma_wait3A_452 = tpu.memref_squeeze %dma_wait3A_451 : memref<1x4096xf32, #tpu.memory_space<hbm>> -> memref<4096xf32, #tpu.memory_space<hbm>>
    tpu.wait_dma2 semaphore(%arg14 : memref<!tpu.dma_semaphore, #tpu.memory_space<semaphore_mem>>) src(%arg11 : memref<4096xf32, #tpu.memory_space<vmem>>) dst(%dma_wait3A_452 : memref<4096xf32, #tpu.memory_space<hbm>>)
    %parallel_loop3A_453 = arith.constant 0 : i32
    %parallel_loop3A_454 = arith.constant 256 : i32
    %parallel_loop3A_455 = arith.constant 1 : i32
    scf.for %parallel_loop3A_622 = %parallel_loop3A_453 to %parallel_loop3A_454 step %parallel_loop3A_455  : i32 {
      %parallel_loop3A_623 = arith.constant 16 : i32
      %parallel_loop3A_624 = arith.muli %parallel_loop3A_622, %parallel_loop3A_623 : i32
      %parallel_loop3A_625 = arith.constant 12288 : i32
      %parallel_loop3A_626 = arith.addi %parallel_loop3A_625, %parallel_loop3A_624 : i32
      %parallel_loop3A_627 = arith.index_cast %parallel_loop3A_626 : i32 to index
      %parallel_loop3A_628 = tpu.vector_load %arg8[%parallel_loop3A_627] {strides = array<i32>} : memref<16384xi32, #tpu.memory_space<vmem>>, vector<16xi32>,
      %parallel_loop3A_629 = tpu.vector_load_idx %arg9[%parallel_loop3A_628] : memref<100000xf32, #tpu.memory_space<vmem>>[vector<16xi32>], vector<16xf32>,
      %parallel_loop3A_630 = arith.constant 16 : i32
      %parallel_loop3A_631 = arith.muli %parallel_loop3A_622, %parallel_loop3A_630 : i32
      %parallel_loop3A_632 = arith.index_cast %parallel_loop3A_631 : i32 to index
      %parallel_loop3A_633 = tpu.vector_load %arg11[%parallel_loop3A_632] {strides = array<i32>} : memref<4096xf32, #tpu.memory_space<vmem>>, vector<16xf32>,
      tpu.vector_store %arg11[%parallel_loop3A_632], %parallel_loop3A_629 {strides = array<i32>} : memref<4096xf32, #tpu.memory_space<vmem>>, vector<16xf32>,
    } {sc.loop_unroll_factor = 8 : i64, sc.parallel_access}
    %dma_start3A_456 = arith.constant 12288 : i32
    %dma_start3A_457 = tpu.memref_slice %arg6[%add3A_24, %dma_start3A_456] : memref<64x16384xf32, #tpu.memory_space<hbm>> -> memref<1x4096xf32, #tpu.memory_space<hbm>>
    %dma_start3A_458 = tpu.memref_squeeze %dma_start3A_457 : memref<1x4096xf32, #tpu.memory_space<hbm>> -> memref<4096xf32, #tpu.memory_space<hbm>>
    %dma_start3A_459 = arith.constant 12288 : i32
    %dma_start3A_460 = tpu.memref_slice %arg6[%add3A_24, %dma_start3A_459] : memref<64x16384xf32, #tpu.memory_space<hbm>> -> memref<1x4096xf32, #tpu.memory_space<hbm>>
    %dma_start3A_461 = tpu.memref_squeeze %dma_start3A_460 : memref<1x4096xf32, #tpu.memory_space<hbm>> -> memref<4096xf32, #tpu.memory_space<hbm>>
    tpu.enqueue_dma source(%arg11 : memref<4096xf32, #tpu.memory_space<vmem>>) target(%dma_start3A_461 : memref<4096xf32, #tpu.memory_space<hbm>>) target_semaphore(%arg14 : memref<!tpu.dma_semaphore, #tpu.memory_space<semaphore_mem>>)
    %add3A_462 = arith.constant 192 : i32
    %add3A_463 = arith.addi %add3A_462, %add3A_28 : i32
    %dma_start3A_464 = arith.constant 0 : i32
    %dma_start3A_465 = tpu.memref_slice %arg2[%add3A_463, %dma_start3A_464] : memref<256x100000xf32, #tpu.memory_space<hbm>> -> memref<1x100000xf32, #tpu.memory_space<hbm>>
    %dma_start3A_466 = tpu.memref_squeeze %dma_start3A_465 : memref<1x100000xf32, #tpu.memory_space<hbm>> -> memref<100000xf32, #tpu.memory_space<hbm>>
    %dma_start3A_467 = arith.constant 0 : i32
    %dma_start3A_468 = tpu.memref_slice %arg2[%add3A_463, %dma_start3A_467] : memref<256x100000xf32, #tpu.memory_space<hbm>> -> memref<1x100000xf32, #tpu.memory_space<hbm>>
    %dma_start3A_469 = tpu.memref_squeeze %dma_start3A_468 : memref<1x100000xf32, #tpu.memory_space<hbm>> -> memref<100000xf32, #tpu.memory_space<hbm>>
    tpu.enqueue_dma source(%dma_start3A_469 : memref<100000xf32, #tpu.memory_space<hbm>>) target(%arg9 : memref<100000xf32, #tpu.memory_space<vmem>>) target_semaphore(%arg12 : memref<!tpu.dma_semaphore, #tpu.memory_space<semaphore_mem>>)
    %dma_wait3A_470 = arith.constant 0 : i32
    %dma_wait3A_471 = tpu.memref_slice %arg2[%add3A_463, %dma_wait3A_470] : memref<256x100000xf32, #tpu.memory_space<hbm>> -> memref<1x100000xf32, #tpu.memory_space<hbm>>
    %dma_wait3A_472 = tpu.memref_squeeze %dma_wait3A_471 : memref<1x100000xf32, #tpu.memory_space<hbm>> -> memref<100000xf32, #tpu.memory_space<hbm>>
    %dma_wait3A_473 = arith.constant 0 : i32
    %dma_wait3A_474 = tpu.memref_slice %arg2[%add3A_463, %dma_wait3A_473] : memref<256x100000xf32, #tpu.memory_space<hbm>> -> memref<1x100000xf32, #tpu.memory_space<hbm>>
    %dma_wait3A_475 = tpu.memref_squeeze %dma_wait3A_474 : memref<1x100000xf32, #tpu.memory_space<hbm>> -> memref<100000xf32, #tpu.memory_space<hbm>>
    tpu.wait_dma2 semaphore(%arg12 : memref<!tpu.dma_semaphore, #tpu.memory_space<semaphore_mem>>) src(%dma_wait3A_475 : memref<100000xf32, #tpu.memory_space<hbm>>) dst(%arg9 : memref<100000xf32, #tpu.memory_space<vmem>>)
    %dma_wait3A_476 = arith.constant 8192 : i32
    %dma_wait3A_477 = tpu.memref_slice %arg6[%add3A_24, %dma_wait3A_476] : memref<64x16384xf32, #tpu.memory_space<hbm>> -> memref<1x4096xf32, #tpu.memory_space<hbm>>
    %dma_wait3A_478 = tpu.memref_squeeze %dma_wait3A_477 : memref<1x4096xf32, #tpu.memory_space<hbm>> -> memref<4096xf32, #tpu.memory_space<hbm>>
    %dma_wait3A_479 = arith.constant 8192 : i32
    %dma_wait3A_480 = tpu.memref_slice %arg6[%add3A_24, %dma_wait3A_479] : memref<64x16384xf32, #tpu.memory_space<hbm>> -> memref<1x4096xf32, #tpu.memory_space<hbm>>
    %dma_wait3A_481 = tpu.memref_squeeze %dma_wait3A_480 : memref<1x4096xf32, #tpu.memory_space<hbm>> -> memref<4096xf32, #tpu.memory_space<hbm>>
    tpu.wait_dma2 semaphore(%arg13 : memref<!tpu.dma_semaphore, #tpu.memory_space<semaphore_mem>>) src(%arg10 : memref<4096xf32, #tpu.memory_space<vmem>>) dst(%dma_wait3A_481 : memref<4096xf32, #tpu.memory_space<hbm>>)
    %parallel_loop3A_482 = arith.constant 0 : i32
    %parallel_loop3A_483 = arith.constant 256 : i32
    %parallel_loop3A_484 = arith.constant 1 : i32
    scf.for %parallel_loop3A_622 = %parallel_loop3A_482 to %parallel_loop3A_483 step %parallel_loop3A_484  : i32 {
      %parallel_loop3A_623 = arith.constant 16 : i32
      %parallel_loop3A_624 = arith.muli %parallel_loop3A_622, %parallel_loop3A_623 : i32
      %parallel_loop3A_625 = arith.constant 0 : i32
      %parallel_loop3A_626 = arith.addi %parallel_loop3A_625, %parallel_loop3A_624 : i32
      %parallel_loop3A_627 = arith.index_cast %parallel_loop3A_626 : i32 to index
      %parallel_loop3A_628 = tpu.vector_load %arg8[%parallel_loop3A_627] {strides = array<i32>} : memref<16384xi32, #tpu.memory_space<vmem>>, vector<16xi32>,
      %parallel_loop3A_629 = tpu.vector_load_idx %arg9[%parallel_loop3A_628] : memref<100000xf32, #tpu.memory_space<vmem>>[vector<16xi32>], vector<16xf32>,
      %parallel_loop3A_630 = arith.constant 16 : i32
      %parallel_loop3A_631 = arith.muli %parallel_loop3A_622, %parallel_loop3A_630 : i32
      %parallel_loop3A_632 = arith.index_cast %parallel_loop3A_631 : i32 to index
      %parallel_loop3A_633 = tpu.vector_load %arg10[%parallel_loop3A_632] {strides = array<i32>} : memref<4096xf32, #tpu.memory_space<vmem>>, vector<16xf32>,
      tpu.vector_store %arg10[%parallel_loop3A_632], %parallel_loop3A_629 {strides = array<i32>} : memref<4096xf32, #tpu.memory_space<vmem>>, vector<16xf32>,
    } {sc.loop_unroll_factor = 8 : i64, sc.parallel_access}
    %dma_start3A_485 = arith.constant 0 : i32
    %dma_start3A_486 = tpu.memref_slice %arg7[%add3A_28, %dma_start3A_485] : memref<64x16384xf32, #tpu.memory_space<hbm>> -> memref<1x4096xf32, #tpu.memory_space<hbm>>
    %dma_start3A_487 = tpu.memref_squeeze %dma_start3A_486 : memref<1x4096xf32, #tpu.memory_space<hbm>> -> memref<4096xf32, #tpu.memory_space<hbm>>
    %dma_start3A_488 = arith.constant 0 : i32
    %dma_start3A_489 = tpu.memref_slice %arg7[%add3A_28, %dma_start3A_488] : memref<64x16384xf32, #tpu.memory_space<hbm>> -> memref<1x4096xf32, #tpu.memory_space<hbm>>
    %dma_start3A_490 = tpu.memref_squeeze %dma_start3A_489 : memref<1x4096xf32, #tpu.memory_space<hbm>> -> memref<4096xf32, #tpu.memory_space<hbm>>
    tpu.enqueue_dma source(%arg10 : memref<4096xf32, #tpu.memory_space<vmem>>) target(%dma_start3A_490 : memref<4096xf32, #tpu.memory_space<hbm>>) target_semaphore(%arg13 : memref<!tpu.dma_semaphore, #tpu.memory_space<semaphore_mem>>)
    %dma_wait3A_491 = arith.constant 12288 : i32
    %dma_wait3A_492 = tpu.memref_slice %arg6[%add3A_24, %dma_wait3A_491] : memref<64x16384xf32, #tpu.memory_space<hbm>> -> memref<1x4096xf32, #tpu.memory_space<hbm>>
    %dma_wait3A_493 = tpu.memref_squeeze %dma_wait3A_492 : memref<1x4096xf32, #tpu.memory_space<hbm>> -> memref<4096xf32, #tpu.memory_space<hbm>>
    %dma_wait3A_494 = arith.constant 12288 : i32
    %dma_wait3A_495 = tpu.memref_slice %arg6[%add3A_24, %dma_wait3A_494] : memref<64x16384xf32, #tpu.memory_space<hbm>> -> memref<1x4096xf32, #tpu.memory_space<hbm>>
    %dma_wait3A_496 = tpu.memref_squeeze %dma_wait3A_495 : memref<1x4096xf32, #tpu.memory_space<hbm>> -> memref<4096xf32, #tpu.memory_space<hbm>>
    tpu.wait_dma2 semaphore(%arg14 : memref<!tpu.dma_semaphore, #tpu.memory_space<semaphore_mem>>) src(%arg11 : memref<4096xf32, #tpu.memory_space<vmem>>) dst(%dma_wait3A_496 : memref<4096xf32, #tpu.memory_space<hbm>>)
    %parallel_loop3A_497 = arith.constant 0 : i32
    %parallel_loop3A_498 = arith.constant 256 : i32
    %parallel_loop3A_499 = arith.constant 1 : i32
    scf.for %parallel_loop3A_622 = %parallel_loop3A_497 to %parallel_loop3A_498 step %parallel_loop3A_499  : i32 {
      %parallel_loop3A_623 = arith.constant 16 : i32
      %parallel_loop3A_624 = arith.muli %parallel_loop3A_622, %parallel_loop3A_623 : i32
      %parallel_loop3A_625 = arith.constant 4096 : i32
      %parallel_loop3A_626 = arith.addi %parallel_loop3A_625, %parallel_loop3A_624 : i32
      %parallel_loop3A_627 = arith.index_cast %parallel_loop3A_626 : i32 to index
      %parallel_loop3A_628 = tpu.vector_load %arg8[%parallel_loop3A_627] {strides = array<i32>} : memref<16384xi32, #tpu.memory_space<vmem>>, vector<16xi32>,
      %parallel_loop3A_629 = tpu.vector_load_idx %arg9[%parallel_loop3A_628] : memref<100000xf32, #tpu.memory_space<vmem>>[vector<16xi32>], vector<16xf32>,
      %parallel_loop3A_630 = arith.constant 16 : i32
      %parallel_loop3A_631 = arith.muli %parallel_loop3A_622, %parallel_loop3A_630 : i32
      %parallel_loop3A_632 = arith.index_cast %parallel_loop3A_631 : i32 to index
      %parallel_loop3A_633 = tpu.vector_load %arg11[%parallel_loop3A_632] {strides = array<i32>} : memref<4096xf32, #tpu.memory_space<vmem>>, vector<16xf32>,
      tpu.vector_store %arg11[%parallel_loop3A_632], %parallel_loop3A_629 {strides = array<i32>} : memref<4096xf32, #tpu.memory_space<vmem>>, vector<16xf32>,
    } {sc.loop_unroll_factor = 8 : i64, sc.parallel_access}
    %dma_start3A_500 = arith.constant 4096 : i32
    %dma_start3A_501 = tpu.memref_slice %arg7[%add3A_28, %dma_start3A_500] : memref<64x16384xf32, #tpu.memory_space<hbm>> -> memref<1x4096xf32, #tpu.memory_space<hbm>>
    %dma_start3A_502 = tpu.memref_squeeze %dma_start3A_501 : memref<1x4096xf32, #tpu.memory_space<hbm>> -> memref<4096xf32, #tpu.memory_space<hbm>>
    %dma_start3A_503 = arith.constant 4096 : i32
    %dma_start3A_504 = tpu.memref_slice %arg7[%add3A_28, %dma_start3A_503] : memref<64x16384xf32, #tpu.memory_space<hbm>> -> memref<1x4096xf32, #tpu.memory_space<hbm>>
    %dma_start3A_505 = tpu.memref_squeeze %dma_start3A_504 : memref<1x4096xf32, #tpu.memory_space<hbm>> -> memref<4096xf32, #tpu.memory_space<hbm>>
    tpu.enqueue_dma source(%arg11 : memref<4096xf32, #tpu.memory_space<vmem>>) target(%dma_start3A_505 : memref<4096xf32, #tpu.memory_space<hbm>>) target_semaphore(%arg14 : memref<!tpu.dma_semaphore, #tpu.memory_space<semaphore_mem>>)
    %dma_wait3A_506 = arith.constant 0 : i32
    %dma_wait3A_507 = tpu.memref_slice %arg7[%add3A_28, %dma_wait3A_506] : memref<64x16384xf32, #tpu.memory_space<hbm>> -> memref<1x4096xf32, #tpu.memory_space<hbm>>
    %dma_wait3A_508 = tpu.memref_squeeze %dma_wait3A_507 : memref<1x4096xf32, #tpu.memory_space<hbm>> -> memref<4096xf32, #tpu.memory_space<hbm>>
    %dma_wait3A_509 = arith.constant 0 : i32
    %dma_wait3A_510 = tpu.memref_slice %arg7[%add3A_28, %dma_wait3A_509] : memref<64x16384xf32, #tpu.memory_space<hbm>> -> memref<1x4096xf32, #tpu.memory_space<hbm>>
    %dma_wait3A_511 = tpu.memref_squeeze %dma_wait3A_510 : memref<1x4096xf32, #tpu.memory_space<hbm>> -> memref<4096xf32, #tpu.memory_space<hbm>>
    tpu.wait_dma2 semaphore(%arg13 : memref<!tpu.dma_semaphore, #tpu.memory_space<semaphore_mem>>) src(%arg10 : memref<4096xf32, #tpu.memory_space<vmem>>) dst(%dma_wait3A_511 : memref<4096xf32, #tpu.memory_space<hbm>>)
    %parallel_loop3A_512 = arith.constant 0 : i32
    %parallel_loop3A_513 = arith.constant 256 : i32
    %parallel_loop3A_514 = arith.constant 1 : i32
    scf.for %parallel_loop3A_622 = %parallel_loop3A_512 to %parallel_loop3A_513 step %parallel_loop3A_514  : i32 {
      %parallel_loop3A_623 = arith.constant 16 : i32
      %parallel_loop3A_624 = arith.muli %parallel_loop3A_622, %parallel_loop3A_623 : i32
      %parallel_loop3A_625 = arith.constant 8192 : i32
      %parallel_loop3A_626 = arith.addi %parallel_loop3A_625, %parallel_loop3A_624 : i32
      %parallel_loop3A_627 = arith.index_cast %parallel_loop3A_626 : i32 to index
      %parallel_loop3A_628 = tpu.vector_load %arg8[%parallel_loop3A_627] {strides = array<i32>} : memref<16384xi32, #tpu.memory_space<vmem>>, vector<16xi32>,
      %parallel_loop3A_629 = tpu.vector_load_idx %arg9[%parallel_loop3A_628] : memref<100000xf32, #tpu.memory_space<vmem>>[vector<16xi32>], vector<16xf32>,
      %parallel_loop3A_630 = arith.constant 16 : i32
      %parallel_loop3A_631 = arith.muli %parallel_loop3A_622, %parallel_loop3A_630 : i32
      %parallel_loop3A_632 = arith.index_cast %parallel_loop3A_631 : i32 to index
      %parallel_loop3A_633 = tpu.vector_load %arg10[%parallel_loop3A_632] {strides = array<i32>} : memref<4096xf32, #tpu.memory_space<vmem>>, vector<16xf32>,
      tpu.vector_store %arg10[%parallel_loop3A_632], %parallel_loop3A_629 {strides = array<i32>} : memref<4096xf32, #tpu.memory_space<vmem>>, vector<16xf32>,
    } {sc.loop_unroll_factor = 8 : i64, sc.parallel_access}
    %dma_start3A_515 = arith.constant 8192 : i32
    %dma_start3A_516 = tpu.memref_slice %arg7[%add3A_28, %dma_start3A_515] : memref<64x16384xf32, #tpu.memory_space<hbm>> -> memref<1x4096xf32, #tpu.memory_space<hbm>>
    %dma_start3A_517 = tpu.memref_squeeze %dma_start3A_516 : memref<1x4096xf32, #tpu.memory_space<hbm>> -> memref<4096xf32, #tpu.memory_space<hbm>>
    %dma_start3A_518 = arith.constant 8192 : i32
    %dma_start3A_519 = tpu.memref_slice %arg7[%add3A_28, %dma_start3A_518] : memref<64x16384xf32, #tpu.memory_space<hbm>> -> memref<1x4096xf32, #tpu.memory_space<hbm>>
    %dma_start3A_520 = tpu.memref_squeeze %dma_start3A_519 : memref<1x4096xf32, #tpu.memory_space<hbm>> -> memref<4096xf32, #tpu.memory_space<hbm>>
    tpu.enqueue_dma source(%arg10 : memref<4096xf32, #tpu.memory_space<vmem>>) target(%dma_start3A_520 : memref<4096xf32, #tpu.memory_space<hbm>>) target_semaphore(%arg13 : memref<!tpu.dma_semaphore, #tpu.memory_space<semaphore_mem>>)
    %dma_wait3A_521 = arith.constant 4096 : i32
    %dma_wait3A_522 = tpu.memref_slice %arg7[%add3A_28, %dma_wait3A_521] : memref<64x16384xf32, #tpu.memory_space<hbm>> -> memref<1x4096xf32, #tpu.memory_space<hbm>>
    %dma_wait3A_523 = tpu.memref_squeeze %dma_wait3A_522 : memref<1x4096xf32, #tpu.memory_space<hbm>> -> memref<4096xf32, #tpu.memory_space<hbm>>
    %dma_wait3A_524 = arith.constant 4096 : i32
    %dma_wait3A_525 = tpu.memref_slice %arg7[%add3A_28, %dma_wait3A_524] : memref<64x16384xf32, #tpu.memory_space<hbm>> -> memref<1x4096xf32, #tpu.memory_space<hbm>>
    %dma_wait3A_526 = tpu.memref_squeeze %dma_wait3A_525 : memref<1x4096xf32, #tpu.memory_space<hbm>> -> memref<4096xf32, #tpu.memory_space<hbm>>
    tpu.wait_dma2 semaphore(%arg14 : memref<!tpu.dma_semaphore, #tpu.memory_space<semaphore_mem>>) src(%arg11 : memref<4096xf32, #tpu.memory_space<vmem>>) dst(%dma_wait3A_526 : memref<4096xf32, #tpu.memory_space<hbm>>)
    %parallel_loop3A_527 = arith.constant 0 : i32
    %parallel_loop3A_528 = arith.constant 256 : i32
    %parallel_loop3A_529 = arith.constant 1 : i32
    scf.for %parallel_loop3A_622 = %parallel_loop3A_527 to %parallel_loop3A_528 step %parallel_loop3A_529  : i32 {
      %parallel_loop3A_623 = arith.constant 16 : i32
      %parallel_loop3A_624 = arith.muli %parallel_loop3A_622, %parallel_loop3A_623 : i32
      %parallel_loop3A_625 = arith.constant 12288 : i32
      %parallel_loop3A_626 = arith.addi %parallel_loop3A_625, %parallel_loop3A_624 : i32
      %parallel_loop3A_627 = arith.index_cast %parallel_loop3A_626 : i32 to index
      %parallel_loop3A_628 = tpu.vector_load %arg8[%parallel_loop3A_627] {strides = array<i32>} : memref<16384xi32, #tpu.memory_space<vmem>>, vector<16xi32>,
      %parallel_loop3A_629 = tpu.vector_load_idx %arg9[%parallel_loop3A_628] : memref<100000xf32, #tpu.memory_space<vmem>>[vector<16xi32>], vector<16xf32>,
      %parallel_loop3A_630 = arith.constant 16 : i32
      %parallel_loop3A_631 = arith.muli %parallel_loop3A_622, %parallel_loop3A_630 : i32
      %parallel_loop3A_632 = arith.index_cast %parallel_loop3A_631 : i32 to index
      %parallel_loop3A_633 = tpu.vector_load %arg11[%parallel_loop3A_632] {strides = array<i32>} : memref<4096xf32, #tpu.memory_space<vmem>>, vector<16xf32>,
      tpu.vector_store %arg11[%parallel_loop3A_632], %parallel_loop3A_629 {strides = array<i32>} : memref<4096xf32, #tpu.memory_space<vmem>>, vector<16xf32>,
    } {sc.loop_unroll_factor = 8 : i64, sc.parallel_access}
    %dma_start3A_530 = arith.constant 12288 : i32
    %dma_start3A_531 = tpu.memref_slice %arg7[%add3A_28, %dma_start3A_530] : memref<64x16384xf32, #tpu.memory_space<hbm>> -> memref<1x4096xf32, #tpu.memory_space<hbm>>
    %dma_start3A_532 = tpu.memref_squeeze %dma_start3A_531 : memref<1x4096xf32, #tpu.memory_space<hbm>> -> memref<4096xf32, #tpu.memory_space<hbm>>
    %dma_start3A_533 = arith.constant 12288 : i32
    %dma_start3A_534 = tpu.memref_slice %arg7[%add3A_28, %dma_start3A_533] : memref<64x16384xf32, #tpu.memory_space<hbm>> -> memref<1x4096xf32, #tpu.memory_space<hbm>>
    %dma_start3A_535 = tpu.memref_squeeze %dma_start3A_534 : memref<1x4096xf32, #tpu.memory_space<hbm>> -> memref<4096xf32, #tpu.memory_space<hbm>>
    tpu.enqueue_dma source(%arg11 : memref<4096xf32, #tpu.memory_space<vmem>>) target(%dma_start3A_535 : memref<4096xf32, #tpu.memory_space<hbm>>) target_semaphore(%arg14 : memref<!tpu.dma_semaphore, #tpu.memory_space<semaphore_mem>>)
    %add3A_536 = arith.constant 192 : i32
    %add3A_537 = arith.addi %add3A_536, %add3A_32 : i32
    %dma_start3A_538 = arith.constant 0 : i32
    %dma_start3A_539 = tpu.memref_slice %arg2[%add3A_537, %dma_start3A_538] : memref<256x100000xf32, #tpu.memory_space<hbm>> -> memref<1x100000xf32, #tpu.memory_space<hbm>>
    %dma_start3A_540 = tpu.memref_squeeze %dma_start3A_539 : memref<1x100000xf32, #tpu.memory_space<hbm>> -> memref<100000xf32, #tpu.memory_space<hbm>>
    %dma_start3A_541 = arith.constant 0 : i32
    %dma_start3A_542 = tpu.memref_slice %arg2[%add3A_537, %dma_start3A_541] : memref<256x100000xf32, #tpu.memory_space<hbm>> -> memref<1x100000xf32, #tpu.memory_space<hbm>>
    %dma_start3A_543 = tpu.memref_squeeze %dma_start3A_542 : memref<1x100000xf32, #tpu.memory_space<hbm>> -> memref<100000xf32, #tpu.memory_space<hbm>>
    tpu.enqueue_dma source(%dma_start3A_543 : memref<100000xf32, #tpu.memory_space<hbm>>) target(%arg9 : memref<100000xf32, #tpu.memory_space<vmem>>) target_semaphore(%arg12 : memref<!tpu.dma_semaphore, #tpu.memory_space<semaphore_mem>>)
    %dma_wait3A_544 = arith.constant 0 : i32
    %dma_wait3A_545 = tpu.memref_slice %arg2[%add3A_537, %dma_wait3A_544] : memref<256x100000xf32, #tpu.memory_space<hbm>> -> memref<1x100000xf32, #tpu.memory_space<hbm>>
    %dma_wait3A_546 = tpu.memref_squeeze %dma_wait3A_545 : memref<1x100000xf32, #tpu.memory_space<hbm>> -> memref<100000xf32, #tpu.memory_space<hbm>>
    %dma_wait3A_547 = arith.constant 0 : i32
    %dma_wait3A_548 = tpu.memref_slice %arg2[%add3A_537, %dma_wait3A_547] : memref<256x100000xf32, #tpu.memory_space<hbm>> -> memref<1x100000xf32, #tpu.memory_space<hbm>>
    %dma_wait3A_549 = tpu.memref_squeeze %dma_wait3A_548 : memref<1x100000xf32, #tpu.memory_space<hbm>> -> memref<100000xf32, #tpu.memory_space<hbm>>
    tpu.wait_dma2 semaphore(%arg12 : memref<!tpu.dma_semaphore, #tpu.memory_space<semaphore_mem>>) src(%dma_wait3A_549 : memref<100000xf32, #tpu.memory_space<hbm>>) dst(%arg9 : memref<100000xf32, #tpu.memory_space<vmem>>)
    %dma_wait3A_550 = arith.constant 8192 : i32
    %dma_wait3A_551 = tpu.memref_slice %arg7[%add3A_28, %dma_wait3A_550] : memref<64x16384xf32, #tpu.memory_space<hbm>> -> memref<1x4096xf32, #tpu.memory_space<hbm>>
    %dma_wait3A_552 = tpu.memref_squeeze %dma_wait3A_551 : memref<1x4096xf32, #tpu.memory_space<hbm>> -> memref<4096xf32, #tpu.memory_space<hbm>>
    %dma_wait3A_553 = arith.constant 8192 : i32
    %dma_wait3A_554 = tpu.memref_slice %arg7[%add3A_28, %dma_wait3A_553] : memref<64x16384xf32, #tpu.memory_space<hbm>> -> memref<1x4096xf32, #tpu.memory_space<hbm>>
    %dma_wait3A_555 = tpu.memref_squeeze %dma_wait3A_554 : memref<1x4096xf32, #tpu.memory_space<hbm>> -> memref<4096xf32, #tpu.memory_space<hbm>>
    tpu.wait_dma2 semaphore(%arg13 : memref<!tpu.dma_semaphore, #tpu.memory_space<semaphore_mem>>) src(%arg10 : memref<4096xf32, #tpu.memory_space<vmem>>) dst(%dma_wait3A_555 : memref<4096xf32, #tpu.memory_space<hbm>>)
    %parallel_loop3A_556 = arith.constant 0 : i32
    %parallel_loop3A_557 = arith.constant 256 : i32
    %parallel_loop3A_558 = arith.constant 1 : i32
    scf.for %parallel_loop3A_622 = %parallel_loop3A_556 to %parallel_loop3A_557 step %parallel_loop3A_558  : i32 {
      %parallel_loop3A_623 = arith.constant 16 : i32
      %parallel_loop3A_624 = arith.muli %parallel_loop3A_622, %parallel_loop3A_623 : i32
      %parallel_loop3A_625 = arith.constant 0 : i32
      %parallel_loop3A_626 = arith.addi %parallel_loop3A_625, %parallel_loop3A_624 : i32
      %parallel_loop3A_627 = arith.index_cast %parallel_loop3A_626 : i32 to index
      %parallel_loop3A_628 = tpu.vector_load %arg8[%parallel_loop3A_627] {strides = array<i32>} : memref<16384xi32, #tpu.memory_space<vmem>>, vector<16xi32>,
      %parallel_loop3A_629 = tpu.vector_load_idx %arg9[%parallel_loop3A_628] : memref<100000xf32, #tpu.memory_space<vmem>>[vector<16xi32>], vector<16xf32>,
      %parallel_loop3A_630 = arith.constant 16 : i32
      %parallel_loop3A_631 = arith.muli %parallel_loop3A_622, %parallel_loop3A_630 : i32
      %parallel_loop3A_632 = arith.index_cast %parallel_loop3A_631 : i32 to index
      %parallel_loop3A_633 = tpu.vector_load %arg10[%parallel_loop3A_632] {strides = array<i32>} : memref<4096xf32, #tpu.memory_space<vmem>>, vector<16xf32>,
      tpu.vector_store %arg10[%parallel_loop3A_632], %parallel_loop3A_629 {strides = array<i32>} : memref<4096xf32, #tpu.memory_space<vmem>>, vector<16xf32>,
    } {sc.loop_unroll_factor = 8 : i64, sc.parallel_access}
    %dma_start3A_559 = arith.constant 0 : i32
    %dma_start3A_560 = tpu.memref_slice %arg7[%add3A_32, %dma_start3A_559] : memref<64x16384xf32, #tpu.memory_space<hbm>> -> memref<1x4096xf32, #tpu.memory_space<hbm>>
    %dma_start3A_561 = tpu.memref_squeeze %dma_start3A_560 : memref<1x4096xf32, #tpu.memory_space<hbm>> -> memref<4096xf32, #tpu.memory_space<hbm>>
    %dma_start3A_562 = arith.constant 0 : i32
    %dma_start3A_563 = tpu.memref_slice %arg7[%add3A_32, %dma_start3A_562] : memref<64x16384xf32, #tpu.memory_space<hbm>> -> memref<1x4096xf32, #tpu.memory_space<hbm>>
    %dma_start3A_564 = tpu.memref_squeeze %dma_start3A_563 : memref<1x4096xf32, #tpu.memory_space<hbm>> -> memref<4096xf32, #tpu.memory_space<hbm>>
    tpu.enqueue_dma source(%arg10 : memref<4096xf32, #tpu.memory_space<vmem>>) target(%dma_start3A_564 : memref<4096xf32, #tpu.memory_space<hbm>>) target_semaphore(%arg13 : memref<!tpu.dma_semaphore, #tpu.memory_space<semaphore_mem>>)
    %dma_wait3A_565 = arith.constant 12288 : i32
    %dma_wait3A_566 = tpu.memref_slice %arg7[%add3A_28, %dma_wait3A_565] : memref<64x16384xf32, #tpu.memory_space<hbm>> -> memref<1x4096xf32, #tpu.memory_space<hbm>>
    %dma_wait3A_567 = tpu.memref_squeeze %dma_wait3A_566 : memref<1x4096xf32, #tpu.memory_space<hbm>> -> memref<4096xf32, #tpu.memory_space<hbm>>
    %dma_wait3A_568 = arith.constant 12288 : i32
    %dma_wait3A_569 = tpu.memref_slice %arg7[%add3A_28, %dma_wait3A_568] : memref<64x16384xf32, #tpu.memory_space<hbm>> -> memref<1x4096xf32, #tpu.memory_space<hbm>>
    %dma_wait3A_570 = tpu.memref_squeeze %dma_wait3A_569 : memref<1x4096xf32, #tpu.memory_space<hbm>> -> memref<4096xf32, #tpu.memory_space<hbm>>
    tpu.wait_dma2 semaphore(%arg14 : memref<!tpu.dma_semaphore, #tpu.memory_space<semaphore_mem>>) src(%arg11 : memref<4096xf32, #tpu.memory_space<vmem>>) dst(%dma_wait3A_570 : memref<4096xf32, #tpu.memory_space<hbm>>)
    %parallel_loop3A_571 = arith.constant 0 : i32
    %parallel_loop3A_572 = arith.constant 256 : i32
    %parallel_loop3A_573 = arith.constant 1 : i32
    scf.for %parallel_loop3A_622 = %parallel_loop3A_571 to %parallel_loop3A_572 step %parallel_loop3A_573  : i32 {
      %parallel_loop3A_623 = arith.constant 16 : i32
      %parallel_loop3A_624 = arith.muli %parallel_loop3A_622, %parallel_loop3A_623 : i32
      %parallel_loop3A_625 = arith.constant 4096 : i32
      %parallel_loop3A_626 = arith.addi %parallel_loop3A_625, %parallel_loop3A_624 : i32
      %parallel_loop3A_627 = arith.index_cast %parallel_loop3A_626 : i32 to index
      %parallel_loop3A_628 = tpu.vector_load %arg8[%parallel_loop3A_627] {strides = array<i32>} : memref<16384xi32, #tpu.memory_space<vmem>>, vector<16xi32>,
      %parallel_loop3A_629 = tpu.vector_load_idx %arg9[%parallel_loop3A_628] : memref<100000xf32, #tpu.memory_space<vmem>>[vector<16xi32>], vector<16xf32>,
      %parallel_loop3A_630 = arith.constant 16 : i32
      %parallel_loop3A_631 = arith.muli %parallel_loop3A_622, %parallel_loop3A_630 : i32
      %parallel_loop3A_632 = arith.index_cast %parallel_loop3A_631 : i32 to index
      %parallel_loop3A_633 = tpu.vector_load %arg11[%parallel_loop3A_632] {strides = array<i32>} : memref<4096xf32, #tpu.memory_space<vmem>>, vector<16xf32>,
      tpu.vector_store %arg11[%parallel_loop3A_632], %parallel_loop3A_629 {strides = array<i32>} : memref<4096xf32, #tpu.memory_space<vmem>>, vector<16xf32>,
    } {sc.loop_unroll_factor = 8 : i64, sc.parallel_access}
    %dma_start3A_574 = arith.constant 4096 : i32
    %dma_start3A_575 = tpu.memref_slice %arg7[%add3A_32, %dma_start3A_574] : memref<64x16384xf32, #tpu.memory_space<hbm>> -> memref<1x4096xf32, #tpu.memory_space<hbm>>
    %dma_start3A_576 = tpu.memref_squeeze %dma_start3A_575 : memref<1x4096xf32, #tpu.memory_space<hbm>> -> memref<4096xf32, #tpu.memory_space<hbm>>
    %dma_start3A_577 = arith.constant 4096 : i32
    %dma_start3A_578 = tpu.memref_slice %arg7[%add3A_32, %dma_start3A_577] : memref<64x16384xf32, #tpu.memory_space<hbm>> -> memref<1x4096xf32, #tpu.memory_space<hbm>>
    %dma_start3A_579 = tpu.memref_squeeze %dma_start3A_578 : memref<1x4096xf32, #tpu.memory_space<hbm>> -> memref<4096xf32, #tpu.memory_space<hbm>>
    tpu.enqueue_dma source(%arg11 : memref<4096xf32, #tpu.memory_space<vmem>>) target(%dma_start3A_579 : memref<4096xf32, #tpu.memory_space<hbm>>) target_semaphore(%arg14 : memref<!tpu.dma_semaphore, #tpu.memory_space<semaphore_mem>>)
    %dma_wait3A_580 = arith.constant 0 : i32
    %dma_wait3A_581 = tpu.memref_slice %arg7[%add3A_32, %dma_wait3A_580] : memref<64x16384xf32, #tpu.memory_space<hbm>> -> memref<1x4096xf32, #tpu.memory_space<hbm>>
    %dma_wait3A_582 = tpu.memref_squeeze %dma_wait3A_581 : memref<1x4096xf32, #tpu.memory_space<hbm>> -> memref<4096xf32, #tpu.memory_space<hbm>>
    %dma_wait3A_583 = arith.constant 0 : i32
    %dma_wait3A_584 = tpu.memref_slice %arg7[%add3A_32, %dma_wait3A_583] : memref<64x16384xf32, #tpu.memory_space<hbm>> -> memref<1x4096xf32, #tpu.memory_space<hbm>>
    %dma_wait3A_585 = tpu.memref_squeeze %dma_wait3A_584 : memref<1x4096xf32, #tpu.memory_space<hbm>> -> memref<4096xf32, #tpu.memory_space<hbm>>
    tpu.wait_dma2 semaphore(%arg13 : memref<!tpu.dma_semaphore, #tpu.memory_space<semaphore_mem>>) src(%arg10 : memref<4096xf32, #tpu.memory_space<vmem>>) dst(%dma_wait3A_585 : memref<4096xf32, #tpu.memory_space<hbm>>)
    %parallel_loop3A_586 = arith.constant 0 : i32
    %parallel_loop3A_587 = arith.constant 256 : i32
    %parallel_loop3A_588 = arith.constant 1 : i32
    scf.for %parallel_loop3A_622 = %parallel_loop3A_586 to %parallel_loop3A_587 step %parallel_loop3A_588  : i32 {
      %parallel_loop3A_623 = arith.constant 16 : i32
      %parallel_loop3A_624 = arith.muli %parallel_loop3A_622, %parallel_loop3A_623 : i32
      %parallel_loop3A_625 = arith.constant 8192 : i32
      %parallel_loop3A_626 = arith.addi %parallel_loop3A_625, %parallel_loop3A_624 : i32
      %parallel_loop3A_627 = arith.index_cast %parallel_loop3A_626 : i32 to index
      %parallel_loop3A_628 = tpu.vector_load %arg8[%parallel_loop3A_627] {strides = array<i32>} : memref<16384xi32, #tpu.memory_space<vmem>>, vector<16xi32>,
      %parallel_loop3A_629 = tpu.vector_load_idx %arg9[%parallel_loop3A_628] : memref<100000xf32, #tpu.memory_space<vmem>>[vector<16xi32>], vector<16xf32>,
      %parallel_loop3A_630 = arith.constant 16 : i32
      %parallel_loop3A_631 = arith.muli %parallel_loop3A_622, %parallel_loop3A_630 : i32
      %parallel_loop3A_632 = arith.index_cast %parallel_loop3A_631 : i32 to index
      %parallel_loop3A_633 = tpu.vector_load %arg10[%parallel_loop3A_632] {strides = array<i32>} : memref<4096xf32, #tpu.memory_space<vmem>>, vector<16xf32>,
      tpu.vector_store %arg10[%parallel_loop3A_632], %parallel_loop3A_629 {strides = array<i32>} : memref<4096xf32, #tpu.memory_space<vmem>>, vector<16xf32>,
    } {sc.loop_unroll_factor = 8 : i64, sc.parallel_access}
    %dma_start3A_589 = arith.constant 8192 : i32
    %dma_start3A_590 = tpu.memref_slice %arg7[%add3A_32, %dma_start3A_589] : memref<64x16384xf32, #tpu.memory_space<hbm>> -> memref<1x4096xf32, #tpu.memory_space<hbm>>
    %dma_start3A_591 = tpu.memref_squeeze %dma_start3A_590 : memref<1x4096xf32, #tpu.memory_space<hbm>> -> memref<4096xf32, #tpu.memory_space<hbm>>
    %dma_start3A_592 = arith.constant 8192 : i32
    %dma_start3A_593 = tpu.memref_slice %arg7[%add3A_32, %dma_start3A_592] : memref<64x16384xf32, #tpu.memory_space<hbm>> -> memref<1x4096xf32, #tpu.memory_space<hbm>>
    %dma_start3A_594 = tpu.memref_squeeze %dma_start3A_593 : memref<1x4096xf32, #tpu.memory_space<hbm>> -> memref<4096xf32, #tpu.memory_space<hbm>>
    tpu.enqueue_dma source(%arg10 : memref<4096xf32, #tpu.memory_space<vmem>>) target(%dma_start3A_594 : memref<4096xf32, #tpu.memory_space<hbm>>) target_semaphore(%arg13 : memref<!tpu.dma_semaphore, #tpu.memory_space<semaphore_mem>>)
    %dma_wait3A_595 = arith.constant 4096 : i32
    %dma_wait3A_596 = tpu.memref_slice %arg7[%add3A_32, %dma_wait3A_595] : memref<64x16384xf32, #tpu.memory_space<hbm>> -> memref<1x4096xf32, #tpu.memory_space<hbm>>
    %dma_wait3A_597 = tpu.memref_squeeze %dma_wait3A_596 : memref<1x4096xf32, #tpu.memory_space<hbm>> -> memref<4096xf32, #tpu.memory_space<hbm>>
    %dma_wait3A_598 = arith.constant 4096 : i32
    %dma_wait3A_599 = tpu.memref_slice %arg7[%add3A_32, %dma_wait3A_598] : memref<64x16384xf32, #tpu.memory_space<hbm>> -> memref<1x4096xf32, #tpu.memory_space<hbm>>
    %dma_wait3A_600 = tpu.memref_squeeze %dma_wait3A_599 : memref<1x4096xf32, #tpu.memory_space<hbm>> -> memref<4096xf32, #tpu.memory_space<hbm>>
    tpu.wait_dma2 semaphore(%arg14 : memref<!tpu.dma_semaphore, #tpu.memory_space<semaphore_mem>>) src(%arg11 : memref<4096xf32, #tpu.memory_space<vmem>>) dst(%dma_wait3A_600 : memref<4096xf32, #tpu.memory_space<hbm>>)
    %parallel_loop3A_601 = arith.constant 0 : i32
    %parallel_loop3A_602 = arith.constant 256 : i32
    %parallel_loop3A_603 = arith.constant 1 : i32
    scf.for %parallel_loop3A_622 = %parallel_loop3A_601 to %parallel_loop3A_602 step %parallel_loop3A_603  : i32 {
      %parallel_loop3A_623 = arith.constant 16 : i32
      %parallel_loop3A_624 = arith.muli %parallel_loop3A_622, %parallel_loop3A_623 : i32
      %parallel_loop3A_625 = arith.constant 12288 : i32
      %parallel_loop3A_626 = arith.addi %parallel_loop3A_625, %parallel_loop3A_624 : i32
      %parallel_loop3A_627 = arith.index_cast %parallel_loop3A_626 : i32 to index
      %parallel_loop3A_628 = tpu.vector_load %arg8[%parallel_loop3A_627] {strides = array<i32>} : memref<16384xi32, #tpu.memory_space<vmem>>, vector<16xi32>,
      %parallel_loop3A_629 = tpu.vector_load_idx %arg9[%parallel_loop3A_628] : memref<100000xf32, #tpu.memory_space<vmem>>[vector<16xi32>], vector<16xf32>,
      %parallel_loop3A_630 = arith.constant 16 : i32
      %parallel_loop3A_631 = arith.muli %parallel_loop3A_622, %parallel_loop3A_630 : i32
      %parallel_loop3A_632 = arith.index_cast %parallel_loop3A_631 : i32 to index
      %parallel_loop3A_633 = tpu.vector_load %arg11[%parallel_loop3A_632] {strides = array<i32>} : memref<4096xf32, #tpu.memory_space<vmem>>, vector<16xf32>,
      tpu.vector_store %arg11[%parallel_loop3A_632], %parallel_loop3A_629 {strides = array<i32>} : memref<4096xf32, #tpu.memory_space<vmem>>, vector<16xf32>,
    } {sc.loop_unroll_factor = 8 : i64, sc.parallel_access}
    %dma_start3A_604 = arith.constant 12288 : i32
    %dma_start3A_605 = tpu.memref_slice %arg7[%add3A_32, %dma_start3A_604] : memref<64x16384xf32, #tpu.memory_space<hbm>> -> memref<1x4096xf32, #tpu.memory_space<hbm>>
    %dma_start3A_606 = tpu.memref_squeeze %dma_start3A_605 : memref<1x4096xf32, #tpu.memory_space<hbm>> -> memref<4096xf32, #tpu.memory_space<hbm>>
    %dma_start3A_607 = arith.constant 12288 : i32
    %dma_start3A_608 = tpu.memref_slice %arg7[%add3A_32, %dma_start3A_607] : memref<64x16384xf32, #tpu.memory_space<hbm>> -> memref<1x4096xf32, #tpu.memory_space<hbm>>
    %dma_start3A_609 = tpu.memref_squeeze %dma_start3A_608 : memref<1x4096xf32, #tpu.memory_space<hbm>> -> memref<4096xf32, #tpu.memory_space<hbm>>
    tpu.enqueue_dma source(%arg11 : memref<4096xf32, #tpu.memory_space<vmem>>) target(%dma_start3A_609 : memref<4096xf32, #tpu.memory_space<hbm>>) target_semaphore(%arg14 : memref<!tpu.dma_semaphore, #tpu.memory_space<semaphore_mem>>)
    %dma_wait3A_610 = arith.constant 8192 : i32
    %dma_wait3A_611 = tpu.memref_slice %arg7[%add3A_32, %dma_wait3A_610] : memref<64x16384xf32, #tpu.memory_space<hbm>> -> memref<1x4096xf32, #tpu.memory_space<hbm>>
    %dma_wait3A_612 = tpu.memref_squeeze %dma_wait3A_611 : memref<1x4096xf32, #tpu.memory_space<hbm>> -> memref<4096xf32, #tpu.memory_space<hbm>>
    %dma_wait3A_613 = arith.constant 8192 : i32
    %dma_wait3A_614 = tpu.memref_slice %arg7[%add3A_32, %dma_wait3A_613] : memref<64x16384xf32, #tpu.memory_space<hbm>> -> memref<1x4096xf32, #tpu.memory_space<hbm>>
    %dma_wait3A_615 = tpu.memref_squeeze %dma_wait3A_614 : memref<1x4096xf32, #tpu.memory_space<hbm>> -> memref<4096xf32, #tpu.memory_space<hbm>>
    tpu.wait_dma2 semaphore(%arg13 : memref<!tpu.dma_semaphore, #tpu.memory_space<semaphore_mem>>) src(%arg10 : memref<4096xf32, #tpu.memory_space<vmem>>) dst(%dma_wait3A_615 : memref<4096xf32, #tpu.memory_space<hbm>>)
    %dma_wait3A_616 = arith.constant 12288 : i32
    %dma_wait3A_617 = tpu.memref_slice %arg7[%add3A_32, %dma_wait3A_616] : memref<64x16384xf32, #tpu.memory_space<hbm>> -> memref<1x4096xf32, #tpu.memory_space<hbm>>
    %dma_wait3A_618 = tpu.memref_squeeze %dma_wait3A_617 : memref<1x4096xf32, #tpu.memory_space<hbm>> -> memref<4096xf32, #tpu.memory_space<hbm>>
    %dma_wait3A_619 = arith.constant 12288 : i32
    %dma_wait3A_620 = tpu.memref_slice %arg7[%add3A_32, %dma_wait3A_619] : memref<64x16384xf32, #tpu.memory_space<hbm>> -> memref<1x4096xf32, #tpu.memory_space<hbm>>
    %dma_wait3A_621 = tpu.memref_squeeze %dma_wait3A_620 : memref<1x4096xf32, #tpu.memory_space<hbm>> -> memref<4096xf32, #tpu.memory_space<hbm>>
    tpu.wait_dma2 semaphore(%arg14 : memref<!tpu.dma_semaphore, #tpu.memory_space<semaphore_mem>>) src(%arg11 : memref<4096xf32, #tpu.memory_space<vmem>>) dst(%dma_wait3A_621 : memref<4096xf32, #tpu.memory_space<hbm>>)
    return
  }
}

</mosaic_0001>

<sc_bundles>
// kernel: kernel.3.cloned.1.call-start
scs
__scs_entry_jumppad:
0x0: {  	(pc) =	sbr.rel $0x88, $3  }
0x1: {  	(tag) =	ssettag $0x0;
	lr =	simm.s32 $0x1  }
0x2: {  	[smem:$0x3F9F] =	sst lr;
	_ =	strace $0xD0000000  }
0x3: {  	_ = 	snop  }
0x4: {  	_ = 	snop  }
0x5: {  	_ = 	snop  }
0x6: {  	_ = 	snop  }
0x7: {  	_ = 	snop  }
__scs_overlays_trampoline_lowered:
0x8: {  	[smem:$0x3FAE] =	sst s0  }
0x9: {  	[smem:$0x3FAF] =	sst s1  }
0xa: {  	[smem:$0x3FB0] =	sst s2  }
0xb: {  	[smem:$0x3FB1] =	sst s3  }
0xc: {  	[smem:$0x3FB2] =	sst s4  }
0xd: {  	[smem:$0x3FB3] =	sst s5  }
0xe: {  	[smem:$0x3FB4] =	sst s6  }
0xf: {  	[smem:$0x3FB5] =	sst s7  }
0x10: {  	[smem:$0x3FB6] =	sst s8  }
0x11: {  	[smem:$0x3FB7] =	sst s9;
	s0 =	simm.s32 @!p0 $0x0  }
0x12: {  	s1 =	sld [smem:$0x3F9D];
	s0 =	simm.s32 @p0 $0x1  }
0x13: {  	[smem:$0x3FB8] =	sst s0;
	s0 =	simm.s32 @!p1 $0x0  }
0x14: {  	s2 =	sld [smem:$0x3F9C];
	s0 =	simm.s32 @p1 $0x1  }
0x15: {  	[smem:$0x3FB9] =	sst s0;
	s0 =	simm.s32 @!p2 $0x0  }
0x16: {  	s3 =	sld [smem:$0x3FDB];
	s0 =	simm.s32 @p2 $0x1  }
0x17: {  	s4 =	simm.s32 $0x1BF5;
	[smem:$0x3FBB] =	sst s0  }
0x18: {  	s0 =	sld [smem:$0x3F9E];
	_ =	swait.ge [sflag:s4], $0x0  }
0x19: {  	s7 =	sld [smem:$0x3F9F]  }
0x1a: {  	s8 =	sadd.s32 $0xFFFFE003, lr  }
0x1b: {  	s9 =	sadd.s32 $0xFFFFFEF7, lr;
	s5 =	simm.s32 $0xFFFFFFFF;
	p2 =	slt.u32 s8, $0xFFFFF086  }
0x1c: {  	p1 =	slt.u32 s9, $0xF7A;
	s5 =	simm.s32 @!p2 $0x0  }
0x1d: {  	s5 =	simm.s32 @p1 $0x1;
	p0 =	seq.s32 s7, s2  }
0x1e: {  	s7 =	smul.u32 @!p0 $0xF7A, s2;
	p2 =	seq.s32 @!p0 s5, $0x0  }
0x1f: {  	s9 =	smul.u32 $0xF7A, s1;
	s8 =	simm.s32 @!p0 $0x1BF5;
	p2 =	por !p2, p0  }
0x20: {  	[sflag:s8] =	ssyncset.s32 @!p0 $0xFFFFF086;
	s6 =	sadd.s32 @!p0 s3, s7;
	s7 =	simm.s32 @!p0 $0x108  }
0x21: {  	s3 =	sadd.s32 s3, s9;
	s6 =	sadd.s32 @!p0 $0x88, s6;
	s7 =	simm.s32 @p2 $0x1082  }
0x22: {  	[simem:s7], [sflag:s8] =	dma.local @!p0 [hbm:s6], $0xF7A  }
0x23: {  	s9 =	sor.u32 $0xD0000000, s2;
	s6 =	simm.s32 $0x108;
	_ =	swait.ge @!p0 [sflag:s8], $0x0  }
0x24: {  	s3 =	sadd.s32 $0x88, s3;
	s6 =	simm.s32 @!p1 $0x1082;
	[sflag:s4] =	ssyncset.s32 $0xFFFFF086  }
0x25: {  	[simem:s6], [sflag:s4] =	dma.local [hbm:s3], $0xF7A  }
0x26: {  	[smem:$0x3F9F] =	sst s1;
	(tag) =	ssettag s2;
	_ =	strace s9  }
0x27: {  	s1 =	sld [smem:$0x3FAF]  }
0x28: {  	s2 =	sld [smem:$0x3FB0]  }
0x29: {  	s4 =	sld [smem:$0x3FB2]  }
0x2a: {  	p0 =	seq.s32 s5, $0x0;
	s5 =	sld [smem:$0x3FB3]  }
0x2b: {  	s6 =	sld [smem:$0x3FB4]  }
0x2c: {  	s7 =	sld [smem:$0x3FB5]  }
0x2d: {  	s3 =	simm.s32 $0x108;
	s8 =	sld [smem:$0x3FB6]  }
0x2e: {  	s3 =	simm.s32 @!p0 $0x1082;
	s9 =	sld [smem:$0x3FB7]  }
0x2f: {  	lr =	sadd.s32 s0, s3;
	s0 =	sld [smem:$0x3FAE]  }
0x30: {  	s3 =	sld [smem:$0x3FB1]  }
0x31: {  	[smem:$0x3FBA] =	sst s10  }
0x32: {  	s10 =	sld [smem:$0x3FB8];
	_ =	sdelay $0x3  }
0x33: {  	p0 =	seq.s32 s10, $0x1;
	s10 =	sld [smem:$0x3FBA];
	_ =	sdelay $0x3  }
0x34: {  	[smem:$0x3FBA] =	sst s10  }
0x35: {  	s10 =	sld [smem:$0x3FB9];
	_ =	sdelay $0x3  }
0x36: {  	p1 =	seq.s32 s10, $0x1;
	s10 =	sld [smem:$0x3FBA];
	_ =	sdelay $0x3  }
0x37: {  	[smem:$0x3FBA] =	sst s10  }
0x38: {  	s10 =	sld [smem:$0x3FBB]  }
0x39: {  	_ = 	snop;
	(pc) =	sbr.ind lr, $3  }
0x3a: {  	_ = 	snop  }
0x3b: {  	_ = 	snop  }
0x3c: {  	p2 =	seq.s32 s10, $0x1;
	s10 =	sld [smem:$0x3FBA]  }
0x3d: {  	_ =	shalt  }
0x3e: {  	_ =	shalt  }
0x3f: {  	_ =	shalt  }
0x40: {  	_ =	shalt  }
0x41: {  	_ =	shalt  }
0x42: {  	_ =	shalt  }
0x43: {  	_ =	shalt  }
0x44: {  	_ =	shalt  }
0x45: {  	_ =	shalt  }
0x46: {  	_ =	shalt  }
0x47: {  	_ =	shalt  }
0x48: {  	_ =	shalt  }
0x49: {  	_ =	shalt  }
0x4a: {  	_ =	shalt  }
0x4b: {  	_ =	shalt  }
0x4c: {  	_ =	shalt  }
0x4d: {  	_ =	shalt  }
0x4e: {  	_ =	shalt  }
0x4f: {  	_ =	shalt  }
0x50: {  	_ =	shalt  }
0x51: {  	_ =	shalt  }
0x52: {  	_ =	shalt  }
0x53: {  	_ =	shalt  }
0x54: {  	_ =	shalt  }
0x55: {  	_ =	shalt  }
0x56: {  	_ =	shalt  }
0x57: {  	_ =	shalt  }
0x58: {  	_ =	shalt  }
0x59: {  	_ =	shalt  }
0x5a: {  	_ =	shalt  }
0x5b: {  	_ =	shalt  }
0x5c: {  	_ =	shalt  }
0x5d: {  	_ =	shalt  }
0x5e: {  	_ =	shalt  }
0x5f: {  	_ =	shalt  }
0x60: {  	_ =	shalt  }
0x61: {  	_ =	shalt  }
0x62: {  	_ =	shalt  }
0x63: {  	_ =	shalt  }
0x64: {  	_ =	shalt  }
0x65: {  	_ =	shalt  }
0x66: {  	_ =	shalt  }
0x67: {  	_ =	shalt  }
0x68: {  	_ =	shalt  }
0x69: {  	_ =	shalt  }
0x6a: {  	_ =	shalt  }
0x6b: {  	_ =	shalt  }
0x6c: {  	_ =	shalt  }
0x6d: {  	_ =	shalt  }
0x6e: {  	_ =	shalt  }
0x6f: {  	_ =	shalt  }
0x70: {  	_ =	shalt  }
0x71: {  	_ =	shalt  }
0x72: {  	_ =	shalt  }
0x73: {  	_ =	shalt  }
0x74: {  	_ =	shalt  }
0x75: {  	_ =	shalt  }
0x76: {  	_ =	shalt  }
0x77: {  	_ =	shalt  }
0x78: {  	_ =	shalt  }
0x79: {  	_ =	shalt  }
0x7a: {  	_ =	shalt  }
0x7b: {  	_ =	shalt  }
0x7c: {  	_ =	shalt  }
0x7d: {  	_ =	shalt  }
0x7e: {  	_ =	shalt  }
0x7f: {  	_ =	shalt  }
0x80: {  	_ =	shalt  }
0x81: {  	_ =	shalt  }
0x82: {  	_ =	shalt  }
0x83: {  	_ =	shalt  }
0x84: {  	_ =	shalt  }
0x85: {  	_ =	shalt  }
0x86: {  	_ =	shalt  }
0x87: {  	_ =	shalt  }
.Lfunc_end0:
.L_simem_size_0:
called_computation_lowered:
.L_overlay_start_0:
0x88: {  	s2 =	sld [smem:$0x3FD9]  }
0x89: {  	s3 =	sld [smem:$0x3FFE];
	_ =	sdelay $0x1  }
0x8a: {  	s1 =	srdreg.scid  }
0x8b: {  	s0 =	sand.u32 $0x1, s1  }
0x8c: {  	s15 =	sshll.u32 s0, $0xA;
	s2 =	sadd.s32 s3, s2  }
0x8d: {  	s2 =	sadd.s32 s2, s15  }
0x8e: {  	[smem:$0x3FC6] =	sst s2  }
0x8f: {  	_ = 	snop  }
0x90: {  	s2 =	sld [smem:$0x3FD0];
	_ =	sdelay $0x1  }
0x91: {  	s16 =	sld [smem:$0x3FC9]  }
0x92: {  	s5 =	simm.s32 $0xA;
	s6 =	simm.s32 $0x10;
	s4 =	sld [smem:$0x3FC8]  }
0x93: {  	[smem:s6], [sflag:s5] =	dma.local [hbm:s2], $0x1  }
0x94: {  	_ =	swait.eq [sflag:s5], $0x1  }
0x95: {  	s17 =	sld [smem:$0x10]  }
0x96: {  	s18 =	sld [smem:$0x11];
	[sflag:s5] =	ssyncset.done $0x0  }
0x97: {  	s7 =	sld [smem:$0x12];
	[sflag:s5] =	ssyncadd.s32 $0xFFFFFFFF  }
0x98: {  	s19 =	sld [smem:$0x13];
	(tm) =	ssettm $0x1  }
0x99: {  	s8 =	sld [smem:$0x3FFB];
	_ =	sdelay $0x3  }
0x9a: {  	_ =	strace s8  }
0x9b: {  	s8 =	sld [smem:$0x3FFC];
	_ =	sdelay $0x3  }
0x9c: {  	_ =	strace s8  }
0x9d: {  	s8 =	sld [smem:$0x3FFD];
	_ =	sdelay $0x3  }
0x9e: {  	_ =	strace s8  }
0x9f: {  	_ =	strace $0x8FFFFFFF  }
0xa0: {  	s20 =	sld [smem:$0x3FDB];
	_ =	sdelay $0x1  }
0xa1: {  	s9 =	simm.s32 $_scs_section_size  }
0xa2: {  	s10 =	simm.s32 $_size__tile_overlayer_lowered;
	s11 =	simm.s32 $_tile_overlayer_lowered  }
0xa3: {  	s23 =	simm.s32 $0x1BFF;
	s22 =	sshll.u32 s11, $0x1;
	s8 =	sadd.s32 s9, s20  }
0xa4: {  	s12 =	simm.s32 $0x0;
	s21 =	sshll.u32 s10, $0x1;
	s10 =	sadd.s32 s22, s8  }
0xa5: {  	[timem:s12], [sflag:s23] =	dma.local [hbm:s10], s21  }
0xa6: {  	_ =	swait.ge [sflag:s23], s21  }
0xa7: {  	s9 =	ssub.s32 $0x0, s21;
	[sflag:s23] =	ssyncset.done $0x0  }
0xa8: {  	[sflag:s23] =	ssyncadd.s32 s9;
	_ =	sdelay $0x1  }
0xa9: {  	s24 =	simm.s32 $0x1B8B  }
0xaa: {  	_ =	swait.ge [sflag:s24], $0x1  }
0xab: {  	[sflag:s24] =	ssyncset.done $0x0  }
0xac: {  	s25 =	simm.s32 $0x1B8E;
	[sflag:s24] =	ssyncadd.s32 $0xFFFFFFFF  }
0xad: {  	s26 =	simm.s32 $execute0_lowered;
	[smem:$0x3FD2] =	sst s25  }
0xae: {  	s9 =	sshll.u32 s26, $0x1;
	_ =	strace $0x80000046;
	[dreg:$0x1] =	wrdreg $0xFFFFFFFF  }
0xaf: {  	s28 =	simm.s32 $_size_execute0_lowered;
	s8 =	sadd.s32 s8, s9;
	[dreg:$0x0] =	wrdreg $0x0  }
0xb0: {  	s9 =	sshll.u32 s28, $0x1;
	[dreg:$0x2] =	wrdreg s8  }
0xb1: {  	[dreg:$0x3] =	wrdreg s9  }
0xb2: {  	[dreg:$0x4] =	wrdreg $0xC0  }
0xb3: {  	_ =	task [dreg:s12], $0x5FFFF  }
0xb4: {  	[dreg:$0x1] =	wrdreg $0xFFFFFFFF  }
0xb5: {  	[dreg:$0x0] =	wrdreg $0x60  }
0xb6: {  	[dreg:$0x2] =	wrdreg s4  }
0xb7: {  	[dreg:$0x3] =	wrdreg s16  }
0xb8: {  	[dreg:$0x4] =	wrdreg s17  }
0xb9: {  	[dreg:$0x5] =	wrdreg s18  }
0xba: {  	[dreg:$0x6] =	wrdreg s7  }
0xbb: {  	[dreg:$0x7] =	wrdreg s19  }
0xbc: {  	[dreg:$0x8] =	wrdreg $0x9  }
0xbd: {  	_ =	task.clear_ibuf [dreg:s12], $0x9FFFF;
	_ =	strace $0x90000046  }
0xbe: {  	s29 =	simm.s32 $0x9;
	_ =	strace $0x80000048  }
0xbf: {  	_ =	swait.ge [sflag:s29], $0x1  }
0xc0: {  	[sflag:s29] =	ssyncadd.s32 $0xFFFFFFFF  }
0xc1: {  	_ =	strace $0x90000048  }
0xc2: {  	_ =	sfence  }
0xc3: {  	s30 =	sld [smem:$0x0];
	_ =	sdelay $0x2  }
0xc4: {  	s31 =	sshll.u32 s1, $0xD;
	s1 =	sshrl.u32 s1, $0x2  }
0xc5: {  	s3 =	sand.u32 $0x4000, s31;
	s1 =	sadd.s32 s1, s30  }
0xc6: {  	s0 =	sor.u32 s3, s0;
	s1 =	sshll.u32 s1, $0x11  }
0xc7: {  	s0 =	sor.u32 s1, s0  }
0xc8: {  	s0 =	sadd.s32 $0x8F2B, s0  }
0xc9: {  	[sflag:s0] =	ssyncadd.remote.s32 $0x1  }
0xca: {  	_ =	sfence.sel $0xFFFF  }
0xcb: {  	[dreg:$0x0] =	wrdreg $0xFFFFFFFF;
	(pc) =	sbr.abs _section_cstart, $3  }
0xcc: {  	[dreg:$0x1] =	wrdreg $0xFFFFFFFF  }
0xcd: {  	_ =	task.clear_ibuf [dreg:s12], $0x2FFFF;
	_ =	strace $0x9FFFFFFF  }
0xce: {  	(tm) =	ssettm $0x7FFFFFFF  }
0xcf: {  	_ =	shalt  }
tec
execute0_lowered:
.L_overlay_start_1:
0x0: {  	(tag) =	ssettag $0x1  }
0x1: {  	s0 =	srdreg.scid  }
0x2: {  	s2 =	rddreg [dreg:$0x0];
	s6 =	stileid.u32  }
0x3: {  	s1 =	rddreg [dreg:$0x2];
	s20 =	simm.s32 $0x0;
	s3 =	sand.u32 $0x1, s0  }
0x4: {  	s4 =	sshll.u32 s6, $0x2;
	s0 =	rddreg [dreg:$0x3];
	s5 =	sshll.u32 s3, $0x1  }
0x5: {  	s19 =	sshrl.u32 s6, $0x1;
	s3 =	ssub.s32 $0x2, s3;
	s8 =	sor.u32 s5, s4  }
0x6: {  	s7 =	smul.u32 $0xC3800, s19;
	s22 =	sshrl.u32 s3, $0x1;
	s5 =	sshll.u32 s8, $0x7  }
0x7: {  	[smem:$0x7FF] =	sst s20;
	s11 =	ssub.s32 s3, s22;
	s21 =	sand.u32 $0x300, s5  }
0x8: {  	s10 =	sshll.u32 s19, $0x11;
	s11 =	smax.u32 s11, $0x1;
	s9 =	sor.u32 s7, s21  }
0x9: {  	s12 =	sor.u32 s10, s21;
	s14 =	sor.u32 $0x80, s21;
	s23 =	sshrl.u32 s9, $0x3  }
0xa: {  	s3 =	sshrl.u32 s12, $0x3;
	s7 =	sor.u32 s7, s14;
	s10 =	sor.u32 s10, s14  }
0xb: {  	s19 =	sadd.s32 $0x61C000, s9;
	s24 =	sadd.s32 s2, s23;
	s25 =	sadd.s32 s1, s3  }
0xc: {  	s4 =	sor.u32 $0x1000, s3;
	s5 =	sor.u32 $0x2000, s3;
	s6 =	sor.u32 $0x3000, s3  }
0xd: {  	s16 =	sshrl.u32 s7, $0x3;
	s7 =	sshrl.u32 s10, $0x3;
	[dreg:$0x7] =	wrdreg s24  }
0xe: {  	s10 =	sshrl.u32 s19, $0x3;
	[dreg:$0x8] =	wrdreg s25;
	s26 =	sadd.s32 s1, s4  }
0xf: {  	s13 =	sadd.s32 s1, s5;
	s15 =	sadd.s32 s1, s6;
	[dreg:$0x9] =	wrdreg s26  }
0x10: {  	s17 =	sadd.s32 s2, s16;
	s18 =	sadd.s32 s1, s7;
	[dreg:$0xa] =	wrdreg s13  }
0x11: {  	s12 =	sor.u32 $0x1000, s7;
	s10 =	sadd.s32 s2, s10;
	[dreg:$0xb] =	wrdreg s15  }
0x12: {  	s24 =	sadd.s32 $0xC38000, s9;
	s9 =	sadd.s32 $0x1254000, s9;
	[dreg:$0xc] =	wrdreg s17  }
0x13: {  	s19 =	sadd.s32 s0, s5;
	[dreg:$0xd] =	wrdreg s18;
	s13 =	sor.u32 $0x41, s8  }
0x14: {  	s15 =	sor.u32 $0x81, s8;
	s8 =	sor.u32 $0xC1, s8;
	s22 =	sadd.s32 s1, s12  }
0x15: {  	[dreg:$0xf] =	wrdreg s10;
	s25 =	sshrl.u32 s24, $0x3;
	s9 =	sshrl.u32 s9, $0x3  }
0x16: {  	s17 =	sadd.s32 s0, s3;
	s18 =	sadd.s32 s0, s4;
	[dreg:$0x19] =	wrdreg s19  }
0x17: {  	s24 =	rddreg [dreg:$0x5];
	s19 =	simm.s32 $0x2;
	s14 =	sshrl.u32 s13, $0x3  }
0x18: {  	s13 =	sshll.u32 s13, $0x7;
	s16 =	sshrl.u32 s15, $0x3;
	[dreg:$0xe] =	wrdreg s22  }
0x19: {  	s15 =	sshll.u32 s15, $0x7;
	s21 =	sshrl.u32 s8, $0x3;
	[dreg:$0x17] =	wrdreg s17  }
0x1a: {  	s8 =	sshll.u32 s8, $0x7;
	s9 =	sadd.s32 s2, s9;
	[dreg:$0x18] =	wrdreg s18  }
0x1b: {  	s22 =	sadd.s32 s0, s12;
	s17 =	simm.s32 $0x1C700;
	s14 =	smul.u32 $0xC3800, s14  }
0x1c: {  	s18 =	simm.s32 $0x1D700;
	s13 =	sand.u32 $0x380, s13;
	s16 =	smul.u32 $0xC3800, s16  }
0x1d: {  	s20 =	sand.u32 $0x380, s15;
	s15 =	smul.u32 $0xC3800, s21;
	[dreg:$0x13] =	wrdreg s9  }
0x1e: {  	s8 =	sand.u32 $0x380, s8;
	s21 =	sadd.s32 s0, s7;
	[dreg:$0x1c] =	wrdreg s22  }
0x1f: {  	[dreg:$0x1b] =	wrdreg s21;
	s21 =	simm.s32 $0x0;
	s13 =	sor.u32 s13, s14  }
0x20: {  	s14 =	sor.u32 s20, s16;
	s8 =	sor.u32 s8, s15;
	s16 =	rddreg [dreg:$0x4]  }
0x21: {  	s20 =	sadd.s32 s0, s6;
	s23 =	sshrl.u32 s13, $0x3;
	s26 =	sshrl.u32 s14, $0x3  }
0x22: {  	s8 =	sshrl.u32 s8, $0x3;
	s13 =	sor.u32 $0x2000, s7;
	s14 =	sor.u32 $0x3000, s7  }
0x23: {  	[dreg:$0x1a] =	wrdreg s20;
	s28 =	sadd.s32 s16, s4;
	s29 =	sadd.s32 s16, s5  }
0x24: {  	s30 =	sadd.s32 s16, s6;
	s31 =	sadd.s32 s16, s7;
	s4 =	sadd.s32 s24, s4  }
0x25: {  	s5 =	sadd.s32 s24, s5;
	s6 =	sadd.s32 s24, s6;
	s10 =	sadd.s32 s2, s23  }
0x26: {  	s7 =	sadd.s32 s24, s7;
	s15 =	sadd.s32 s1, s13;
	[dreg:$0x10] =	wrdreg s10  }
0x27: {  	s20 =	simm.s32 $0x3;
	s1 =	sadd.s32 s1, s14;
	[dreg:$0x15] =	wrdreg s15  }
0x28: {  	s23 =	sadd.s32 s0, s13;
	s9 =	sadd.s32 s24, s13;
	[dreg:$0x16] =	wrdreg s1  }
0x29: {  	s10 =	sadd.s32 s2, s25;
	[dreg:$0x1d] =	wrdreg s23;
	s25 =	sadd.s32 s0, s14  }
0x2a: {  	s0 =	sadd.s32 s16, s12;
	s1 =	sadd.s32 s16, s13;
	s13 =	simm.s32 $0x400  }
0x2b: {  	s15 =	simm.s32 $0x4;
	[dreg:$0x11] =	wrdreg s10;
	s10 =	sadd.s32 s2, s26  }
0x2c: {  	s2 =	sadd.s32 s2, s8;
	s26 =	sadd.s32 s16, s3;
	s3 =	sadd.s32 s24, s3  }
0x2d: {  	s8 =	sadd.s32 s24, s12;
	s12 =	simm.s32 $0x80;
	[dreg:$0x12] =	wrdreg s10  }
0x2e: {  	[dreg:$0x14] =	wrdreg s2;
	s2 =	sadd.s32 s16, s14;
	s10 =	sadd.s32 s24, s14  }
0x2f: {  	s14 =	simm.s32 $0x4000;
	s16 =	simm.s32 $0x1;
	_ =	strace $0x80000047  }
.LBB2_1:
0x30: {  	s22 =	rddreg [dreg:$0x7]  }
0x31: {  	[tilespmem:s14], [sflag:$0x1] =	stream.strided.gather [hbm4b:s22+s12], $0x18700, s13, s12, $0x38;
	[tilespmem:$0x1E700] =	vst v63  }
0x32: {  	s24 =	simm.s32 $0x0;
	s23 =	rddreg [dreg:$0x1]  }
0x33: {  	[tilespmem:s24], [sflag:$0x4] =	stream.linear.gather [hbm4b:s23+s24], $0x4000, $0x38;
	[tilespmem:$0x1E700] =	vst v63  }
0x34: {  	_ =	swait.ge [sflag:s15], $0x4000  }
0x35: {  	[sflag:s15] =	ssyncset.done $0x0  }
0x36: {  	[sflag:s15] =	ssyncadd.s32 $0xFFFFC000  }
0x37: {  	_ =	swait.ge [sflag:s16], $0x18700  }
0x38: {  	[sflag:s16] =	ssyncset.done $0x0  }
0x39: {  	s24 =	simm.s32 $0x40;
	[sflag:s16] =	ssyncadd.s32 $0xFFFE7900  }
0x3a: {  	v0 =	vld [tilespmem:s24+$0x30]  }
0x3b: {  	v1 =	vld [tilespmem:s24+$0xFFFFFFD0]  }
0x3c: {  	v2 =	vld [tilespmem:s24+$0xFFFFFFE0]  }
0x3d: {  	v3 =	vld [tilespmem:s24+$0xFFFFFFF0]  }
0x3e: {  	v4 =	vld [tilespmem:s24+$0x0]  }
0x3f: {  	v6 =	vld [tilespmem:s24+$0x10]  }
0x40: {  	v7 =	vld [tilespmem:s24+$0x20]  }
0x41: {  	v8 =	vld [tilespmem:s24+$0xFFFFFFC0]  }
0x42: {  	v9 =	vld.idx.msk [tilespmem:v0+s14+$0x0], $0xffff  }
0x43: {  	v10 =	vld.idx.msk [tilespmem:v1+s14+$0x0], $0xffff  }
0x44: {  	v5 =	vld.idx.msk [tilespmem:v2+s14+$0x0], $0xffff  }
0x45: {  	v3 =	vld.idx.msk [tilespmem:v3+s14+$0x0], $0xffff  }
0x46: {  	v0 =	vld.idx.msk [tilespmem:v4+s14+$0x0], $0xffff  }
0x47: {  	s22 =	simm.s32 $0x1C740;
	v1 =	vld.idx.msk [tilespmem:v6+s14+$0x0], $0xffff  }
0x48: {  	v2 =	vld.idx.msk [tilespmem:v7+s14+$0x0], $0xffff;
	[tilespmem:s22+$0x30] =	vst v9  }
0x49: {  	s23 =	simm.s32 $0x0;
	s24 =	simm.s32 $0xC0;
	v4 =	vld.idx.msk [tilespmem:v8+s14+$0x0], $0xffff;
	[tilespmem:s22+$0xFFFFFFD0] =	vst v10  }
.LBB2_2:
0x4a: {  	v6 =	vld [tilespmem:s24+$0x30];
	s23 =	sadd.s32 $0x8, s23;
	[tilespmem:s22+$0xFFFFFFE0] =	vst v5  }
0x4b: {  	v5 =	vld [tilespmem:s24+$0xFFFFFFD0];
	p0 =	slt.u32 s23, $0xF8;
	[tilespmem:s22+$0xFFFFFFF0] =	vst v3  }
0x4c: {  	v3 =	vld [tilespmem:s24+$0xFFFFFFE0];
	[tilespmem:s22+$0x0] =	vst v0  }
0x4d: {  	v0 =	vld [tilespmem:s24+$0xFFFFFFF0];
	[tilespmem:s22+$0x10] =	vst v1  }
0x4e: {  	v1 =	vld [tilespmem:s24+$0x0];
	[tilespmem:s22+$0x20] =	vst v2  }
0x4f: {  	v2 =	vld [tilespmem:s24+$0x10];
	[tilespmem:s22+$0xFFFFFFC0] =	vst v4  }
0x50: {  	v4 =	vld [tilespmem:s24+$0x20]  }
0x51: {  	v7 =	vld [tilespmem:s24+$0xFFFFFFC0]  }
0x52: {  	v6 =	vld.idx.msk [tilespmem:v6+s14+$0x0], $0xffff  }
0x53: {  	v8 =	vld.idx.msk [tilespmem:v5+s14+$0x0], $0xffff  }
0x54: {  	v5 =	vld.idx.msk [tilespmem:v3+s14+$0x0], $0xffff  }
.Ltmp0:
0x55: {  	v3 =	vld.idx.msk [tilespmem:v0+s14+$0x0], $0xffff;
	(pc) =	sbr.rel @p0 .LBB2_2-.Ltmp0, $4  }
0x56: {  	v0 =	vld.idx.msk [tilespmem:v1+s14+$0x0], $0xffff  }
0x57: {  	s22 =	sadd.s32 $0x80, s22;
	v1 =	vld.idx.msk [tilespmem:v2+s14+$0x0], $0xffff  }
0x58: {  	v2 =	vld.idx.msk [tilespmem:v4+s14+$0x0], $0xffff;
	[tilespmem:s22+$0x30] =	vst v6  }
0x59: {  	s24 =	sadd.s32 $0x80, s24;
	v4 =	vld.idx.msk [tilespmem:v7+s14+$0x0], $0xffff;
	[tilespmem:s22+$0xFFFFFFD0] =	vst v8  }
0x5a: {  	[tilespmem:s22+$0xFFFFFFE0] =	vst v5  }
0x5b: {  	[tilespmem:s22+$0xFFFFFFF0] =	vst v3  }
0x5c: {  	[tilespmem:s22+$0x0] =	vst v0  }
0x5d: {  	[tilespmem:s22+$0x10] =	vst v1  }
0x5e: {  	[tilespmem:s22+$0x20] =	vst v2  }
0x5f: {  	[tilespmem:s22+$0xFFFFFFC0] =	vst v4  }
0x60: {  	s24 =	simm.s32 $0x1070;
	s22 =	rddreg [dreg:$0x8]  }
0x61: {  	[hbm4b:s22+s12] =	stream.strided.scatter [tilespmem:s17], [sflag:$0x2], $0x1000, s13, s12, $0x38;
	[tilespmem:$0x1E700] =	vst v63  }
0x62: {  	v0 =	vld [tilespmem:s24+$0x0]  }
0x63: {  	v1 =	vld [tilespmem:s24+$0xFFFFFFA0]  }
0x64: {  	v2 =	vld [tilespmem:s24+$0xFFFFFFB0]  }
0x65: {  	v3 =	vld [tilespmem:s24+$0xFFFFFFC0]  }
0x66: {  	v4 =	vld [tilespmem:s24+$0xFFFFFFD0]  }
0x67: {  	v6 =	vld [tilespmem:s24+$0xFFFFFFE0]  }
0x68: {  	v7 =	vld [tilespmem:s24+$0xFFFFFFF0]  }
0x69: {  	v8 =	vld [tilespmem:s24+$0xFFFFFF90]  }
0x6a: {  	v9 =	vld.idx.msk [tilespmem:v0+s14+$0x0], $0xffff  }
0x6b: {  	v10 =	vld.idx.msk [tilespmem:v1+s14+$0x0], $0xffff  }
0x6c: {  	v5 =	vld.idx.msk [tilespmem:v2+s14+$0x0], $0xffff  }
0x6d: {  	v3 =	vld.idx.msk [tilespmem:v3+s14+$0x0], $0xffff  }
0x6e: {  	v0 =	vld.idx.msk [tilespmem:v4+s14+$0x0], $0xffff  }
0x6f: {  	s22 =	simm.s32 $0x1D740;
	v1 =	vld.idx.msk [tilespmem:v6+s14+$0x0], $0xffff  }
0x70: {  	v2 =	vld.idx.msk [tilespmem:v7+s14+$0x0], $0xffff;
	[tilespmem:s22+$0x30] =	vst v9  }
0x71: {  	s23 =	simm.s32 $0x0;
	s24 =	simm.s32 $0x10F0;
	v4 =	vld.idx.msk [tilespmem:v8+s14+$0x0], $0xffff;
	[tilespmem:s22+$0xFFFFFFD0] =	vst v10  }
.LBB2_4:
0x72: {  	v6 =	vld [tilespmem:s24+$0x0];
	s23 =	sadd.s32 $0x8, s23;
	[tilespmem:s22+$0xFFFFFFE0] =	vst v5  }
0x73: {  	v5 =	vld [tilespmem:s24+$0xFFFFFFA0];
	p0 =	slt.u32 s23, $0xF8;
	[tilespmem:s22+$0xFFFFFFF0] =	vst v3  }
0x74: {  	v3 =	vld [tilespmem:s24+$0xFFFFFFB0];
	[tilespmem:s22+$0x0] =	vst v0  }
0x75: {  	v0 =	vld [tilespmem:s24+$0xFFFFFFC0];
	[tilespmem:s22+$0x10] =	vst v1  }
0x76: {  	v1 =	vld [tilespmem:s24+$0xFFFFFFD0];
	[tilespmem:s22+$0x20] =	vst v2  }
0x77: {  	v2 =	vld [tilespmem:s24+$0xFFFFFFE0];
	[tilespmem:s22+$0xFFFFFFC0] =	vst v4  }
0x78: {  	v4 =	vld [tilespmem:s24+$0xFFFFFFF0]  }
0x79: {  	v7 =	vld [tilespmem:s24+$0xFFFFFF90]  }
0x7a: {  	v6 =	vld.idx.msk [tilespmem:v6+s14+$0x0], $0xffff  }
0x7b: {  	v8 =	vld.idx.msk [tilespmem:v5+s14+$0x0], $0xffff  }
0x7c: {  	v5 =	vld.idx.msk [tilespmem:v3+s14+$0x0], $0xffff  }
.Ltmp1:
0x7d: {  	v3 =	vld.idx.msk [tilespmem:v0+s14+$0x0], $0xffff;
	(pc) =	sbr.rel @p0 .LBB2_4-.Ltmp1, $4  }
0x7e: {  	v0 =	vld.idx.msk [tilespmem:v1+s14+$0x0], $0xffff  }
0x7f: {  	s22 =	sadd.s32 $0x80, s22;
	v1 =	vld.idx.msk [tilespmem:v2+s14+$0x0], $0xffff  }
0x80: {  	v2 =	vld.idx.msk [tilespmem:v4+s14+$0x0], $0xffff;
	[tilespmem:s22+$0x30] =	vst v6  }
0x81: {  	s24 =	sadd.s32 $0x80, s24;
	v4 =	vld.idx.msk [tilespmem:v7+s14+$0x0], $0xffff;
	[tilespmem:s22+$0xFFFFFFD0] =	vst v8  }
0x82: {  	[tilespmem:s22+$0xFFFFFFE0] =	vst v5  }
0x83: {  	[tilespmem:s22+$0xFFFFFFF0] =	vst v3  }
0x84: {  	[tilespmem:s22+$0x0] =	vst v0  }
0x85: {  	[tilespmem:s22+$0x10] =	vst v1  }
0x86: {  	[tilespmem:s22+$0x20] =	vst v2  }
0x87: {  	[tilespmem:s22+$0xFFFFFFC0] =	vst v4  }
0x88: {  	s22 =	rddreg [dreg:$0x9]  }
0x89: {  	[hbm4b:s22+s12] =	stream.strided.scatter [tilespmem:s18], [sflag:$0x3], $0x1000, s13, s12, $0x38;
	[tilespmem:$0x1E700] =	vst v63  }
0x8a: {  	_ =	swait.ge [sflag:s19], $0x1000  }
0x8b: {  	[sflag:s19] =	ssyncset.done $0x0  }
0x8c: {  	s24 =	simm.s32 $0x2070;
	[sflag:s19] =	ssyncadd.s32 $0xFFFFF000  }
0x8d: {  	v0 =	vld [tilespmem:s24+$0x0]  }
0x8e: {  	v1 =	vld [tilespmem:s24+$0xFFFFFFA0]  }
0x8f: {  	v2 =	vld [tilespmem:s24+$0xFFFFFFB0]  }
0x90: {  	v3 =	vld [tilespmem:s24+$0xFFFFFFC0]  }
0x91: {  	v4 =	vld [tilespmem:s24+$0xFFFFFFD0]  }
0x92: {  	v6 =	vld [tilespmem:s24+$0xFFFFFFE0]  }
0x93: {  	v7 =	vld [tilespmem:s24+$0xFFFFFFF0]  }
0x94: {  	v8 =	vld [tilespmem:s24+$0xFFFFFF90]  }
0x95: {  	v9 =	vld.idx.msk [tilespmem:v0+s14+$0x0], $0xffff  }
0x96: {  	v10 =	vld.idx.msk [tilespmem:v1+s14+$0x0], $0xffff  }
0x97: {  	v5 =	vld.idx.msk [tilespmem:v2+s14+$0x0], $0xffff  }
0x98: {  	v3 =	vld.idx.msk [tilespmem:v3+s14+$0x0], $0xffff  }
0x99: {  	v0 =	vld.idx.msk [tilespmem:v4+s14+$0x0], $0xffff  }
0x9a: {  	s22 =	simm.s32 $0x1C740;
	v1 =	vld.idx.msk [tilespmem:v6+s14+$0x0], $0xffff  }
0x9b: {  	v2 =	vld.idx.msk [tilespmem:v7+s14+$0x0], $0xffff;
	[tilespmem:s22+$0x30] =	vst v9  }
0x9c: {  	s23 =	simm.s32 $0x0;
	s24 =	simm.s32 $0x20F0;
	v4 =	vld.idx.msk [tilespmem:v8+s14+$0x0], $0xffff;
	[tilespmem:s22+$0xFFFFFFD0] =	vst v10  }
.LBB2_6:
0x9d: {  	v6 =	vld [tilespmem:s24+$0x0];
	s23 =	sadd.s32 $0x8, s23;
	[tilespmem:s22+$0xFFFFFFE0] =	vst v5  }
0x9e: {  	v5 =	vld [tilespmem:s24+$0xFFFFFFA0];
	p0 =	slt.u32 s23, $0xF8;
	[tilespmem:s22+$0xFFFFFFF0] =	vst v3  }
0x9f: {  	v3 =	vld [tilespmem:s24+$0xFFFFFFB0];
	[tilespmem:s22+$0x0] =	vst v0  }
0xa0: {  	v0 =	vld [tilespmem:s24+$0xFFFFFFC0];
	[tilespmem:s22+$0x10] =	vst v1  }
0xa1: {  	v1 =	vld [tilespmem:s24+$0xFFFFFFD0];
	[tilespmem:s22+$0x20] =	vst v2  }
0xa2: {  	v2 =	vld [tilespmem:s24+$0xFFFFFFE0];
	[tilespmem:s22+$0xFFFFFFC0] =	vst v4  }
0xa3: {  	v4 =	vld [tilespmem:s24+$0xFFFFFFF0]  }
0xa4: {  	v7 =	vld [tilespmem:s24+$0xFFFFFF90]  }
0xa5: {  	v6 =	vld.idx.msk [tilespmem:v6+s14+$0x0], $0xffff  }
0xa6: {  	v8 =	vld.idx.msk [tilespmem:v5+s14+$0x0], $0xffff  }
0xa7: {  	v5 =	vld.idx.msk [tilespmem:v3+s14+$0x0], $0xffff  }
.Ltmp2:
0xa8: {  	v3 =	vld.idx.msk [tilespmem:v0+s14+$0x0], $0xffff;
	(pc) =	sbr.rel @p0 .LBB2_6-.Ltmp2, $4  }
0xa9: {  	v0 =	vld.idx.msk [tilespmem:v1+s14+$0x0], $0xffff  }
0xaa: {  	s22 =	sadd.s32 $0x80, s22;
	v1 =	vld.idx.msk [tilespmem:v2+s14+$0x0], $0xffff  }
0xab: {  	v2 =	vld.idx.msk [tilespmem:v4+s14+$0x0], $0xffff;
	[tilespmem:s22+$0x30] =	vst v6  }
0xac: {  	s24 =	sadd.s32 $0x80, s24;
	v4 =	vld.idx.msk [tilespmem:v7+s14+$0x0], $0xffff;
	[tilespmem:s22+$0xFFFFFFD0] =	vst v8  }
0xad: {  	[tilespmem:s22+$0xFFFFFFE0] =	vst v5  }
0xae: {  	[tilespmem:s22+$0xFFFFFFF0] =	vst v3  }
0xaf: {  	[tilespmem:s22+$0x0] =	vst v0  }
0xb0: {  	[tilespmem:s22+$0x10] =	vst v1  }
0xb1: {  	[tilespmem:s22+$0x20] =	vst v2  }
0xb2: {  	[tilespmem:s22+$0xFFFFFFC0] =	vst v4  }
0xb3: {  	s22 =	rddreg [dreg:$0xa]  }
0xb4: {  	[hbm4b:s22+s12] =	stream.strided.scatter [tilespmem:s17], [sflag:$0x2], $0x1000, s13, s12, $0x38;
	[tilespmem:$0x1E700] =	vst v63  }
0xb5: {  	_ =	swait.ge [sflag:s20], $0x1000  }
0xb6: {  	[sflag:s20] =	ssyncset.done $0x0  }
0xb7: {  	s24 =	simm.s32 $0x3070;
	[sflag:s20] =	ssyncadd.s32 $0xFFFFF000  }
0xb8: {  	v0 =	vld [tilespmem:s24+$0x0]  }
0xb9: {  	v1 =	vld [tilespmem:s24+$0xFFFFFFA0]  }
0xba: {  	v2 =	vld [tilespmem:s24+$0xFFFFFFB0]  }
0xbb: {  	v3 =	vld [tilespmem:s24+$0xFFFFFFC0]  }
0xbc: {  	v4 =	vld [tilespmem:s24+$0xFFFFFFD0]  }
0xbd: {  	v6 =	vld [tilespmem:s24+$0xFFFFFFE0]  }
0xbe: {  	v7 =	vld [tilespmem:s24+$0xFFFFFFF0]  }
0xbf: {  	v8 =	vld [tilespmem:s24+$0xFFFFFF90]  }
0xc0: {  	v9 =	vld.idx.msk [tilespmem:v0+s14+$0x0], $0xffff  }
0xc1: {  	v10 =	vld.idx.msk [tilespmem:v1+s14+$0x0], $0xffff  }
0xc2: {  	v5 =	vld.idx.msk [tilespmem:v2+s14+$0x0], $0xffff  }
0xc3: {  	v3 =	vld.idx.msk [tilespmem:v3+s14+$0x0], $0xffff  }
0xc4: {  	v0 =	vld.idx.msk [tilespmem:v4+s14+$0x0], $0xffff  }
0xc5: {  	s22 =	simm.s32 $0x1D740;
	v1 =	vld.idx.msk [tilespmem:v6+s14+$0x0], $0xffff  }
0xc6: {  	v2 =	vld.idx.msk [tilespmem:v7+s14+$0x0], $0xffff;
	[tilespmem:s22+$0x30] =	vst v9  }
0xc7: {  	s23 =	simm.s32 $0x0;
	s24 =	simm.s32 $0x30F0;
	v4 =	vld.idx.msk [tilespmem:v8+s14+$0x0], $0xffff;
	[tilespmem:s22+$0xFFFFFFD0] =	vst v10  }
.LBB2_8:
0xc8: {  	v6 =	vld [tilespmem:s24+$0x0];
	s23 =	sadd.s32 $0x8, s23;
	[tilespmem:s22+$0xFFFFFFE0] =	vst v5  }
0xc9: {  	v5 =	vld [tilespmem:s24+$0xFFFFFFA0];
	p0 =	slt.u32 s23, $0xF8;
	[tilespmem:s22+$0xFFFFFFF0] =	vst v3  }
0xca: {  	v3 =	vld [tilespmem:s24+$0xFFFFFFB0];
	[tilespmem:s22+$0x0] =	vst v0  }
0xcb: {  	v0 =	vld [tilespmem:s24+$0xFFFFFFC0];
	[tilespmem:s22+$0x10] =	vst v1  }
0xcc: {  	v1 =	vld [tilespmem:s24+$0xFFFFFFD0];
	[tilespmem:s22+$0x20] =	vst v2  }
0xcd: {  	v2 =	vld [tilespmem:s24+$0xFFFFFFE0];
	[tilespmem:s22+$0xFFFFFFC0] =	vst v4  }
0xce: {  	v4 =	vld [tilespmem:s24+$0xFFFFFFF0]  }
0xcf: {  	v7 =	vld [tilespmem:s24+$0xFFFFFF90]  }
0xd0: {  	v6 =	vld.idx.msk [tilespmem:v6+s14+$0x0], $0xffff  }
0xd1: {  	v8 =	vld.idx.msk [tilespmem:v5+s14+$0x0], $0xffff  }
0xd2: {  	v5 =	vld.idx.msk [tilespmem:v3+s14+$0x0], $0xffff  }
.Ltmp3:
0xd3: {  	v3 =	vld.idx.msk [tilespmem:v0+s14+$0x0], $0xffff;
	(pc) =	sbr.rel @p0 .LBB2_8-.Ltmp3, $4  }
0xd4: {  	v0 =	vld.idx.msk [tilespmem:v1+s14+$0x0], $0xffff  }
0xd5: {  	s22 =	sadd.s32 $0x80, s22;
	v1 =	vld.idx.msk [tilespmem:v2+s14+$0x0], $0xffff  }
0xd6: {  	v2 =	vld.idx.msk [tilespmem:v4+s14+$0x0], $0xffff;
	[tilespmem:s22+$0x30] =	vst v6  }
0xd7: {  	s24 =	sadd.s32 $0x80, s24;
	v4 =	vld.idx.msk [tilespmem:v7+s14+$0x0], $0xffff;
	[tilespmem:s22+$0xFFFFFFD0] =	vst v8  }
0xd8: {  	[tilespmem:s22+$0xFFFFFFE0] =	vst v5  }
0xd9: {  	[tilespmem:s22+$0xFFFFFFF0] =	vst v3  }
0xda: {  	[tilespmem:s22+$0x0] =	vst v0  }
0xdb: {  	[tilespmem:s22+$0x10] =	vst v1  }
0xdc: {  	[tilespmem:s22+$0x20] =	vst v2  }
0xdd: {  	[tilespmem:s22+$0xFFFFFFC0] =	vst v4  }
0xde: {  	s22 =	rddreg [dreg:$0xb]  }
0xdf: {  	[hbm4b:s22+s12] =	stream.strided.scatter [tilespmem:s18], [sflag:$0x3], $0x1000, s13, s12, $0x38;
	[tilespmem:$0x1E700] =	vst v63  }
0xe0: {  	s23 =	rddreg [dreg:$0xc]  }
0xe1: {  	[tilespmem:s14], [sflag:$0x1] =	stream.strided.gather [hbm4b:s23+s12], $0x18700, s13, s12, $0x38;
	[tilespmem:$0x1E700] =	vst v63  }
0xe2: {  	_ =	swait.ge [sflag:s16], $0x18700  }
0xe3: {  	[sflag:s16] =	ssyncset.done $0x0  }
0xe4: {  	[sflag:s16] =	ssyncadd.s32 $0xFFFE7900  }
0xe5: {  	_ =	swait.ge [sflag:s19], $0x1000  }
0xe6: {  	[sflag:s19] =	ssyncset.done $0x0  }
0xe7: {  	s24 =	simm.s32 $0x40;
	[sflag:s19] =	ssyncadd.s32 $0xFFFFF000  }
0xe8: {  	v0 =	vld [tilespmem:s24+$0x30]  }
0xe9: {  	v1 =	vld [tilespmem:s24+$0xFFFFFFD0]  }
0xea: {  	v2 =	vld [tilespmem:s24+$0xFFFFFFE0]  }
0xeb: {  	v3 =	vld [tilespmem:s24+$0xFFFFFFF0]  }
0xec: {  	v4 =	vld [tilespmem:s24+$0x0]  }
0xed: {  	v6 =	vld [tilespmem:s24+$0x10]  }
0xee: {  	v7 =	vld [tilespmem:s24+$0x20]  }
0xef: {  	v8 =	vld [tilespmem:s24+$0xFFFFFFC0]  }
0xf0: {  	v9 =	vld.idx.msk [tilespmem:v0+s14+$0x0], $0xffff  }
0xf1: {  	v10 =	vld.idx.msk [tilespmem:v1+s14+$0x0], $0xffff  }
0xf2: {  	v5 =	vld.idx.msk [tilespmem:v2+s14+$0x0], $0xffff  }
0xf3: {  	v3 =	vld.idx.msk [tilespmem:v3+s14+$0x0], $0xffff  }
0xf4: {  	v0 =	vld.idx.msk [tilespmem:v4+s14+$0x0], $0xffff  }
0xf5: {  	s22 =	simm.s32 $0x1C740;
	v1 =	vld.idx.msk [tilespmem:v6+s14+$0x0], $0xffff  }
0xf6: {  	v2 =	vld.idx.msk [tilespmem:v7+s14+$0x0], $0xffff;
	[tilespmem:s22+$0x30] =	vst v9  }
0xf7: {  	s23 =	simm.s32 $0x0;
	s24 =	simm.s32 $0xC0;
	v4 =	vld.idx.msk [tilespmem:v8+s14+$0x0], $0xffff;
	[tilespmem:s22+$0xFFFFFFD0] =	vst v10  }
.LBB2_10:
0xf8: {  	v6 =	vld [tilespmem:s24+$0x30];
	s23 =	sadd.s32 $0x8, s23;
	[tilespmem:s22+$0xFFFFFFE0] =	vst v5  }
0xf9: {  	v5 =	vld [tilespmem:s24+$0xFFFFFFD0];
	p0 =	slt.u32 s23, $0xF8;
	[tilespmem:s22+$0xFFFFFFF0] =	vst v3  }
0xfa: {  	v3 =	vld [tilespmem:s24+$0xFFFFFFE0];
	[tilespmem:s22+$0x0] =	vst v0  }
0xfb: {  	v0 =	vld [tilespmem:s24+$0xFFFFFFF0];
	[tilespmem:s22+$0x10] =	vst v1  }
0xfc: {  	v1 =	vld [tilespmem:s24+$0x0];
	[tilespmem:s22+$0x20] =	vst v2  }
0xfd: {  	v2 =	vld [tilespmem:s24+$0x10];
	[tilespmem:s22+$0xFFFFFFC0] =	vst v4  }
0xfe: {  	v4 =	vld [tilespmem:s24+$0x20]  }
0xff: {  	v7 =	vld [tilespmem:s24+$0xFFFFFFC0]  }
0x100: {  	v6 =	vld.idx.msk [tilespmem:v6+s14+$0x0], $0xffff  }
0x101: {  	v8 =	vld.idx.msk [tilespmem:v5+s14+$0x0], $0xffff  }
0x102: {  	v5 =	vld.idx.msk [tilespmem:v3+s14+$0x0], $0xffff  }
.Ltmp4:
0x103: {  	v3 =	vld.idx.msk [tilespmem:v0+s14+$0x0], $0xffff;
	(pc) =	sbr.rel @p0 .LBB2_10-.Ltmp4, $4  }
0x104: {  	v0 =	vld.idx.msk [tilespmem:v1+s14+$0x0], $0xffff  }
0x105: {  	s22 =	sadd.s32 $0x80, s22;
	v1 =	vld.idx.msk [tilespmem:v2+s14+$0x0], $0xffff  }
0x106: {  	v2 =	vld.idx.msk [tilespmem:v4+s14+$0x0], $0xffff;
	[tilespmem:s22+$0x30] =	vst v6  }
0x107: {  	s24 =	sadd.s32 $0x80, s24;
	v4 =	vld.idx.msk [tilespmem:v7+s14+$0x0], $0xffff;
	[tilespmem:s22+$0xFFFFFFD0] =	vst v8  }
0x108: {  	[tilespmem:s22+$0xFFFFFFE0] =	vst v5  }
0x109: {  	[tilespmem:s22+$0xFFFFFFF0] =	vst v3  }
0x10a: {  	[tilespmem:s22+$0x0] =	vst v0  }
0x10b: {  	[tilespmem:s22+$0x10] =	vst v1  }
0x10c: {  	[tilespmem:s22+$0x20] =	vst v2  }
0x10d: {  	[tilespmem:s22+$0xFFFFFFC0] =	vst v4  }
0x10e: {  	s22 =	rddreg [dreg:$0xd]  }
0x10f: {  	[hbm4b:s22+s12] =	stream.strided.scatter [tilespmem:s17], [sflag:$0x2], $0x1000, s13, s12, $0x38;
	[tilespmem:$0x1E700] =	vst v63  }
0x110: {  	_ =	swait.ge [sflag:s20], $0x1000  }
0x111: {  	[sflag:s20] =	ssyncset.done $0x0  }
0x112: {  	s24 =	simm.s32 $0x1070;
	[sflag:s20] =	ssyncadd.s32 $0xFFFFF000  }
0x113: {  	v0 =	vld [tilespmem:s24+$0x0]  }
0x114: {  	v1 =	vld [tilespmem:s24+$0xFFFFFFA0]  }
0x115: {  	v2 =	vld [tilespmem:s24+$0xFFFFFFB0]  }
0x116: {  	v3 =	vld [tilespmem:s24+$0xFFFFFFC0]  }
0x117: {  	v4 =	vld [tilespmem:s24+$0xFFFFFFD0]  }
0x118: {  	v6 =	vld [tilespmem:s24+$0xFFFFFFE0]  }
0x119: {  	v7 =	vld [tilespmem:s24+$0xFFFFFFF0]  }
0x11a: {  	v8 =	vld [tilespmem:s24+$0xFFFFFF90]  }
0x11b: {  	v9 =	vld.idx.msk [tilespmem:v0+s14+$0x0], $0xffff  }
0x11c: {  	v10 =	vld.idx.msk [tilespmem:v1+s14+$0x0], $0xffff  }
0x11d: {  	v5 =	vld.idx.msk [tilespmem:v2+s14+$0x0], $0xffff  }
0x11e: {  	v3 =	vld.idx.msk [tilespmem:v3+s14+$0x0], $0xffff  }
0x11f: {  	v0 =	vld.idx.msk [tilespmem:v4+s14+$0x0], $0xffff  }
0x120: {  	s22 =	simm.s32 $0x1D740;
	v1 =	vld.idx.msk [tilespmem:v6+s14+$0x0], $0xffff  }
0x121: {  	v2 =	vld.idx.msk [tilespmem:v7+s14+$0x0], $0xffff;
	[tilespmem:s22+$0x30] =	vst v9  }
0x122: {  	s23 =	simm.s32 $0x0;
	s24 =	simm.s32 $0x10F0;
	v4 =	vld.idx.msk [tilespmem:v8+s14+$0x0], $0xffff;
	[tilespmem:s22+$0xFFFFFFD0] =	vst v10  }
.LBB2_12:
0x123: {  	v6 =	vld [tilespmem:s24+$0x0];
	s23 =	sadd.s32 $0x8, s23;
	[tilespmem:s22+$0xFFFFFFE0] =	vst v5  }
0x124: {  	v5 =	vld [tilespmem:s24+$0xFFFFFFA0];
	p0 =	slt.u32 s23, $0xF8;
	[tilespmem:s22+$0xFFFFFFF0] =	vst v3  }
0x125: {  	v3 =	vld [tilespmem:s24+$0xFFFFFFB0];
	[tilespmem:s22+$0x0] =	vst v0  }
0x126: {  	v0 =	vld [tilespmem:s24+$0xFFFFFFC0];
	[tilespmem:s22+$0x10] =	vst v1  }
0x127: {  	v1 =	vld [tilespmem:s24+$0xFFFFFFD0];
	[tilespmem:s22+$0x20] =	vst v2  }
0x128: {  	v2 =	vld [tilespmem:s24+$0xFFFFFFE0];
	[tilespmem:s22+$0xFFFFFFC0] =	vst v4  }
0x129: {  	v4 =	vld [tilespmem:s24+$0xFFFFFFF0]  }
0x12a: {  	v7 =	vld [tilespmem:s24+$0xFFFFFF90]  }
0x12b: {  	v6 =	vld.idx.msk [tilespmem:v6+s14+$0x0], $0xffff  }
0x12c: {  	v8 =	vld.idx.msk [tilespmem:v5+s14+$0x0], $0xffff  }
0x12d: {  	v5 =	vld.idx.msk [tilespmem:v3+s14+$0x0], $0xffff  }
.Ltmp5:
0x12e: {  	v3 =	vld.idx.msk [tilespmem:v0+s14+$0x0], $0xffff;
	(pc) =	sbr.rel @p0 .LBB2_12-.Ltmp5, $4  }
0x12f: {  	v0 =	vld.idx.msk [tilespmem:v1+s14+$0x0], $0xffff  }
0x130: {  	s22 =	sadd.s32 $0x80, s22;
	v1 =	vld.idx.msk [tilespmem:v2+s14+$0x0], $0xffff  }
0x131: {  	v2 =	vld.idx.msk [tilespmem:v4+s14+$0x0], $0xffff;
	[tilespmem:s22+$0x30] =	vst v6  }
0x132: {  	s24 =	sadd.s32 $0x80, s24;
	v4 =	vld.idx.msk [tilespmem:v7+s14+$0x0], $0xffff;
	[tilespmem:s22+$0xFFFFFFD0] =	vst v8  }
0x133: {  	[tilespmem:s22+$0xFFFFFFE0] =	vst v5  }
0x134: {  	[tilespmem:s22+$0xFFFFFFF0] =	vst v3  }
0x135: {  	[tilespmem:s22+$0x0] =	vst v0  }
0x136: {  	[tilespmem:s22+$0x10] =	vst v1  }
0x137: {  	[tilespmem:s22+$0x20] =	vst v2  }
0x138: {  	[tilespmem:s22+$0xFFFFFFC0] =	vst v4  }
0x139: {  	s22 =	rddreg [dreg:$0xe]  }
0x13a: {  	[hbm4b:s22+s12] =	stream.strided.scatter [tilespmem:s18], [sflag:$0x3], $0x1000, s13, s12, $0x38;
	[tilespmem:$0x1E700] =	vst v63  }
0x13b: {  	_ =	swait.ge [sflag:s19], $0x1000  }
0x13c: {  	[sflag:s19] =	ssyncset.done $0x0  }
0x13d: {  	s24 =	simm.s32 $0x2070;
	[sflag:s19] =	ssyncadd.s32 $0xFFFFF000  }
0x13e: {  	v0 =	vld [tilespmem:s24+$0x0]  }
0x13f: {  	v1 =	vld [tilespmem:s24+$0xFFFFFFA0]  }
0x140: {  	v2 =	vld [tilespmem:s24+$0xFFFFFFB0]  }
0x141: {  	v3 =	vld [tilespmem:s24+$0xFFFFFFC0]  }
0x142: {  	v4 =	vld [tilespmem:s24+$0xFFFFFFD0]  }
0x143: {  	v6 =	vld [tilespmem:s24+$0xFFFFFFE0]  }
0x144: {  	v7 =	vld [tilespmem:s24+$0xFFFFFFF0]  }
0x145: {  	v8 =	vld [tilespmem:s24+$0xFFFFFF90]  }
0x146: {  	v9 =	vld.idx.msk [tilespmem:v0+s14+$0x0], $0xffff  }
0x147: {  	v10 =	vld.idx.msk [tilespmem:v1+s14+$0x0], $0xffff  }
0x148: {  	v5 =	vld.idx.msk [tilespmem:v2+s14+$0x0], $0xffff  }
0x149: {  	v3 =	vld.idx.msk [tilespmem:v3+s14+$0x0], $0xffff  }
0x14a: {  	v0 =	vld.idx.msk [tilespmem:v4+s14+$0x0], $0xffff  }
0x14b: {  	s22 =	simm.s32 $0x1C740;
	v1 =	vld.idx.msk [tilespmem:v6+s14+$0x0], $0xffff  }
0x14c: {  	v2 =	vld.idx.msk [tilespmem:v7+s14+$0x0], $0xffff;
	[tilespmem:s22+$0x30] =	vst v9  }
0x14d: {  	s23 =	simm.s32 $0x0;
	s24 =	simm.s32 $0x20F0;
	v4 =	vld.idx.msk [tilespmem:v8+s14+$0x0], $0xffff;
	[tilespmem:s22+$0xFFFFFFD0] =	vst v10  }
.LBB2_14:
0x14e: {  	v6 =	vld [tilespmem:s24+$0x0];
	s23 =	sadd.s32 $0x8, s23;
	[tilespmem:s22+$0xFFFFFFE0] =	vst v5  }
0x14f: {  	v5 =	vld [tilespmem:s24+$0xFFFFFFA0];
	p0 =	slt.u32 s23, $0xF8;
	[tilespmem:s22+$0xFFFFFFF0] =	vst v3  }
0x150: {  	v3 =	vld [tilespmem:s24+$0xFFFFFFB0];
	[tilespmem:s22+$0x0] =	vst v0  }
0x151: {  	v0 =	vld [tilespmem:s24+$0xFFFFFFC0];
	[tilespmem:s22+$0x10] =	vst v1  }
0x152: {  	v1 =	vld [tilespmem:s24+$0xFFFFFFD0];
	[tilespmem:s22+$0x20] =	vst v2  }
0x153: {  	v2 =	vld [tilespmem:s24+$0xFFFFFFE0];
	[tilespmem:s22+$0xFFFFFFC0] =	vst v4  }
0x154: {  	v4 =	vld [tilespmem:s24+$0xFFFFFFF0]  }
0x155: {  	v7 =	vld [tilespmem:s24+$0xFFFFFF90]  }
0x156: {  	v6 =	vld.idx.msk [tilespmem:v6+s14+$0x0], $0xffff  }
0x157: {  	v8 =	vld.idx.msk [tilespmem:v5+s14+$0x0], $0xffff  }
0x158: {  	v5 =	vld.idx.msk [tilespmem:v3+s14+$0x0], $0xffff  }
.Ltmp6:
0x159: {  	v3 =	vld.idx.msk [tilespmem:v0+s14+$0x0], $0xffff;
	(pc) =	sbr.rel @p0 .LBB2_14-.Ltmp6, $4  }
0x15a: {  	v0 =	vld.idx.msk [tilespmem:v1+s14+$0x0], $0xffff  }
0x15b: {  	s22 =	sadd.s32 $0x80, s22;
	v1 =	vld.idx.msk [tilespmem:v2+s14+$0x0], $0xffff  }
0x15c: {  	v2 =	vld.idx.msk [tilespmem:v4+s14+$0x0], $0xffff;
	[tilespmem:s22+$0x30] =	vst v6  }
0x15d: {  	s24 =	sadd.s32 $0x80, s24;
	v4 =	vld.idx.msk [tilespmem:v7+s14+$0x0], $0xffff;
	[tilespmem:s22+$0xFFFFFFD0] =	vst v8  }
0x15e: {  	[tilespmem:s22+$0xFFFFFFE0] =	vst v5  }
0x15f: {  	[tilespmem:s22+$0xFFFFFFF0] =	vst v3  }
0x160: {  	[tilespmem:s22+$0x0] =	vst v0  }
0x161: {  	[tilespmem:s22+$0x10] =	vst v1  }
0x162: {  	[tilespmem:s22+$0x20] =	vst v2  }
0x163: {  	[tilespmem:s22+$0xFFFFFFC0] =	vst v4  }
0x164: {  	s22 =	rddreg [dreg:$0x15]  }
0x165: {  	[hbm4b:s22+s12] =	stream.strided.scatter [tilespmem:s17], [sflag:$0x2], $0x1000, s13, s12, $0x38;
	[tilespmem:$0x1E700] =	vst v63  }
0x166: {  	_ =	swait.ge [sflag:s20], $0x1000  }
0x167: {  	[sflag:s20] =	ssyncset.done $0x0  }
0x168: {  	s24 =	simm.s32 $0x3070;
	[sflag:s20] =	ssyncadd.s32 $0xFFFFF000  }
0x169: {  	v0 =	vld [tilespmem:s24+$0x0]  }
0x16a: {  	v1 =	vld [tilespmem:s24+$0xFFFFFFA0]  }
0x16b: {  	v2 =	vld [tilespmem:s24+$0xFFFFFFB0]  }
0x16c: {  	v3 =	vld [tilespmem:s24+$0xFFFFFFC0]  }
0x16d: {  	v4 =	vld [tilespmem:s24+$0xFFFFFFD0]  }
0x16e: {  	v6 =	vld [tilespmem:s24+$0xFFFFFFE0]  }
0x16f: {  	v7 =	vld [tilespmem:s24+$0xFFFFFFF0]  }
0x170: {  	v8 =	vld [tilespmem:s24+$0xFFFFFF90]  }
0x171: {  	v9 =	vld.idx.msk [tilespmem:v0+s14+$0x0], $0xffff  }
0x172: {  	v10 =	vld.idx.msk [tilespmem:v1+s14+$0x0], $0xffff  }
0x173: {  	v5 =	vld.idx.msk [tilespmem:v2+s14+$0x0], $0xffff  }
0x174: {  	v3 =	vld.idx.msk [tilespmem:v3+s14+$0x0], $0xffff  }
0x175: {  	v0 =	vld.idx.msk [tilespmem:v4+s14+$0x0], $0xffff  }
0x176: {  	s22 =	simm.s32 $0x1D740;
	v1 =	vld.idx.msk [tilespmem:v6+s14+$0x0], $0xffff  }
0x177: {  	v2 =	vld.idx.msk [tilespmem:v7+s14+$0x0], $0xffff;
	[tilespmem:s22+$0x30] =	vst v9  }
0x178: {  	s23 =	simm.s32 $0x0;
	s24 =	simm.s32 $0x30F0;
	v4 =	vld.idx.msk [tilespmem:v8+s14+$0x0], $0xffff;
	[tilespmem:s22+$0xFFFFFFD0] =	vst v10  }
.LBB2_16:
0x179: {  	v6 =	vld [tilespmem:s24+$0x0];
	s23 =	sadd.s32 $0x8, s23;
	[tilespmem:s22+$0xFFFFFFE0] =	vst v5  }
0x17a: {  	v5 =	vld [tilespmem:s24+$0xFFFFFFA0];
	p0 =	slt.u32 s23, $0xF8;
	[tilespmem:s22+$0xFFFFFFF0] =	vst v3  }
0x17b: {  	v3 =	vld [tilespmem:s24+$0xFFFFFFB0];
	[tilespmem:s22+$0x0] =	vst v0  }
0x17c: {  	v0 =	vld [tilespmem:s24+$0xFFFFFFC0];
	[tilespmem:s22+$0x10] =	vst v1  }
0x17d: {  	v1 =	vld [tilespmem:s24+$0xFFFFFFD0];
	[tilespmem:s22+$0x20] =	vst v2  }
0x17e: {  	v2 =	vld [tilespmem:s24+$0xFFFFFFE0];
	[tilespmem:s22+$0xFFFFFFC0] =	vst v4  }
0x17f: {  	v4 =	vld [tilespmem:s24+$0xFFFFFFF0]  }
0x180: {  	v7 =	vld [tilespmem:s24+$0xFFFFFF90]  }
0x181: {  	v6 =	vld.idx.msk [tilespmem:v6+s14+$0x0], $0xffff  }
0x182: {  	v8 =	vld.idx.msk [tilespmem:v5+s14+$0x0], $0xffff  }
0x183: {  	v5 =	vld.idx.msk [tilespmem:v3+s14+$0x0], $0xffff  }
.Ltmp7:
0x184: {  	v3 =	vld.idx.msk [tilespmem:v0+s14+$0x0], $0xffff;
	(pc) =	sbr.rel @p0 .LBB2_16-.Ltmp7, $4  }
0x185: {  	v0 =	vld.idx.msk [tilespmem:v1+s14+$0x0], $0xffff  }
0x186: {  	s22 =	sadd.s32 $0x80, s22;
	v1 =	vld.idx.msk [tilespmem:v2+s14+$0x0], $0xffff  }
0x187: {  	v2 =	vld.idx.msk [tilespmem:v4+s14+$0x0], $0xffff;
	[tilespmem:s22+$0x30] =	vst v6  }
0x188: {  	s24 =	sadd.s32 $0x80, s24;
	v4 =	vld.idx.msk [tilespmem:v7+s14+$0x0], $0xffff;
	[tilespmem:s22+$0xFFFFFFD0] =	vst v8  }
0x189: {  	[tilespmem:s22+$0xFFFFFFE0] =	vst v5  }
0x18a: {  	[tilespmem:s22+$0xFFFFFFF0] =	vst v3  }
0x18b: {  	[tilespmem:s22+$0x0] =	vst v0  }
0x18c: {  	[tilespmem:s22+$0x10] =	vst v1  }
0x18d: {  	[tilespmem:s22+$0x20] =	vst v2  }
0x18e: {  	[tilespmem:s22+$0xFFFFFFC0] =	vst v4  }
0x18f: {  	s22 =	rddreg [dreg:$0x16]  }
0x190: {  	[hbm4b:s22+s12] =	stream.strided.scatter [tilespmem:s18], [sflag:$0x3], $0x1000, s13, s12, $0x38;
	[tilespmem:$0x1E700] =	vst v63  }
0x191: {  	s23 =	rddreg [dreg:$0xf]  }
0x192: {  	[tilespmem:s14], [sflag:$0x1] =	stream.strided.gather [hbm4b:s23+s12], $0x18700, s13, s12, $0x38;
	[tilespmem:$0x1E700] =	vst v63  }
0x193: {  	_ =	swait.ge [sflag:s16], $0x18700  }
0x194: {  	[sflag:s16] =	ssyncset.done $0x0  }
0x195: {  	[sflag:s16] =	ssyncadd.s32 $0xFFFE7900  }
0x196: {  	_ =	swait.ge [sflag:s19], $0x1000  }
0x197: {  	[sflag:s19] =	ssyncset.done $0x0  }
0x198: {  	s24 =	simm.s32 $0x40;
	[sflag:s19] =	ssyncadd.s32 $0xFFFFF000  }
0x199: {  	v0 =	vld [tilespmem:s24+$0x30]  }
0x19a: {  	v1 =	vld [tilespmem:s24+$0xFFFFFFD0]  }
0x19b: {  	v2 =	vld [tilespmem:s24+$0xFFFFFFE0]  }
0x19c: {  	v3 =	vld [tilespmem:s24+$0xFFFFFFF0]  }
0x19d: {  	v4 =	vld [tilespmem:s24+$0x0]  }
0x19e: {  	v6 =	vld [tilespmem:s24+$0x10]  }
0x19f: {  	v7 =	vld [tilespmem:s24+$0x20]  }
0x1a0: {  	v8 =	vld [tilespmem:s24+$0xFFFFFFC0]  }
0x1a1: {  	v9 =	vld.idx.msk [tilespmem:v0+s14+$0x0], $0xffff  }
0x1a2: {  	v10 =	vld.idx.msk [tilespmem:v1+s14+$0x0], $0xffff  }
0x1a3: {  	v5 =	vld.idx.msk [tilespmem:v2+s14+$0x0], $0xffff  }
0x1a4: {  	v3 =	vld.idx.msk [tilespmem:v3+s14+$0x0], $0xffff  }
0x1a5: {  	v0 =	vld.idx.msk [tilespmem:v4+s14+$0x0], $0xffff  }
0x1a6: {  	s22 =	simm.s32 $0x1C740;
	v1 =	vld.idx.msk [tilespmem:v6+s14+$0x0], $0xffff  }
0x1a7: {  	v2 =	vld.idx.msk [tilespmem:v7+s14+$0x0], $0xffff;
	[tilespmem:s22+$0x30] =	vst v9  }
0x1a8: {  	s23 =	simm.s32 $0x0;
	s24 =	simm.s32 $0xC0;
	v4 =	vld.idx.msk [tilespmem:v8+s14+$0x0], $0xffff;
	[tilespmem:s22+$0xFFFFFFD0] =	vst v10  }
.LBB2_18:
0x1a9: {  	v6 =	vld [tilespmem:s24+$0x30];
	s23 =	sadd.s32 $0x8, s23;
	[tilespmem:s22+$0xFFFFFFE0] =	vst v5  }
0x1aa: {  	v5 =	vld [tilespmem:s24+$0xFFFFFFD0];
	p0 =	slt.u32 s23, $0xF8;
	[tilespmem:s22+$0xFFFFFFF0] =	vst v3  }
0x1ab: {  	v3 =	vld [tilespmem:s24+$0xFFFFFFE0];
	[tilespmem:s22+$0x0] =	vst v0  }
0x1ac: {  	v0 =	vld [tilespmem:s24+$0xFFFFFFF0];
	[tilespmem:s22+$0x10] =	vst v1  }
0x1ad: {  	v1 =	vld [tilespmem:s24+$0x0];
	[tilespmem:s22+$0x20] =	vst v2  }
0x1ae: {  	v2 =	vld [tilespmem:s24+$0x10];
	[tilespmem:s22+$0xFFFFFFC0] =	vst v4  }
0x1af: {  	v4 =	vld [tilespmem:s24+$0x20]  }
0x1b0: {  	v7 =	vld [tilespmem:s24+$0xFFFFFFC0]  }
0x1b1: {  	v6 =	vld.idx.msk [tilespmem:v6+s14+$0x0], $0xffff  }
0x1b2: {  	v8 =	vld.idx.msk [tilespmem:v5+s14+$0x0], $0xffff  }
0x1b3: {  	v5 =	vld.idx.msk [tilespmem:v3+s14+$0x0], $0xffff  }
.Ltmp8:
0x1b4: {  	v3 =	vld.idx.msk [tilespmem:v0+s14+$0x0], $0xffff;
	(pc) =	sbr.rel @p0 .LBB2_18-.Ltmp8, $4  }
0x1b5: {  	v0 =	vld.idx.msk [tilespmem:v1+s14+$0x0], $0xffff  }
0x1b6: {  	s22 =	sadd.s32 $0x80, s22;
	v1 =	vld.idx.msk [tilespmem:v2+s14+$0x0], $0xffff  }
0x1b7: {  	v2 =	vld.idx.msk [tilespmem:v4+s14+$0x0], $0xffff;
	[tilespmem:s22+$0x30] =	vst v6  }
0x1b8: {  	s24 =	sadd.s32 $0x80, s24;
	v4 =	vld.idx.msk [tilespmem:v7+s14+$0x0], $0xffff;
	[tilespmem:s22+$0xFFFFFFD0] =	vst v8  }
0x1b9: {  	[tilespmem:s22+$0xFFFFFFE0] =	vst v5  }
0x1ba: {  	[tilespmem:s22+$0xFFFFFFF0] =	vst v3  }
0x1bb: {  	[tilespmem:s22+$0x0] =	vst v0  }
0x1bc: {  	[tilespmem:s22+$0x10] =	vst v1  }
0x1bd: {  	[tilespmem:s22+$0x20] =	vst v2  }
0x1be: {  	[tilespmem:s22+$0xFFFFFFC0] =	vst v4  }
0x1bf: {  	s22 =	rddreg [dreg:$0x17]  }
0x1c0: {  	[hbm4b:s22+s12] =	stream.strided.scatter [tilespmem:s17], [sflag:$0x2], $0x1000, s13, s12, $0x38;
	[tilespmem:$0x1E700] =	vst v63  }
0x1c1: {  	_ =	swait.ge [sflag:s20], $0x1000  }
0x1c2: {  	[sflag:s20] =	ssyncset.done $0x0  }
0x1c3: {  	s24 =	simm.s32 $0x1070;
	[sflag:s20] =	ssyncadd.s32 $0xFFFFF000  }
0x1c4: {  	v0 =	vld [tilespmem:s24+$0x0]  }
0x1c5: {  	v1 =	vld [tilespmem:s24+$0xFFFFFFA0]  }
0x1c6: {  	v2 =	vld [tilespmem:s24+$0xFFFFFFB0]  }
0x1c7: {  	v3 =	vld [tilespmem:s24+$0xFFFFFFC0]  }
0x1c8: {  	v4 =	vld [tilespmem:s24+$0xFFFFFFD0]  }
0x1c9: {  	v6 =	vld [tilespmem:s24+$0xFFFFFFE0]  }
0x1ca: {  	v7 =	vld [tilespmem:s24+$0xFFFFFFF0]  }
0x1cb: {  	v8 =	vld [tilespmem:s24+$0xFFFFFF90]  }
0x1cc: {  	v9 =	vld.idx.msk [tilespmem:v0+s14+$0x0], $0xffff  }
0x1cd: {  	v10 =	vld.idx.msk [tilespmem:v1+s14+$0x0], $0xffff  }
0x1ce: {  	v5 =	vld.idx.msk [tilespmem:v2+s14+$0x0], $0xffff  }
0x1cf: {  	v3 =	vld.idx.msk [tilespmem:v3+s14+$0x0], $0xffff  }
0x1d0: {  	v0 =	vld.idx.msk [tilespmem:v4+s14+$0x0], $0xffff  }
0x1d1: {  	s22 =	simm.s32 $0x1D740;
	v1 =	vld.idx.msk [tilespmem:v6+s14+$0x0], $0xffff  }
0x1d2: {  	v2 =	vld.idx.msk [tilespmem:v7+s14+$0x0], $0xffff;
	[tilespmem:s22+$0x30] =	vst v9  }
0x1d3: {  	s23 =	simm.s32 $0x0;
	s24 =	simm.s32 $0x10F0;
	v4 =	vld.idx.msk [tilespmem:v8+s14+$0x0], $0xffff;
	[tilespmem:s22+$0xFFFFFFD0] =	vst v10  }
.LBB2_20:
0x1d4: {  	v6 =	vld [tilespmem:s24+$0x0];
	s23 =	sadd.s32 $0x8, s23;
	[tilespmem:s22+$0xFFFFFFE0] =	vst v5  }
0x1d5: {  	v5 =	vld [tilespmem:s24+$0xFFFFFFA0];
	p0 =	slt.u32 s23, $0xF8;
	[tilespmem:s22+$0xFFFFFFF0] =	vst v3  }
0x1d6: {  	v3 =	vld [tilespmem:s24+$0xFFFFFFB0];
	[tilespmem:s22+$0x0] =	vst v0  }
0x1d7: {  	v0 =	vld [tilespmem:s24+$0xFFFFFFC0];
	[tilespmem:s22+$0x10] =	vst v1  }
0x1d8: {  	v1 =	vld [tilespmem:s24+$0xFFFFFFD0];
	[tilespmem:s22+$0x20] =	vst v2  }
0x1d9: {  	v2 =	vld [tilespmem:s24+$0xFFFFFFE0];
	[tilespmem:s22+$0xFFFFFFC0] =	vst v4  }
0x1da: {  	v4 =	vld [tilespmem:s24+$0xFFFFFFF0]  }
0x1db: {  	v7 =	vld [tilespmem:s24+$0xFFFFFF90]  }
0x1dc: {  	v6 =	vld.idx.msk [tilespmem:v6+s14+$0x0], $0xffff  }
0x1dd: {  	v8 =	vld.idx.msk [tilespmem:v5+s14+$0x0], $0xffff  }
0x1de: {  	v5 =	vld.idx.msk [tilespmem:v3+s14+$0x0], $0xffff  }
.Ltmp9:
0x1df: {  	v3 =	vld.idx.msk [tilespmem:v0+s14+$0x0], $0xffff;
	(pc) =	sbr.rel @p0 .LBB2_20-.Ltmp9, $4  }
0x1e0: {  	v0 =	vld.idx.msk [tilespmem:v1+s14+$0x0], $0xffff  }
0x1e1: {  	s22 =	sadd.s32 $0x80, s22;
	v1 =	vld.idx.msk [tilespmem:v2+s14+$0x0], $0xffff  }
0x1e2: {  	v2 =	vld.idx.msk [tilespmem:v4+s14+$0x0], $0xffff;
	[tilespmem:s22+$0x30] =	vst v6  }
0x1e3: {  	s24 =	sadd.s32 $0x80, s24;
	v4 =	vld.idx.msk [tilespmem:v7+s14+$0x0], $0xffff;
	[tilespmem:s22+$0xFFFFFFD0] =	vst v8  }
0x1e4: {  	[tilespmem:s22+$0xFFFFFFE0] =	vst v5  }
0x1e5: {  	[tilespmem:s22+$0xFFFFFFF0] =	vst v3  }
0x1e6: {  	[tilespmem:s22+$0x0] =	vst v0  }
0x1e7: {  	[tilespmem:s22+$0x10] =	vst v1  }
0x1e8: {  	[tilespmem:s22+$0x20] =	vst v2  }
0x1e9: {  	[tilespmem:s22+$0xFFFFFFC0] =	vst v4  }
0x1ea: {  	s22 =	rddreg [dreg:$0x18]  }
0x1eb: {  	[hbm4b:s22+s12] =	stream.strided.scatter [tilespmem:s18], [sflag:$0x3], $0x1000, s13, s12, $0x38;
	[tilespmem:$0x1E700] =	vst v63  }
0x1ec: {  	_ =	swait.ge [sflag:s19], $0x1000  }
0x1ed: {  	[sflag:s19] =	ssyncset.done $0x0  }
0x1ee: {  	s24 =	simm.s32 $0x2070;
	[sflag:s19] =	ssyncadd.s32 $0xFFFFF000  }
0x1ef: {  	v0 =	vld [tilespmem:s24+$0x0]  }
0x1f0: {  	v1 =	vld [tilespmem:s24+$0xFFFFFFA0]  }
0x1f1: {  	v2 =	vld [tilespmem:s24+$0xFFFFFFB0]  }
0x1f2: {  	v3 =	vld [tilespmem:s24+$0xFFFFFFC0]  }
0x1f3: {  	v4 =	vld [tilespmem:s24+$0xFFFFFFD0]  }
0x1f4: {  	v6 =	vld [tilespmem:s24+$0xFFFFFFE0]  }
0x1f5: {  	v7 =	vld [tilespmem:s24+$0xFFFFFFF0]  }
0x1f6: {  	v8 =	vld [tilespmem:s24+$0xFFFFFF90]  }
0x1f7: {  	v9 =	vld.idx.msk [tilespmem:v0+s14+$0x0], $0xffff  }
0x1f8: {  	v10 =	vld.idx.msk [tilespmem:v1+s14+$0x0], $0xffff  }
0x1f9: {  	v5 =	vld.idx.msk [tilespmem:v2+s14+$0x0], $0xffff  }
0x1fa: {  	v3 =	vld.idx.msk [tilespmem:v3+s14+$0x0], $0xffff  }
0x1fb: {  	v0 =	vld.idx.msk [tilespmem:v4+s14+$0x0], $0xffff  }
0x1fc: {  	s22 =	simm.s32 $0x1C740;
	v1 =	vld.idx.msk [tilespmem:v6+s14+$0x0], $0xffff  }
0x1fd: {  	v2 =	vld.idx.msk [tilespmem:v7+s14+$0x0], $0xffff;
	[tilespmem:s22+$0x30] =	vst v9  }
0x1fe: {  	s23 =	simm.s32 $0x0;
	s24 =	simm.s32 $0x20F0;
	v4 =	vld.idx.msk [tilespmem:v8+s14+$0x0], $0xffff;
	[tilespmem:s22+$0xFFFFFFD0] =	vst v10  }
.LBB2_22:
0x1ff: {  	v6 =	vld [tilespmem:s24+$0x0];
	s23 =	sadd.s32 $0x8, s23;
	[tilespmem:s22+$0xFFFFFFE0] =	vst v5  }
0x200: {  	v5 =	vld [tilespmem:s24+$0xFFFFFFA0];
	p0 =	slt.u32 s23, $0xF8;
	[tilespmem:s22+$0xFFFFFFF0] =	vst v3  }
0x201: {  	v3 =	vld [tilespmem:s24+$0xFFFFFFB0];
	[tilespmem:s22+$0x0] =	vst v0  }
0x202: {  	v0 =	vld [tilespmem:s24+$0xFFFFFFC0];
	[tilespmem:s22+$0x10] =	vst v1  }
0x203: {  	v1 =	vld [tilespmem:s24+$0xFFFFFFD0];
	[tilespmem:s22+$0x20] =	vst v2  }
0x204: {  	v2 =	vld [tilespmem:s24+$0xFFFFFFE0];
	[tilespmem:s22+$0xFFFFFFC0] =	vst v4  }
0x205: {  	v4 =	vld [tilespmem:s24+$0xFFFFFFF0]  }
0x206: {  	v7 =	vld [tilespmem:s24+$0xFFFFFF90]  }
0x207: {  	v6 =	vld.idx.msk [tilespmem:v6+s14+$0x0], $0xffff  }
0x208: {  	v8 =	vld.idx.msk [tilespmem:v5+s14+$0x0], $0xffff  }
0x209: {  	v5 =	vld.idx.msk [tilespmem:v3+s14+$0x0], $0xffff  }
.Ltmp10:
0x20a: {  	v3 =	vld.idx.msk [tilespmem:v0+s14+$0x0], $0xffff;
	(pc) =	sbr.rel @p0 .LBB2_22-.Ltmp10, $4  }
0x20b: {  	v0 =	vld.idx.msk [tilespmem:v1+s14+$0x0], $0xffff  }
0x20c: {  	s22 =	sadd.s32 $0x80, s22;
	v1 =	vld.idx.msk [tilespmem:v2+s14+$0x0], $0xffff  }
0x20d: {  	v2 =	vld.idx.msk [tilespmem:v4+s14+$0x0], $0xffff;
	[tilespmem:s22+$0x30] =	vst v6  }
0x20e: {  	s24 =	sadd.s32 $0x80, s24;
	v4 =	vld.idx.msk [tilespmem:v7+s14+$0x0], $0xffff;
	[tilespmem:s22+$0xFFFFFFD0] =	vst v8  }
0x20f: {  	[tilespmem:s22+$0xFFFFFFE0] =	vst v5  }
0x210: {  	[tilespmem:s22+$0xFFFFFFF0] =	vst v3  }
0x211: {  	[tilespmem:s22+$0x0] =	vst v0  }
0x212: {  	[tilespmem:s22+$0x10] =	vst v1  }
0x213: {  	[tilespmem:s22+$0x20] =	vst v2  }
0x214: {  	[tilespmem:s22+$0xFFFFFFC0] =	vst v4  }
0x215: {  	s22 =	rddreg [dreg:$0x19]  }
0x216: {  	[hbm4b:s22+s12] =	stream.strided.scatter [tilespmem:s17], [sflag:$0x2], $0x1000, s13, s12, $0x38;
	[tilespmem:$0x1E700] =	vst v63  }
0x217: {  	_ =	swait.ge [sflag:s20], $0x1000  }
0x218: {  	[sflag:s20] =	ssyncset.done $0x0  }
0x219: {  	s24 =	simm.s32 $0x3070;
	[sflag:s20] =	ssyncadd.s32 $0xFFFFF000  }
0x21a: {  	v0 =	vld [tilespmem:s24+$0x0]  }
0x21b: {  	v1 =	vld [tilespmem:s24+$0xFFFFFFA0]  }
0x21c: {  	v2 =	vld [tilespmem:s24+$0xFFFFFFB0]  }
0x21d: {  	v3 =	vld [tilespmem:s24+$0xFFFFFFC0]  }
0x21e: {  	v4 =	vld [tilespmem:s24+$0xFFFFFFD0]  }
0x21f: {  	v6 =	vld [tilespmem:s24+$0xFFFFFFE0]  }
0x220: {  	v7 =	vld [tilespmem:s24+$0xFFFFFFF0]  }
0x221: {  	v8 =	vld [tilespmem:s24+$0xFFFFFF90]  }
0x222: {  	v9 =	vld.idx.msk [tilespmem:v0+s14+$0x0], $0xffff  }
0x223: {  	v10 =	vld.idx.msk [tilespmem:v1+s14+$0x0], $0xffff  }
0x224: {  	v5 =	vld.idx.msk [tilespmem:v2+s14+$0x0], $0xffff  }
0x225: {  	v3 =	vld.idx.msk [tilespmem:v3+s14+$0x0], $0xffff  }
0x226: {  	v0 =	vld.idx.msk [tilespmem:v4+s14+$0x0], $0xffff  }
0x227: {  	s22 =	simm.s32 $0x1D740;
	v1 =	vld.idx.msk [tilespmem:v6+s14+$0x0], $0xffff  }
0x228: {  	v2 =	vld.idx.msk [tilespmem:v7+s14+$0x0], $0xffff;
	[tilespmem:s22+$0x30] =	vst v9  }
0x229: {  	s23 =	simm.s32 $0x0;
	s24 =	simm.s32 $0x30F0;
	v4 =	vld.idx.msk [tilespmem:v8+s14+$0x0], $0xffff;
	[tilespmem:s22+$0xFFFFFFD0] =	vst v10  }
.LBB2_24:
0x22a: {  	v6 =	vld [tilespmem:s24+$0x0];
	s23 =	sadd.s32 $0x8, s23;
	[tilespmem:s22+$0xFFFFFFE0] =	vst v5  }
0x22b: {  	v5 =	vld [tilespmem:s24+$0xFFFFFFA0];
	p0 =	slt.u32 s23, $0xF8;
	[tilespmem:s22+$0xFFFFFFF0] =	vst v3  }
0x22c: {  	v3 =	vld [tilespmem:s24+$0xFFFFFFB0];
	[tilespmem:s22+$0x0] =	vst v0  }
0x22d: {  	v0 =	vld [tilespmem:s24+$0xFFFFFFC0];
	[tilespmem:s22+$0x10] =	vst v1  }
0x22e: {  	v1 =	vld [tilespmem:s24+$0xFFFFFFD0];
	[tilespmem:s22+$0x20] =	vst v2  }
0x22f: {  	v2 =	vld [tilespmem:s24+$0xFFFFFFE0];
	[tilespmem:s22+$0xFFFFFFC0] =	vst v4  }
0x230: {  	v4 =	vld [tilespmem:s24+$0xFFFFFFF0]  }
0x231: {  	v7 =	vld [tilespmem:s24+$0xFFFFFF90]  }
0x232: {  	v6 =	vld.idx.msk [tilespmem:v6+s14+$0x0], $0xffff  }
0x233: {  	v8 =	vld.idx.msk [tilespmem:v5+s14+$0x0], $0xffff  }
0x234: {  	v5 =	vld.idx.msk [tilespmem:v3+s14+$0x0], $0xffff  }
.Ltmp11:
0x235: {  	v3 =	vld.idx.msk [tilespmem:v0+s14+$0x0], $0xffff;
	(pc) =	sbr.rel @p0 .LBB2_24-.Ltmp11, $4  }
0x236: {  	v0 =	vld.idx.msk [tilespmem:v1+s14+$0x0], $0xffff  }
0x237: {  	s22 =	sadd.s32 $0x80, s22;
	v1 =	vld.idx.msk [tilespmem:v2+s14+$0x0], $0xffff  }
0x238: {  	v2 =	vld.idx.msk [tilespmem:v4+s14+$0x0], $0xffff;
	[tilespmem:s22+$0x30] =	vst v6  }
0x239: {  	s24 =	sadd.s32 $0x80, s24;
	v4 =	vld.idx.msk [tilespmem:v7+s14+$0x0], $0xffff;
	[tilespmem:s22+$0xFFFFFFD0] =	vst v8  }
0x23a: {  	[tilespmem:s22+$0xFFFFFFE0] =	vst v5  }
0x23b: {  	[tilespmem:s22+$0xFFFFFFF0] =	vst v3  }
0x23c: {  	[tilespmem:s22+$0x0] =	vst v0  }
0x23d: {  	[tilespmem:s22+$0x10] =	vst v1  }
0x23e: {  	[tilespmem:s22+$0x20] =	vst v2  }
0x23f: {  	[tilespmem:s22+$0xFFFFFFC0] =	vst v4  }
0x240: {  	s22 =	rddreg [dreg:$0x1a]  }
0x241: {  	[hbm4b:s22+s12] =	stream.strided.scatter [tilespmem:s18], [sflag:$0x3], $0x1000, s13, s12, $0x38;
	[tilespmem:$0x1E700] =	vst v63  }
0x242: {  	s23 =	rddreg [dreg:$0x10]  }
0x243: {  	[tilespmem:s14], [sflag:$0x1] =	stream.strided.gather [hbm4b:s23+s12], $0x18700, s13, s12, $0x38;
	[tilespmem:$0x1E700] =	vst v63  }
0x244: {  	_ =	swait.ge [sflag:s16], $0x18700  }
0x245: {  	[sflag:s16] =	ssyncset.done $0x0  }
0x246: {  	[sflag:s16] =	ssyncadd.s32 $0xFFFE7900  }
0x247: {  	_ =	swait.ge [sflag:s19], $0x1000  }
0x248: {  	[sflag:s19] =	ssyncset.done $0x0  }
0x249: {  	s24 =	simm.s32 $0x40;
	[sflag:s19] =	ssyncadd.s32 $0xFFFFF000  }
0x24a: {  	v0 =	vld [tilespmem:s24+$0x30]  }
0x24b: {  	v1 =	vld [tilespmem:s24+$0xFFFFFFD0]  }
0x24c: {  	v2 =	vld [tilespmem:s24+$0xFFFFFFE0]  }
0x24d: {  	v3 =	vld [tilespmem:s24+$0xFFFFFFF0]  }
0x24e: {  	v4 =	vld [tilespmem:s24+$0x0]  }
0x24f: {  	v6 =	vld [tilespmem:s24+$0x10]  }
0x250: {  	v7 =	vld [tilespmem:s24+$0x20]  }
0x251: {  	v8 =	vld [tilespmem:s24+$0xFFFFFFC0]  }
0x252: {  	v9 =	vld.idx.msk [tilespmem:v0+s14+$0x0], $0xffff  }
0x253: {  	v10 =	vld.idx.msk [tilespmem:v1+s14+$0x0], $0xffff  }
0x254: {  	v5 =	vld.idx.msk [tilespmem:v2+s14+$0x0], $0xffff  }
0x255: {  	v3 =	vld.idx.msk [tilespmem:v3+s14+$0x0], $0xffff  }
0x256: {  	v0 =	vld.idx.msk [tilespmem:v4+s14+$0x0], $0xffff  }
0x257: {  	s22 =	simm.s32 $0x1C740;
	v1 =	vld.idx.msk [tilespmem:v6+s14+$0x0], $0xffff  }
0x258: {  	v2 =	vld.idx.msk [tilespmem:v7+s14+$0x0], $0xffff;
	[tilespmem:s22+$0x30] =	vst v9  }
0x259: {  	s23 =	simm.s32 $0x0;
	s24 =	simm.s32 $0xC0;
	v4 =	vld.idx.msk [tilespmem:v8+s14+$0x0], $0xffff;
	[tilespmem:s22+$0xFFFFFFD0] =	vst v10  }
.LBB2_26:
0x25a: {  	v6 =	vld [tilespmem:s24+$0x30];
	s23 =	sadd.s32 $0x8, s23;
	[tilespmem:s22+$0xFFFFFFE0] =	vst v5  }
0x25b: {  	v5 =	vld [tilespmem:s24+$0xFFFFFFD0];
	p0 =	slt.u32 s23, $0xF8;
	[tilespmem:s22+$0xFFFFFFF0] =	vst v3  }
0x25c: {  	v3 =	vld [tilespmem:s24+$0xFFFFFFE0];
	[tilespmem:s22+$0x0] =	vst v0  }
0x25d: {  	v0 =	vld [tilespmem:s24+$0xFFFFFFF0];
	[tilespmem:s22+$0x10] =	vst v1  }
0x25e: {  	v1 =	vld [tilespmem:s24+$0x0];
	[tilespmem:s22+$0x20] =	vst v2  }
0x25f: {  	v2 =	vld [tilespmem:s24+$0x10];
	[tilespmem:s22+$0xFFFFFFC0] =	vst v4  }
0x260: {  	v4 =	vld [tilespmem:s24+$0x20]  }
0x261: {  	v7 =	vld [tilespmem:s24+$0xFFFFFFC0]  }
0x262: {  	v6 =	vld.idx.msk [tilespmem:v6+s14+$0x0], $0xffff  }
0x263: {  	v8 =	vld.idx.msk [tilespmem:v5+s14+$0x0], $0xffff  }
0x264: {  	v5 =	vld.idx.msk [tilespmem:v3+s14+$0x0], $0xffff  }
.Ltmp12:
0x265: {  	v3 =	vld.idx.msk [tilespmem:v0+s14+$0x0], $0xffff;
	(pc) =	sbr.rel @p0 .LBB2_26-.Ltmp12, $4  }
0x266: {  	v0 =	vld.idx.msk [tilespmem:v1+s14+$0x0], $0xffff  }
0x267: {  	s22 =	sadd.s32 $0x80, s22;
	v1 =	vld.idx.msk [tilespmem:v2+s14+$0x0], $0xffff  }
0x268: {  	v2 =	vld.idx.msk [tilespmem:v4+s14+$0x0], $0xffff;
	[tilespmem:s22+$0x30] =	vst v6  }
0x269: {  	s24 =	sadd.s32 $0x80, s24;
	v4 =	vld.idx.msk [tilespmem:v7+s14+$0x0], $0xffff;
	[tilespmem:s22+$0xFFFFFFD0] =	vst v8  }
0x26a: {  	[tilespmem:s22+$0xFFFFFFE0] =	vst v5  }
0x26b: {  	[tilespmem:s22+$0xFFFFFFF0] =	vst v3  }
0x26c: {  	[tilespmem:s22+$0x0] =	vst v0  }
0x26d: {  	[tilespmem:s22+$0x10] =	vst v1  }
0x26e: {  	[tilespmem:s22+$0x20] =	vst v2  }
0x26f: {  	[tilespmem:s22+$0xFFFFFFC0] =	vst v4  }
0x270: {  	s22 =	rddreg [dreg:$0x1b]  }
0x271: {  	[hbm4b:s22+s12] =	stream.strided.scatter [tilespmem:s17], [sflag:$0x2], $0x1000, s13, s12, $0x38;
	[tilespmem:$0x1E700] =	vst v63  }
0x272: {  	_ =	swait.ge [sflag:s20], $0x1000  }
0x273: {  	[sflag:s20] =	ssyncset.done $0x0  }
0x274: {  	s24 =	simm.s32 $0x1070;
	[sflag:s20] =	ssyncadd.s32 $0xFFFFF000  }
0x275: {  	v0 =	vld [tilespmem:s24+$0x0]  }
0x276: {  	v1 =	vld [tilespmem:s24+$0xFFFFFFA0]  }
0x277: {  	v2 =	vld [tilespmem:s24+$0xFFFFFFB0]  }
0x278: {  	v3 =	vld [tilespmem:s24+$0xFFFFFFC0]  }
0x279: {  	v4 =	vld [tilespmem:s24+$0xFFFFFFD0]  }
0x27a: {  	v6 =	vld [tilespmem:s24+$0xFFFFFFE0]  }
0x27b: {  	v7 =	vld [tilespmem:s24+$0xFFFFFFF0]  }
0x27c: {  	v8 =	vld [tilespmem:s24+$0xFFFFFF90]  }
0x27d: {  	v9 =	vld.idx.msk [tilespmem:v0+s14+$0x0], $0xffff  }
0x27e: {  	v10 =	vld.idx.msk [tilespmem:v1+s14+$0x0], $0xffff  }
0x27f: {  	v5 =	vld.idx.msk [tilespmem:v2+s14+$0x0], $0xffff  }
0x280: {  	v3 =	vld.idx.msk [tilespmem:v3+s14+$0x0], $0xffff  }
0x281: {  	v0 =	vld.idx.msk [tilespmem:v4+s14+$0x0], $0xffff  }
0x282: {  	s22 =	simm.s32 $0x1D740;
	v1 =	vld.idx.msk [tilespmem:v6+s14+$0x0], $0xffff  }
0x283: {  	v2 =	vld.idx.msk [tilespmem:v7+s14+$0x0], $0xffff;
	[tilespmem:s22+$0x30] =	vst v9  }
0x284: {  	s23 =	simm.s32 $0x0;
	s24 =	simm.s32 $0x10F0;
	v4 =	vld.idx.msk [tilespmem:v8+s14+$0x0], $0xffff;
	[tilespmem:s22+$0xFFFFFFD0] =	vst v10  }
.LBB2_28:
0x285: {  	v6 =	vld [tilespmem:s24+$0x0];
	s23 =	sadd.s32 $0x8, s23;
	[tilespmem:s22+$0xFFFFFFE0] =	vst v5  }
0x286: {  	v5 =	vld [tilespmem:s24+$0xFFFFFFA0];
	p0 =	slt.u32 s23, $0xF8;
	[tilespmem:s22+$0xFFFFFFF0] =	vst v3  }
0x287: {  	v3 =	vld [tilespmem:s24+$0xFFFFFFB0];
	[tilespmem:s22+$0x0] =	vst v0  }
0x288: {  	v0 =	vld [tilespmem:s24+$0xFFFFFFC0];
	[tilespmem:s22+$0x10] =	vst v1  }
0x289: {  	v1 =	vld [tilespmem:s24+$0xFFFFFFD0];
	[tilespmem:s22+$0x20] =	vst v2  }
0x28a: {  	v2 =	vld [tilespmem:s24+$0xFFFFFFE0];
	[tilespmem:s22+$0xFFFFFFC0] =	vst v4  }
0x28b: {  	v4 =	vld [tilespmem:s24+$0xFFFFFFF0]  }
0x28c: {  	v7 =	vld [tilespmem:s24+$0xFFFFFF90]  }
0x28d: {  	v6 =	vld.idx.msk [tilespmem:v6+s14+$0x0], $0xffff  }
0x28e: {  	v8 =	vld.idx.msk [tilespmem:v5+s14+$0x0], $0xffff  }
0x28f: {  	v5 =	vld.idx.msk [tilespmem:v3+s14+$0x0], $0xffff  }
.Ltmp13:
0x290: {  	v3 =	vld.idx.msk [tilespmem:v0+s14+$0x0], $0xffff;
	(pc) =	sbr.rel @p0 .LBB2_28-.Ltmp13, $4  }
0x291: {  	v0 =	vld.idx.msk [tilespmem:v1+s14+$0x0], $0xffff  }
0x292: {  	s22 =	sadd.s32 $0x80, s22;
	v1 =	vld.idx.msk [tilespmem:v2+s14+$0x0], $0xffff  }
0x293: {  	v2 =	vld.idx.msk [tilespmem:v4+s14+$0x0], $0xffff;
	[tilespmem:s22+$0x30] =	vst v6  }
0x294: {  	s24 =	sadd.s32 $0x80, s24;
	v4 =	vld.idx.msk [tilespmem:v7+s14+$0x0], $0xffff;
	[tilespmem:s22+$0xFFFFFFD0] =	vst v8  }
0x295: {  	[tilespmem:s22+$0xFFFFFFE0] =	vst v5  }
0x296: {  	[tilespmem:s22+$0xFFFFFFF0] =	vst v3  }
0x297: {  	[tilespmem:s22+$0x0] =	vst v0  }
0x298: {  	[tilespmem:s22+$0x10] =	vst v1  }
0x299: {  	[tilespmem:s22+$0x20] =	vst v2  }
0x29a: {  	[tilespmem:s22+$0xFFFFFFC0] =	vst v4  }
0x29b: {  	s22 =	rddreg [dreg:$0x1c]  }
0x29c: {  	[hbm4b:s22+s12] =	stream.strided.scatter [tilespmem:s18], [sflag:$0x3], $0x1000, s13, s12, $0x38;
	[tilespmem:$0x1E700] =	vst v63  }
0x29d: {  	_ =	swait.ge [sflag:s19], $0x1000  }
0x29e: {  	[sflag:s19] =	ssyncset.done $0x0  }
0x29f: {  	s24 =	simm.s32 $0x2070;
	[sflag:s19] =	ssyncadd.s32 $0xFFFFF000  }
0x2a0: {  	v0 =	vld [tilespmem:s24+$0x0]  }
0x2a1: {  	v1 =	vld [tilespmem:s24+$0xFFFFFFA0]  }
0x2a2: {  	v2 =	vld [tilespmem:s24+$0xFFFFFFB0]  }
0x2a3: {  	v3 =	vld [tilespmem:s24+$0xFFFFFFC0]  }
0x2a4: {  	v4 =	vld [tilespmem:s24+$0xFFFFFFD0]  }
0x2a5: {  	v6 =	vld [tilespmem:s24+$0xFFFFFFE0]  }
0x2a6: {  	v7 =	vld [tilespmem:s24+$0xFFFFFFF0]  }
0x2a7: {  	v8 =	vld [tilespmem:s24+$0xFFFFFF90]  }
0x2a8: {  	v9 =	vld.idx.msk [tilespmem:v0+s14+$0x0], $0xffff  }
0x2a9: {  	v10 =	vld.idx.msk [tilespmem:v1+s14+$0x0], $0xffff  }
0x2aa: {  	v5 =	vld.idx.msk [tilespmem:v2+s14+$0x0], $0xffff  }
0x2ab: {  	v3 =	vld.idx.msk [tilespmem:v3+s14+$0x0], $0xffff  }
0x2ac: {  	v0 =	vld.idx.msk [tilespmem:v4+s14+$0x0], $0xffff  }
0x2ad: {  	s22 =	simm.s32 $0x1C740;
	v1 =	vld.idx.msk [tilespmem:v6+s14+$0x0], $0xffff  }
0x2ae: {  	v2 =	vld.idx.msk [tilespmem:v7+s14+$0x0], $0xffff;
	[tilespmem:s22+$0x30] =	vst v9  }
0x2af: {  	s23 =	simm.s32 $0x0;
	s24 =	simm.s32 $0x20F0;
	v4 =	vld.idx.msk [tilespmem:v8+s14+$0x0], $0xffff;
	[tilespmem:s22+$0xFFFFFFD0] =	vst v10  }
.LBB2_30:
0x2b0: {  	v6 =	vld [tilespmem:s24+$0x0];
	s23 =	sadd.s32 $0x8, s23;
	[tilespmem:s22+$0xFFFFFFE0] =	vst v5  }
0x2b1: {  	v5 =	vld [tilespmem:s24+$0xFFFFFFA0];
	p0 =	slt.u32 s23, $0xF8;
	[tilespmem:s22+$0xFFFFFFF0] =	vst v3  }
0x2b2: {  	v3 =	vld [tilespmem:s24+$0xFFFFFFB0];
	[tilespmem:s22+$0x0] =	vst v0  }
0x2b3: {  	v0 =	vld [tilespmem:s24+$0xFFFFFFC0];
	[tilespmem:s22+$0x10] =	vst v1  }
0x2b4: {  	v1 =	vld [tilespmem:s24+$0xFFFFFFD0];
	[tilespmem:s22+$0x20] =	vst v2  }
0x2b5: {  	v2 =	vld [tilespmem:s24+$0xFFFFFFE0];
	[tilespmem:s22+$0xFFFFFFC0] =	vst v4  }
0x2b6: {  	v4 =	vld [tilespmem:s24+$0xFFFFFFF0]  }
0x2b7: {  	v7 =	vld [tilespmem:s24+$0xFFFFFF90]  }
0x2b8: {  	v6 =	vld.idx.msk [tilespmem:v6+s14+$0x0], $0xffff  }
0x2b9: {  	v8 =	vld.idx.msk [tilespmem:v5+s14+$0x0], $0xffff  }
0x2ba: {  	v5 =	vld.idx.msk [tilespmem:v3+s14+$0x0], $0xffff  }
.Ltmp14:
0x2bb: {  	v3 =	vld.idx.msk [tilespmem:v0+s14+$0x0], $0xffff;
	(pc) =	sbr.rel @p0 .LBB2_30-.Ltmp14, $4  }
0x2bc: {  	v0 =	vld.idx.msk [tilespmem:v1+s14+$0x0], $0xffff  }
0x2bd: {  	s22 =	sadd.s32 $0x80, s22;
	v1 =	vld.idx.msk [tilespmem:v2+s14+$0x0], $0xffff  }
0x2be: {  	v2 =	vld.idx.msk [tilespmem:v4+s14+$0x0], $0xffff;
	[tilespmem:s22+$0x30] =	vst v6  }
0x2bf: {  	s24 =	sadd.s32 $0x80, s24;
	v4 =	vld.idx.msk [tilespmem:v7+s14+$0x0], $0xffff;
	[tilespmem:s22+$0xFFFFFFD0] =	vst v8  }
0x2c0: {  	[tilespmem:s22+$0xFFFFFFE0] =	vst v5  }
0x2c1: {  	[tilespmem:s22+$0xFFFFFFF0] =	vst v3  }
0x2c2: {  	[tilespmem:s22+$0x0] =	vst v0  }
0x2c3: {  	[tilespmem:s22+$0x10] =	vst v1  }
0x2c4: {  	[tilespmem:s22+$0x20] =	vst v2  }
0x2c5: {  	[tilespmem:s22+$0xFFFFFFC0] =	vst v4  }
0x2c6: {  	s22 =	rddreg [dreg:$0x1d]  }
0x2c7: {  	[hbm4b:s22+s12] =	stream.strided.scatter [tilespmem:s17], [sflag:$0x2], $0x1000, s13, s12, $0x38;
	[tilespmem:$0x1E700] =	vst v63  }
0x2c8: {  	_ =	swait.ge [sflag:s20], $0x1000  }
0x2c9: {  	[sflag:s20] =	ssyncset.done $0x0  }
0x2ca: {  	s24 =	simm.s32 $0x3070;
	[sflag:s20] =	ssyncadd.s32 $0xFFFFF000  }
0x2cb: {  	v0 =	vld [tilespmem:s24+$0x0]  }
0x2cc: {  	v1 =	vld [tilespmem:s24+$0xFFFFFFA0]  }
0x2cd: {  	v2 =	vld [tilespmem:s24+$0xFFFFFFB0]  }
0x2ce: {  	v3 =	vld [tilespmem:s24+$0xFFFFFFC0]  }
0x2cf: {  	v4 =	vld [tilespmem:s24+$0xFFFFFFD0]  }
0x2d0: {  	v6 =	vld [tilespmem:s24+$0xFFFFFFE0]  }
0x2d1: {  	v7 =	vld [tilespmem:s24+$0xFFFFFFF0]  }
0x2d2: {  	v8 =	vld [tilespmem:s24+$0xFFFFFF90]  }
0x2d3: {  	v9 =	vld.idx.msk [tilespmem:v0+s14+$0x0], $0xffff  }
0x2d4: {  	v10 =	vld.idx.msk [tilespmem:v1+s14+$0x0], $0xffff  }
0x2d5: {  	v5 =	vld.idx.msk [tilespmem:v2+s14+$0x0], $0xffff  }
0x2d6: {  	v3 =	vld.idx.msk [tilespmem:v3+s14+$0x0], $0xffff  }
0x2d7: {  	v0 =	vld.idx.msk [tilespmem:v4+s14+$0x0], $0xffff  }
0x2d8: {  	s22 =	simm.s32 $0x1D740;
	v1 =	vld.idx.msk [tilespmem:v6+s14+$0x0], $0xffff  }
0x2d9: {  	v2 =	vld.idx.msk [tilespmem:v7+s14+$0x0], $0xffff;
	[tilespmem:s22+$0x30] =	vst v9  }
0x2da: {  	s23 =	simm.s32 $0x0;
	s24 =	simm.s32 $0x30F0;
	v4 =	vld.idx.msk [tilespmem:v8+s14+$0x0], $0xffff;
	[tilespmem:s22+$0xFFFFFFD0] =	vst v10  }
.LBB2_32:
0x2db: {  	v6 =	vld [tilespmem:s24+$0x0];
	s23 =	sadd.s32 $0x8, s23;
	[tilespmem:s22+$0xFFFFFFE0] =	vst v5  }
0x2dc: {  	v5 =	vld [tilespmem:s24+$0xFFFFFFA0];
	p0 =	slt.u32 s23, $0xF8;
	[tilespmem:s22+$0xFFFFFFF0] =	vst v3  }
0x2dd: {  	v3 =	vld [tilespmem:s24+$0xFFFFFFB0];
	[tilespmem:s22+$0x0] =	vst v0  }
0x2de: {  	v0 =	vld [tilespmem:s24+$0xFFFFFFC0];
	[tilespmem:s22+$0x10] =	vst v1  }
0x2df: {  	v1 =	vld [tilespmem:s24+$0xFFFFFFD0];
	[tilespmem:s22+$0x20] =	vst v2  }
0x2e0: {  	v2 =	vld [tilespmem:s24+$0xFFFFFFE0];
	[tilespmem:s22+$0xFFFFFFC0] =	vst v4  }
0x2e1: {  	v4 =	vld [tilespmem:s24+$0xFFFFFFF0]  }
0x2e2: {  	v7 =	vld [tilespmem:s24+$0xFFFFFF90]  }
0x2e3: {  	v6 =	vld.idx.msk [tilespmem:v6+s14+$0x0], $0xffff  }
0x2e4: {  	v8 =	vld.idx.msk [tilespmem:v5+s14+$0x0], $0xffff  }
0x2e5: {  	v5 =	vld.idx.msk [tilespmem:v3+s14+$0x0], $0xffff  }
.Ltmp15:
0x2e6: {  	v3 =	vld.idx.msk [tilespmem:v0+s14+$0x0], $0xffff;
	(pc) =	sbr.rel @p0 .LBB2_32-.Ltmp15, $4  }
0x2e7: {  	v0 =	vld.idx.msk [tilespmem:v1+s14+$0x0], $0xffff  }
0x2e8: {  	s22 =	sadd.s32 $0x80, s22;
	v1 =	vld.idx.msk [tilespmem:v2+s14+$0x0], $0xffff  }
0x2e9: {  	v2 =	vld.idx.msk [tilespmem:v4+s14+$0x0], $0xffff;
	[tilespmem:s22+$0x30] =	vst v6  }
0x2ea: {  	s24 =	sadd.s32 $0x80, s24;
	v4 =	vld.idx.msk [tilespmem:v7+s14+$0x0], $0xffff;
	[tilespmem:s22+$0xFFFFFFD0] =	vst v8  }
0x2eb: {  	[tilespmem:s22+$0xFFFFFFE0] =	vst v5  }
0x2ec: {  	[tilespmem:s22+$0xFFFFFFF0] =	vst v3  }
0x2ed: {  	[tilespmem:s22+$0x0] =	vst v0  }
0x2ee: {  	[tilespmem:s22+$0x10] =	vst v1  }
0x2ef: {  	[tilespmem:s22+$0x20] =	vst v2  }
0x2f0: {  	[tilespmem:s22+$0xFFFFFFC0] =	vst v4  }
0x2f1: {  	[hbm4b:s25+s12] =	stream.strided.scatter [tilespmem:s18], [sflag:$0x3], $0x1000, s13, s12, $0x38;
	[tilespmem:$0x1E700] =	vst v63  }
0x2f2: {  	s22 =	rddreg [dreg:$0x11]  }
0x2f3: {  	[tilespmem:s14], [sflag:$0x1] =	stream.strided.gather [hbm4b:s22+s12], $0x18700, s13, s12, $0x38;
	[tilespmem:$0x1E700] =	vst v63  }
0x2f4: {  	_ =	swait.ge [sflag:s16], $0x18700  }
0x2f5: {  	[sflag:s16] =	ssyncset.done $0x0  }
0x2f6: {  	[sflag:s16] =	ssyncadd.s32 $0xFFFE7900  }
0x2f7: {  	_ =	swait.ge [sflag:s19], $0x1000  }
0x2f8: {  	[sflag:s19] =	ssyncset.done $0x0  }
0x2f9: {  	s24 =	simm.s32 $0x40;
	[sflag:s19] =	ssyncadd.s32 $0xFFFFF000  }
0x2fa: {  	v0 =	vld [tilespmem:s24+$0x30]  }
0x2fb: {  	v1 =	vld [tilespmem:s24+$0xFFFFFFD0]  }
0x2fc: {  	v2 =	vld [tilespmem:s24+$0xFFFFFFE0]  }
0x2fd: {  	v3 =	vld [tilespmem:s24+$0xFFFFFFF0]  }
0x2fe: {  	v4 =	vld [tilespmem:s24+$0x0]  }
0x2ff: {  	v6 =	vld [tilespmem:s24+$0x10]  }
0x300: {  	v7 =	vld [tilespmem:s24+$0x20]  }
0x301: {  	v8 =	vld [tilespmem:s24+$0xFFFFFFC0]  }
0x302: {  	v9 =	vld.idx.msk [tilespmem:v0+s14+$0x0], $0xffff  }
0x303: {  	v10 =	vld.idx.msk [tilespmem:v1+s14+$0x0], $0xffff  }
0x304: {  	v5 =	vld.idx.msk [tilespmem:v2+s14+$0x0], $0xffff  }
0x305: {  	v3 =	vld.idx.msk [tilespmem:v3+s14+$0x0], $0xffff  }
0x306: {  	v0 =	vld.idx.msk [tilespmem:v4+s14+$0x0], $0xffff  }
0x307: {  	s22 =	simm.s32 $0x1C740;
	v1 =	vld.idx.msk [tilespmem:v6+s14+$0x0], $0xffff  }
0x308: {  	v2 =	vld.idx.msk [tilespmem:v7+s14+$0x0], $0xffff;
	[tilespmem:s22+$0x30] =	vst v9  }
0x309: {  	s23 =	simm.s32 $0x0;
	s24 =	simm.s32 $0xC0;
	v4 =	vld.idx.msk [tilespmem:v8+s14+$0x0], $0xffff;
	[tilespmem:s22+$0xFFFFFFD0] =	vst v10  }
.LBB2_34:
0x30a: {  	v6 =	vld [tilespmem:s24+$0x30];
	s23 =	sadd.s32 $0x8, s23;
	[tilespmem:s22+$0xFFFFFFE0] =	vst v5  }
0x30b: {  	v5 =	vld [tilespmem:s24+$0xFFFFFFD0];
	p0 =	slt.u32 s23, $0xF8;
	[tilespmem:s22+$0xFFFFFFF0] =	vst v3  }
0x30c: {  	v3 =	vld [tilespmem:s24+$0xFFFFFFE0];
	[tilespmem:s22+$0x0] =	vst v0  }
0x30d: {  	v0 =	vld [tilespmem:s24+$0xFFFFFFF0];
	[tilespmem:s22+$0x10] =	vst v1  }
0x30e: {  	v1 =	vld [tilespmem:s24+$0x0];
	[tilespmem:s22+$0x20] =	vst v2  }
0x30f: {  	v2 =	vld [tilespmem:s24+$0x10];
	[tilespmem:s22+$0xFFFFFFC0] =	vst v4  }
0x310: {  	v4 =	vld [tilespmem:s24+$0x20]  }
0x311: {  	v7 =	vld [tilespmem:s24+$0xFFFFFFC0]  }
0x312: {  	v6 =	vld.idx.msk [tilespmem:v6+s14+$0x0], $0xffff  }
0x313: {  	v8 =	vld.idx.msk [tilespmem:v5+s14+$0x0], $0xffff  }
0x314: {  	v5 =	vld.idx.msk [tilespmem:v3+s14+$0x0], $0xffff  }
.Ltmp16:
0x315: {  	v3 =	vld.idx.msk [tilespmem:v0+s14+$0x0], $0xffff;
	(pc) =	sbr.rel @p0 .LBB2_34-.Ltmp16, $4  }
0x316: {  	v0 =	vld.idx.msk [tilespmem:v1+s14+$0x0], $0xffff  }
0x317: {  	s22 =	sadd.s32 $0x80, s22;
	v1 =	vld.idx.msk [tilespmem:v2+s14+$0x0], $0xffff  }
0x318: {  	v2 =	vld.idx.msk [tilespmem:v4+s14+$0x0], $0xffff;
	[tilespmem:s22+$0x30] =	vst v6  }
0x319: {  	s24 =	sadd.s32 $0x80, s24;
	v4 =	vld.idx.msk [tilespmem:v7+s14+$0x0], $0xffff;
	[tilespmem:s22+$0xFFFFFFD0] =	vst v8  }
0x31a: {  	[tilespmem:s22+$0xFFFFFFE0] =	vst v5  }
0x31b: {  	[tilespmem:s22+$0xFFFFFFF0] =	vst v3  }
0x31c: {  	[tilespmem:s22+$0x0] =	vst v0  }
0x31d: {  	[tilespmem:s22+$0x10] =	vst v1  }
0x31e: {  	[tilespmem:s22+$0x20] =	vst v2  }
0x31f: {  	[tilespmem:s22+$0xFFFFFFC0] =	vst v4  }
0x320: {  	[hbm4b:s26+s12] =	stream.strided.scatter [tilespmem:s17], [sflag:$0x2], $0x1000, s13, s12, $0x38;
	[tilespmem:$0x1E700] =	vst v63  }
0x321: {  	_ =	swait.ge [sflag:s20], $0x1000  }
0x322: {  	[sflag:s20] =	ssyncset.done $0x0  }
0x323: {  	s24 =	simm.s32 $0x1070;
	[sflag:s20] =	ssyncadd.s32 $0xFFFFF000  }
0x324: {  	v0 =	vld [tilespmem:s24+$0x0]  }
0x325: {  	v1 =	vld [tilespmem:s24+$0xFFFFFFA0]  }
0x326: {  	v2 =	vld [tilespmem:s24+$0xFFFFFFB0]  }
0x327: {  	v3 =	vld [tilespmem:s24+$0xFFFFFFC0]  }
0x328: {  	v4 =	vld [tilespmem:s24+$0xFFFFFFD0]  }
0x329: {  	v6 =	vld [tilespmem:s24+$0xFFFFFFE0]  }
0x32a: {  	v7 =	vld [tilespmem:s24+$0xFFFFFFF0]  }
0x32b: {  	v8 =	vld [tilespmem:s24+$0xFFFFFF90]  }
0x32c: {  	v9 =	vld.idx.msk [tilespmem:v0+s14+$0x0], $0xffff  }
0x32d: {  	v10 =	vld.idx.msk [tilespmem:v1+s14+$0x0], $0xffff  }
0x32e: {  	v5 =	vld.idx.msk [tilespmem:v2+s14+$0x0], $0xffff  }
0x32f: {  	v3 =	vld.idx.msk [tilespmem:v3+s14+$0x0], $0xffff  }
0x330: {  	v0 =	vld.idx.msk [tilespmem:v4+s14+$0x0], $0xffff  }
0x331: {  	s22 =	simm.s32 $0x1D740;
	v1 =	vld.idx.msk [tilespmem:v6+s14+$0x0], $0xffff  }
0x332: {  	v2 =	vld.idx.msk [tilespmem:v7+s14+$0x0], $0xffff;
	[tilespmem:s22+$0x30] =	vst v9  }
0x333: {  	s23 =	simm.s32 $0x0;
	s24 =	simm.s32 $0x10F0;
	v4 =	vld.idx.msk [tilespmem:v8+s14+$0x0], $0xffff;
	[tilespmem:s22+$0xFFFFFFD0] =	vst v10  }
.LBB2_36:
0x334: {  	v6 =	vld [tilespmem:s24+$0x0];
	s23 =	sadd.s32 $0x8, s23;
	[tilespmem:s22+$0xFFFFFFE0] =	vst v5  }
0x335: {  	v5 =	vld [tilespmem:s24+$0xFFFFFFA0];
	p0 =	slt.u32 s23, $0xF8;
	[tilespmem:s22+$0xFFFFFFF0] =	vst v3  }
0x336: {  	v3 =	vld [tilespmem:s24+$0xFFFFFFB0];
	[tilespmem:s22+$0x0] =	vst v0  }
0x337: {  	v0 =	vld [tilespmem:s24+$0xFFFFFFC0];
	[tilespmem:s22+$0x10] =	vst v1  }
0x338: {  	v1 =	vld [tilespmem:s24+$0xFFFFFFD0];
	[tilespmem:s22+$0x20] =	vst v2  }
0x339: {  	v2 =	vld [tilespmem:s24+$0xFFFFFFE0];
	[tilespmem:s22+$0xFFFFFFC0] =	vst v4  }
0x33a: {  	v4 =	vld [tilespmem:s24+$0xFFFFFFF0]  }
0x33b: {  	v7 =	vld [tilespmem:s24+$0xFFFFFF90]  }
0x33c: {  	v6 =	vld.idx.msk [tilespmem:v6+s14+$0x0], $0xffff  }
0x33d: {  	v8 =	vld.idx.msk [tilespmem:v5+s14+$0x0], $0xffff  }
0x33e: {  	v5 =	vld.idx.msk [tilespmem:v3+s14+$0x0], $0xffff  }
.Ltmp17:
0x33f: {  	v3 =	vld.idx.msk [tilespmem:v0+s14+$0x0], $0xffff;
	(pc) =	sbr.rel @p0 .LBB2_36-.Ltmp17, $4  }
0x340: {  	v0 =	vld.idx.msk [tilespmem:v1+s14+$0x0], $0xffff  }
0x341: {  	s22 =	sadd.s32 $0x80, s22;
	v1 =	vld.idx.msk [tilespmem:v2+s14+$0x0], $0xffff  }
0x342: {  	v2 =	vld.idx.msk [tilespmem:v4+s14+$0x0], $0xffff;
	[tilespmem:s22+$0x30] =	vst v6  }
0x343: {  	s24 =	sadd.s32 $0x80, s24;
	v4 =	vld.idx.msk [tilespmem:v7+s14+$0x0], $0xffff;
	[tilespmem:s22+$0xFFFFFFD0] =	vst v8  }
0x344: {  	[tilespmem:s22+$0xFFFFFFE0] =	vst v5  }
0x345: {  	[tilespmem:s22+$0xFFFFFFF0] =	vst v3  }
0x346: {  	[tilespmem:s22+$0x0] =	vst v0  }
0x347: {  	[tilespmem:s22+$0x10] =	vst v1  }
0x348: {  	[tilespmem:s22+$0x20] =	vst v2  }
0x349: {  	[tilespmem:s22+$0xFFFFFFC0] =	vst v4  }
0x34a: {  	[hbm4b:s28+s12] =	stream.strided.scatter [tilespmem:s18], [sflag:$0x3], $0x1000, s13, s12, $0x38;
	[tilespmem:$0x1E700] =	vst v63  }
0x34b: {  	_ =	swait.ge [sflag:s19], $0x1000  }
0x34c: {  	[sflag:s19] =	ssyncset.done $0x0  }
0x34d: {  	s24 =	simm.s32 $0x2070;
	[sflag:s19] =	ssyncadd.s32 $0xFFFFF000  }
0x34e: {  	v0 =	vld [tilespmem:s24+$0x0]  }
0x34f: {  	v1 =	vld [tilespmem:s24+$0xFFFFFFA0]  }
0x350: {  	v2 =	vld [tilespmem:s24+$0xFFFFFFB0]  }
0x351: {  	v3 =	vld [tilespmem:s24+$0xFFFFFFC0]  }
0x352: {  	v4 =	vld [tilespmem:s24+$0xFFFFFFD0]  }
0x353: {  	v6 =	vld [tilespmem:s24+$0xFFFFFFE0]  }
0x354: {  	v7 =	vld [tilespmem:s24+$0xFFFFFFF0]  }
0x355: {  	v8 =	vld [tilespmem:s24+$0xFFFFFF90]  }
0x356: {  	v9 =	vld.idx.msk [tilespmem:v0+s14+$0x0], $0xffff  }
0x357: {  	v10 =	vld.idx.msk [tilespmem:v1+s14+$0x0], $0xffff  }
0x358: {  	v5 =	vld.idx.msk [tilespmem:v2+s14+$0x0], $0xffff  }
0x359: {  	v3 =	vld.idx.msk [tilespmem:v3+s14+$0x0], $0xffff  }
0x35a: {  	v0 =	vld.idx.msk [tilespmem:v4+s14+$0x0], $0xffff  }
0x35b: {  	s22 =	simm.s32 $0x1C740;
	v1 =	vld.idx.msk [tilespmem:v6+s14+$0x0], $0xffff  }
0x35c: {  	v2 =	vld.idx.msk [tilespmem:v7+s14+$0x0], $0xffff;
	[tilespmem:s22+$0x30] =	vst v9  }
0x35d: {  	s23 =	simm.s32 $0x0;
	s24 =	simm.s32 $0x20F0;
	v4 =	vld.idx.msk [tilespmem:v8+s14+$0x0], $0xffff;
	[tilespmem:s22+$0xFFFFFFD0] =	vst v10  }
.LBB2_38:
0x35e: {  	v6 =	vld [tilespmem:s24+$0x0];
	s23 =	sadd.s32 $0x8, s23;
	[tilespmem:s22+$0xFFFFFFE0] =	vst v5  }
0x35f: {  	v5 =	vld [tilespmem:s24+$0xFFFFFFA0];
	p0 =	slt.u32 s23, $0xF8;
	[tilespmem:s22+$0xFFFFFFF0] =	vst v3  }
0x360: {  	v3 =	vld [tilespmem:s24+$0xFFFFFFB0];
	[tilespmem:s22+$0x0] =	vst v0  }
0x361: {  	v0 =	vld [tilespmem:s24+$0xFFFFFFC0];
	[tilespmem:s22+$0x10] =	vst v1  }
0x362: {  	v1 =	vld [tilespmem:s24+$0xFFFFFFD0];
	[tilespmem:s22+$0x20] =	vst v2  }
0x363: {  	v2 =	vld [tilespmem:s24+$0xFFFFFFE0];
	[tilespmem:s22+$0xFFFFFFC0] =	vst v4  }
0x364: {  	v4 =	vld [tilespmem:s24+$0xFFFFFFF0]  }
0x365: {  	v7 =	vld [tilespmem:s24+$0xFFFFFF90]  }
0x366: {  	v6 =	vld.idx.msk [tilespmem:v6+s14+$0x0], $0xffff  }
0x367: {  	v8 =	vld.idx.msk [tilespmem:v5+s14+$0x0], $0xffff  }
0x368: {  	v5 =	vld.idx.msk [tilespmem:v3+s14+$0x0], $0xffff  }
.Ltmp18:
0x369: {  	v3 =	vld.idx.msk [tilespmem:v0+s14+$0x0], $0xffff;
	(pc) =	sbr.rel @p0 .LBB2_38-.Ltmp18, $4  }
0x36a: {  	v0 =	vld.idx.msk [tilespmem:v1+s14+$0x0], $0xffff  }
0x36b: {  	s22 =	sadd.s32 $0x80, s22;
	v1 =	vld.idx.msk [tilespmem:v2+s14+$0x0], $0xffff  }
0x36c: {  	v2 =	vld.idx.msk [tilespmem:v4+s14+$0x0], $0xffff;
	[tilespmem:s22+$0x30] =	vst v6  }
0x36d: {  	s24 =	sadd.s32 $0x80, s24;
	v4 =	vld.idx.msk [tilespmem:v7+s14+$0x0], $0xffff;
	[tilespmem:s22+$0xFFFFFFD0] =	vst v8  }
0x36e: {  	[tilespmem:s22+$0xFFFFFFE0] =	vst v5  }
0x36f: {  	[tilespmem:s22+$0xFFFFFFF0] =	vst v3  }
0x370: {  	[tilespmem:s22+$0x0] =	vst v0  }
0x371: {  	[tilespmem:s22+$0x10] =	vst v1  }
0x372: {  	[tilespmem:s22+$0x20] =	vst v2  }
0x373: {  	[tilespmem:s22+$0xFFFFFFC0] =	vst v4  }
0x374: {  	[hbm4b:s29+s12] =	stream.strided.scatter [tilespmem:s17], [sflag:$0x2], $0x1000, s13, s12, $0x38;
	[tilespmem:$0x1E700] =	vst v63  }
0x375: {  	_ =	swait.ge [sflag:s20], $0x1000  }
0x376: {  	[sflag:s20] =	ssyncset.done $0x0  }
0x377: {  	s24 =	simm.s32 $0x3070;
	[sflag:s20] =	ssyncadd.s32 $0xFFFFF000  }
0x378: {  	v0 =	vld [tilespmem:s24+$0x0]  }
0x379: {  	v1 =	vld [tilespmem:s24+$0xFFFFFFA0]  }
0x37a: {  	v2 =	vld [tilespmem:s24+$0xFFFFFFB0]  }
0x37b: {  	v3 =	vld [tilespmem:s24+$0xFFFFFFC0]  }
0x37c: {  	v4 =	vld [tilespmem:s24+$0xFFFFFFD0]  }
0x37d: {  	v6 =	vld [tilespmem:s24+$0xFFFFFFE0]  }
0x37e: {  	v7 =	vld [tilespmem:s24+$0xFFFFFFF0]  }
0x37f: {  	v8 =	vld [tilespmem:s24+$0xFFFFFF90]  }
0x380: {  	v9 =	vld.idx.msk [tilespmem:v0+s14+$0x0], $0xffff  }
0x381: {  	v10 =	vld.idx.msk [tilespmem:v1+s14+$0x0], $0xffff  }
0x382: {  	v5 =	vld.idx.msk [tilespmem:v2+s14+$0x0], $0xffff  }
0x383: {  	v3 =	vld.idx.msk [tilespmem:v3+s14+$0x0], $0xffff  }
0x384: {  	v0 =	vld.idx.msk [tilespmem:v4+s14+$0x0], $0xffff  }
0x385: {  	s22 =	simm.s32 $0x1D740;
	v1 =	vld.idx.msk [tilespmem:v6+s14+$0x0], $0xffff  }
0x386: {  	v2 =	vld.idx.msk [tilespmem:v7+s14+$0x0], $0xffff;
	[tilespmem:s22+$0x30] =	vst v9  }
0x387: {  	s23 =	simm.s32 $0x0;
	s24 =	simm.s32 $0x30F0;
	v4 =	vld.idx.msk [tilespmem:v8+s14+$0x0], $0xffff;
	[tilespmem:s22+$0xFFFFFFD0] =	vst v10  }
.LBB2_40:
0x388: {  	v6 =	vld [tilespmem:s24+$0x0];
	s23 =	sadd.s32 $0x8, s23;
	[tilespmem:s22+$0xFFFFFFE0] =	vst v5  }
0x389: {  	v5 =	vld [tilespmem:s24+$0xFFFFFFA0];
	p0 =	slt.u32 s23, $0xF8;
	[tilespmem:s22+$0xFFFFFFF0] =	vst v3  }
0x38a: {  	v3 =	vld [tilespmem:s24+$0xFFFFFFB0];
	[tilespmem:s22+$0x0] =	vst v0  }
0x38b: {  	v0 =	vld [tilespmem:s24+$0xFFFFFFC0];
	[tilespmem:s22+$0x10] =	vst v1  }
0x38c: {  	v1 =	vld [tilespmem:s24+$0xFFFFFFD0];
	[tilespmem:s22+$0x20] =	vst v2  }
0x38d: {  	v2 =	vld [tilespmem:s24+$0xFFFFFFE0];
	[tilespmem:s22+$0xFFFFFFC0] =	vst v4  }
0x38e: {  	v4 =	vld [tilespmem:s24+$0xFFFFFFF0]  }
0x38f: {  	v7 =	vld [tilespmem:s24+$0xFFFFFF90]  }
0x390: {  	v6 =	vld.idx.msk [tilespmem:v6+s14+$0x0], $0xffff  }
0x391: {  	v8 =	vld.idx.msk [tilespmem:v5+s14+$0x0], $0xffff  }
0x392: {  	v5 =	vld.idx.msk [tilespmem:v3+s14+$0x0], $0xffff  }
.Ltmp19:
0x393: {  	v3 =	vld.idx.msk [tilespmem:v0+s14+$0x0], $0xffff;
	(pc) =	sbr.rel @p0 .LBB2_40-.Ltmp19, $4  }
0x394: {  	v0 =	vld.idx.msk [tilespmem:v1+s14+$0x0], $0xffff  }
0x395: {  	s22 =	sadd.s32 $0x80, s22;
	v1 =	vld.idx.msk [tilespmem:v2+s14+$0x0], $0xffff  }
0x396: {  	v2 =	vld.idx.msk [tilespmem:v4+s14+$0x0], $0xffff;
	[tilespmem:s22+$0x30] =	vst v6  }
0x397: {  	s24 =	sadd.s32 $0x80, s24;
	v4 =	vld.idx.msk [tilespmem:v7+s14+$0x0], $0xffff;
	[tilespmem:s22+$0xFFFFFFD0] =	vst v8  }
0x398: {  	[tilespmem:s22+$0xFFFFFFE0] =	vst v5  }
0x399: {  	[tilespmem:s22+$0xFFFFFFF0] =	vst v3  }
0x39a: {  	[tilespmem:s22+$0x0] =	vst v0  }
0x39b: {  	[tilespmem:s22+$0x10] =	vst v1  }
0x39c: {  	[tilespmem:s22+$0x20] =	vst v2  }
0x39d: {  	[tilespmem:s22+$0xFFFFFFC0] =	vst v4  }
0x39e: {  	[hbm4b:s30+s12] =	stream.strided.scatter [tilespmem:s18], [sflag:$0x3], $0x1000, s13, s12, $0x38;
	[tilespmem:$0x1E700] =	vst v63  }
0x39f: {  	s22 =	rddreg [dreg:$0x12]  }
0x3a0: {  	[tilespmem:s14], [sflag:$0x1] =	stream.strided.gather [hbm4b:s22+s12], $0x18700, s13, s12, $0x38;
	[tilespmem:$0x1E700] =	vst v63  }
0x3a1: {  	_ =	swait.ge [sflag:s16], $0x18700  }
0x3a2: {  	[sflag:s16] =	ssyncset.done $0x0  }
0x3a3: {  	[sflag:s16] =	ssyncadd.s32 $0xFFFE7900  }
0x3a4: {  	_ =	swait.ge [sflag:s19], $0x1000  }
0x3a5: {  	[sflag:s19] =	ssyncset.done $0x0  }
0x3a6: {  	s24 =	simm.s32 $0x40;
	[sflag:s19] =	ssyncadd.s32 $0xFFFFF000  }
0x3a7: {  	v0 =	vld [tilespmem:s24+$0x30]  }
0x3a8: {  	v1 =	vld [tilespmem:s24+$0xFFFFFFD0]  }
0x3a9: {  	v2 =	vld [tilespmem:s24+$0xFFFFFFE0]  }
0x3aa: {  	v3 =	vld [tilespmem:s24+$0xFFFFFFF0]  }
0x3ab: {  	v4 =	vld [tilespmem:s24+$0x0]  }
0x3ac: {  	v6 =	vld [tilespmem:s24+$0x10]  }
0x3ad: {  	v7 =	vld [tilespmem:s24+$0x20]  }
0x3ae: {  	v8 =	vld [tilespmem:s24+$0xFFFFFFC0]  }
0x3af: {  	v9 =	vld.idx.msk [tilespmem:v0+s14+$0x0], $0xffff  }
0x3b0: {  	v10 =	vld.idx.msk [tilespmem:v1+s14+$0x0], $0xffff  }
0x3b1: {  	v5 =	vld.idx.msk [tilespmem:v2+s14+$0x0], $0xffff  }
0x3b2: {  	v3 =	vld.idx.msk [tilespmem:v3+s14+$0x0], $0xffff  }
0x3b3: {  	v0 =	vld.idx.msk [tilespmem:v4+s14+$0x0], $0xffff  }
0x3b4: {  	s22 =	simm.s32 $0x1C740;
	v1 =	vld.idx.msk [tilespmem:v6+s14+$0x0], $0xffff  }
0x3b5: {  	v2 =	vld.idx.msk [tilespmem:v7+s14+$0x0], $0xffff;
	[tilespmem:s22+$0x30] =	vst v9  }
0x3b6: {  	s23 =	simm.s32 $0x0;
	s24 =	simm.s32 $0xC0;
	v4 =	vld.idx.msk [tilespmem:v8+s14+$0x0], $0xffff;
	[tilespmem:s22+$0xFFFFFFD0] =	vst v10  }
.LBB2_42:
0x3b7: {  	v6 =	vld [tilespmem:s24+$0x30];
	s23 =	sadd.s32 $0x8, s23;
	[tilespmem:s22+$0xFFFFFFE0] =	vst v5  }
0x3b8: {  	v5 =	vld [tilespmem:s24+$0xFFFFFFD0];
	p0 =	slt.u32 s23, $0xF8;
	[tilespmem:s22+$0xFFFFFFF0] =	vst v3  }
0x3b9: {  	v3 =	vld [tilespmem:s24+$0xFFFFFFE0];
	[tilespmem:s22+$0x0] =	vst v0  }
0x3ba: {  	v0 =	vld [tilespmem:s24+$0xFFFFFFF0];
	[tilespmem:s22+$0x10] =	vst v1  }
0x3bb: {  	v1 =	vld [tilespmem:s24+$0x0];
	[tilespmem:s22+$0x20] =	vst v2  }
0x3bc: {  	v2 =	vld [tilespmem:s24+$0x10];
	[tilespmem:s22+$0xFFFFFFC0] =	vst v4  }
0x3bd: {  	v4 =	vld [tilespmem:s24+$0x20]  }
0x3be: {  	v7 =	vld [tilespmem:s24+$0xFFFFFFC0]  }
0x3bf: {  	v6 =	vld.idx.msk [tilespmem:v6+s14+$0x0], $0xffff  }
0x3c0: {  	v8 =	vld.idx.msk [tilespmem:v5+s14+$0x0], $0xffff  }
0x3c1: {  	v5 =	vld.idx.msk [tilespmem:v3+s14+$0x0], $0xffff  }
.Ltmp20:
0x3c2: {  	v3 =	vld.idx.msk [tilespmem:v0+s14+$0x0], $0xffff;
	(pc) =	sbr.rel @p0 .LBB2_42-.Ltmp20, $4  }
0x3c3: {  	v0 =	vld.idx.msk [tilespmem:v1+s14+$0x0], $0xffff  }
0x3c4: {  	s22 =	sadd.s32 $0x80, s22;
	v1 =	vld.idx.msk [tilespmem:v2+s14+$0x0], $0xffff  }
0x3c5: {  	v2 =	vld.idx.msk [tilespmem:v4+s14+$0x0], $0xffff;
	[tilespmem:s22+$0x30] =	vst v6  }
0x3c6: {  	s24 =	sadd.s32 $0x80, s24;
	v4 =	vld.idx.msk [tilespmem:v7+s14+$0x0], $0xffff;
	[tilespmem:s22+$0xFFFFFFD0] =	vst v8  }
0x3c7: {  	[tilespmem:s22+$0xFFFFFFE0] =	vst v5  }
0x3c8: {  	[tilespmem:s22+$0xFFFFFFF0] =	vst v3  }
0x3c9: {  	[tilespmem:s22+$0x0] =	vst v0  }
0x3ca: {  	[tilespmem:s22+$0x10] =	vst v1  }
0x3cb: {  	[tilespmem:s22+$0x20] =	vst v2  }
0x3cc: {  	[tilespmem:s22+$0xFFFFFFC0] =	vst v4  }
0x3cd: {  	[hbm4b:s31+s12] =	stream.strided.scatter [tilespmem:s17], [sflag:$0x2], $0x1000, s13, s12, $0x38;
	[tilespmem:$0x1E700] =	vst v63  }
0x3ce: {  	_ =	swait.ge [sflag:s20], $0x1000  }
0x3cf: {  	[sflag:s20] =	ssyncset.done $0x0  }
0x3d0: {  	s24 =	simm.s32 $0x1070;
	[sflag:s20] =	ssyncadd.s32 $0xFFFFF000  }
0x3d1: {  	v0 =	vld [tilespmem:s24+$0x0]  }
0x3d2: {  	v1 =	vld [tilespmem:s24+$0xFFFFFFA0]  }
0x3d3: {  	v2 =	vld [tilespmem:s24+$0xFFFFFFB0]  }
0x3d4: {  	v3 =	vld [tilespmem:s24+$0xFFFFFFC0]  }
0x3d5: {  	v4 =	vld [tilespmem:s24+$0xFFFFFFD0]  }
0x3d6: {  	v6 =	vld [tilespmem:s24+$0xFFFFFFE0]  }
0x3d7: {  	v7 =	vld [tilespmem:s24+$0xFFFFFFF0]  }
0x3d8: {  	v8 =	vld [tilespmem:s24+$0xFFFFFF90]  }
0x3d9: {  	v9 =	vld.idx.msk [tilespmem:v0+s14+$0x0], $0xffff  }
0x3da: {  	v10 =	vld.idx.msk [tilespmem:v1+s14+$0x0], $0xffff  }
0x3db: {  	v5 =	vld.idx.msk [tilespmem:v2+s14+$0x0], $0xffff  }
0x3dc: {  	v3 =	vld.idx.msk [tilespmem:v3+s14+$0x0], $0xffff  }
0x3dd: {  	v0 =	vld.idx.msk [tilespmem:v4+s14+$0x0], $0xffff  }
0x3de: {  	s22 =	simm.s32 $0x1D740;
	v1 =	vld.idx.msk [tilespmem:v6+s14+$0x0], $0xffff  }
0x3df: {  	v2 =	vld.idx.msk [tilespmem:v7+s14+$0x0], $0xffff;
	[tilespmem:s22+$0x30] =	vst v9  }
0x3e0: {  	s23 =	simm.s32 $0x0;
	s24 =	simm.s32 $0x10F0;
	v4 =	vld.idx.msk [tilespmem:v8+s14+$0x0], $0xffff;
	[tilespmem:s22+$0xFFFFFFD0] =	vst v10  }
.LBB2_44:
0x3e1: {  	v6 =	vld [tilespmem:s24+$0x0];
	s23 =	sadd.s32 $0x8, s23;
	[tilespmem:s22+$0xFFFFFFE0] =	vst v5  }
0x3e2: {  	v5 =	vld [tilespmem:s24+$0xFFFFFFA0];
	p0 =	slt.u32 s23, $0xF8;
	[tilespmem:s22+$0xFFFFFFF0] =	vst v3  }
0x3e3: {  	v3 =	vld [tilespmem:s24+$0xFFFFFFB0];
	[tilespmem:s22+$0x0] =	vst v0  }
0x3e4: {  	v0 =	vld [tilespmem:s24+$0xFFFFFFC0];
	[tilespmem:s22+$0x10] =	vst v1  }
0x3e5: {  	v1 =	vld [tilespmem:s24+$0xFFFFFFD0];
	[tilespmem:s22+$0x20] =	vst v2  }
0x3e6: {  	v2 =	vld [tilespmem:s24+$0xFFFFFFE0];
	[tilespmem:s22+$0xFFFFFFC0] =	vst v4  }
0x3e7: {  	v4 =	vld [tilespmem:s24+$0xFFFFFFF0]  }
0x3e8: {  	v7 =	vld [tilespmem:s24+$0xFFFFFF90]  }
0x3e9: {  	v6 =	vld.idx.msk [tilespmem:v6+s14+$0x0], $0xffff  }
0x3ea: {  	v8 =	vld.idx.msk [tilespmem:v5+s14+$0x0], $0xffff  }
0x3eb: {  	v5 =	vld.idx.msk [tilespmem:v3+s14+$0x0], $0xffff  }
.Ltmp21:
0x3ec: {  	v3 =	vld.idx.msk [tilespmem:v0+s14+$0x0], $0xffff;
	(pc) =	sbr.rel @p0 .LBB2_44-.Ltmp21, $4  }
0x3ed: {  	v0 =	vld.idx.msk [tilespmem:v1+s14+$0x0], $0xffff  }
0x3ee: {  	s22 =	sadd.s32 $0x80, s22;
	v1 =	vld.idx.msk [tilespmem:v2+s14+$0x0], $0xffff  }
0x3ef: {  	v2 =	vld.idx.msk [tilespmem:v4+s14+$0x0], $0xffff;
	[tilespmem:s22+$0x30] =	vst v6  }
0x3f0: {  	s24 =	sadd.s32 $0x80, s24;
	v4 =	vld.idx.msk [tilespmem:v7+s14+$0x0], $0xffff;
	[tilespmem:s22+$0xFFFFFFD0] =	vst v8  }
0x3f1: {  	[tilespmem:s22+$0xFFFFFFE0] =	vst v5  }
0x3f2: {  	[tilespmem:s22+$0xFFFFFFF0] =	vst v3  }
0x3f3: {  	[tilespmem:s22+$0x0] =	vst v0  }
0x3f4: {  	[tilespmem:s22+$0x10] =	vst v1  }
0x3f5: {  	[tilespmem:s22+$0x20] =	vst v2  }
0x3f6: {  	[tilespmem:s22+$0xFFFFFFC0] =	vst v4  }
0x3f7: {  	[hbm4b:s0+s12] =	stream.strided.scatter [tilespmem:s18], [sflag:$0x3], $0x1000, s13, s12, $0x38;
	[tilespmem:$0x1E700] =	vst v63  }
0x3f8: {  	_ =	swait.ge [sflag:s19], $0x1000  }
0x3f9: {  	[sflag:s19] =	ssyncset.done $0x0  }
0x3fa: {  	s24 =	simm.s32 $0x2070;
	[sflag:s19] =	ssyncadd.s32 $0xFFFFF000  }
0x3fb: {  	v0 =	vld [tilespmem:s24+$0x0]  }
0x3fc: {  	v1 =	vld [tilespmem:s24+$0xFFFFFFA0]  }
0x3fd: {  	v2 =	vld [tilespmem:s24+$0xFFFFFFB0]  }
0x3fe: {  	v3 =	vld [tilespmem:s24+$0xFFFFFFC0]  }
0x3ff: {  	v4 =	vld [tilespmem:s24+$0xFFFFFFD0]  }
0x400: {  	v6 =	vld [tilespmem:s24+$0xFFFFFFE0]  }
0x401: {  	v7 =	vld [tilespmem:s24+$0xFFFFFFF0]  }
0x402: {  	v8 =	vld [tilespmem:s24+$0xFFFFFF90]  }
0x403: {  	v9 =	vld.idx.msk [tilespmem:v0+s14+$0x0], $0xffff  }
0x404: {  	v10 =	vld.idx.msk [tilespmem:v1+s14+$0x0], $0xffff  }
0x405: {  	v5 =	vld.idx.msk [tilespmem:v2+s14+$0x0], $0xffff  }
0x406: {  	v3 =	vld.idx.msk [tilespmem:v3+s14+$0x0], $0xffff  }
0x407: {  	v0 =	vld.idx.msk [tilespmem:v4+s14+$0x0], $0xffff  }
0x408: {  	s22 =	simm.s32 $0x1C740;
	v1 =	vld.idx.msk [tilespmem:v6+s14+$0x0], $0xffff  }
0x409: {  	v2 =	vld.idx.msk [tilespmem:v7+s14+$0x0], $0xffff;
	[tilespmem:s22+$0x30] =	vst v9  }
0x40a: {  	s23 =	simm.s32 $0x0;
	s24 =	simm.s32 $0x20F0;
	v4 =	vld.idx.msk [tilespmem:v8+s14+$0x0], $0xffff;
	[tilespmem:s22+$0xFFFFFFD0] =	vst v10  }
.LBB2_46:
0x40b: {  	v6 =	vld [tilespmem:s24+$0x0];
	s23 =	sadd.s32 $0x8, s23;
	[tilespmem:s22+$0xFFFFFFE0] =	vst v5  }
0x40c: {  	v5 =	vld [tilespmem:s24+$0xFFFFFFA0];
	p0 =	slt.u32 s23, $0xF8;
	[tilespmem:s22+$0xFFFFFFF0] =	vst v3  }
0x40d: {  	v3 =	vld [tilespmem:s24+$0xFFFFFFB0];
	[tilespmem:s22+$0x0] =	vst v0  }
0x40e: {  	v0 =	vld [tilespmem:s24+$0xFFFFFFC0];
	[tilespmem:s22+$0x10] =	vst v1  }
0x40f: {  	v1 =	vld [tilespmem:s24+$0xFFFFFFD0];
	[tilespmem:s22+$0x20] =	vst v2  }
0x410: {  	v2 =	vld [tilespmem:s24+$0xFFFFFFE0];
	[tilespmem:s22+$0xFFFFFFC0] =	vst v4  }
0x411: {  	v4 =	vld [tilespmem:s24+$0xFFFFFFF0]  }
0x412: {  	v7 =	vld [tilespmem:s24+$0xFFFFFF90]  }
0x413: {  	v6 =	vld.idx.msk [tilespmem:v6+s14+$0x0], $0xffff  }
0x414: {  	v8 =	vld.idx.msk [tilespmem:v5+s14+$0x0], $0xffff  }
0x415: {  	v5 =	vld.idx.msk [tilespmem:v3+s14+$0x0], $0xffff  }
.Ltmp22:
0x416: {  	v3 =	vld.idx.msk [tilespmem:v0+s14+$0x0], $0xffff;
	(pc) =	sbr.rel @p0 .LBB2_46-.Ltmp22, $4  }
0x417: {  	v0 =	vld.idx.msk [tilespmem:v1+s14+$0x0], $0xffff  }
0x418: {  	s22 =	sadd.s32 $0x80, s22;
	v1 =	vld.idx.msk [tilespmem:v2+s14+$0x0], $0xffff  }
0x419: {  	v2 =	vld.idx.msk [tilespmem:v4+s14+$0x0], $0xffff;
	[tilespmem:s22+$0x30] =	vst v6  }
0x41a: {  	s24 =	sadd.s32 $0x80, s24;
	v4 =	vld.idx.msk [tilespmem:v7+s14+$0x0], $0xffff;
	[tilespmem:s22+$0xFFFFFFD0] =	vst v8  }
0x41b: {  	[tilespmem:s22+$0xFFFFFFE0] =	vst v5  }
0x41c: {  	[tilespmem:s22+$0xFFFFFFF0] =	vst v3  }
0x41d: {  	[tilespmem:s22+$0x0] =	vst v0  }
0x41e: {  	[tilespmem:s22+$0x10] =	vst v1  }
0x41f: {  	[tilespmem:s22+$0x20] =	vst v2  }
0x420: {  	[tilespmem:s22+$0xFFFFFFC0] =	vst v4  }
0x421: {  	[hbm4b:s1+s12] =	stream.strided.scatter [tilespmem:s17], [sflag:$0x2], $0x1000, s13, s12, $0x38;
	[tilespmem:$0x1E700] =	vst v63  }
0x422: {  	_ =	swait.ge [sflag:s20], $0x1000  }
0x423: {  	[sflag:s20] =	ssyncset.done $0x0  }
0x424: {  	s24 =	simm.s32 $0x3070;
	[sflag:s20] =	ssyncadd.s32 $0xFFFFF000  }
0x425: {  	v0 =	vld [tilespmem:s24+$0x0]  }
0x426: {  	v1 =	vld [tilespmem:s24+$0xFFFFFFA0]  }
0x427: {  	v2 =	vld [tilespmem:s24+$0xFFFFFFB0]  }
0x428: {  	v3 =	vld [tilespmem:s24+$0xFFFFFFC0]  }
0x429: {  	v4 =	vld [tilespmem:s24+$0xFFFFFFD0]  }
0x42a: {  	v6 =	vld [tilespmem:s24+$0xFFFFFFE0]  }
0x42b: {  	v7 =	vld [tilespmem:s24+$0xFFFFFFF0]  }
0x42c: {  	v8 =	vld [tilespmem:s24+$0xFFFFFF90]  }
0x42d: {  	v9 =	vld.idx.msk [tilespmem:v0+s14+$0x0], $0xffff  }
0x42e: {  	v10 =	vld.idx.msk [tilespmem:v1+s14+$0x0], $0xffff  }
0x42f: {  	v5 =	vld.idx.msk [tilespmem:v2+s14+$0x0], $0xffff  }
0x430: {  	v3 =	vld.idx.msk [tilespmem:v3+s14+$0x0], $0xffff  }
0x431: {  	v0 =	vld.idx.msk [tilespmem:v4+s14+$0x0], $0xffff  }
0x432: {  	s22 =	simm.s32 $0x1D740;
	v1 =	vld.idx.msk [tilespmem:v6+s14+$0x0], $0xffff  }
0x433: {  	v2 =	vld.idx.msk [tilespmem:v7+s14+$0x0], $0xffff;
	[tilespmem:s22+$0x30] =	vst v9  }
0x434: {  	s23 =	simm.s32 $0x0;
	s24 =	simm.s32 $0x30F0;
	v4 =	vld.idx.msk [tilespmem:v8+s14+$0x0], $0xffff;
	[tilespmem:s22+$0xFFFFFFD0] =	vst v10  }
.LBB2_48:
0x435: {  	v6 =	vld [tilespmem:s24+$0x0];
	s23 =	sadd.s32 $0x8, s23;
	[tilespmem:s22+$0xFFFFFFE0] =	vst v5  }
0x436: {  	v5 =	vld [tilespmem:s24+$0xFFFFFFA0];
	p0 =	slt.u32 s23, $0xF8;
	[tilespmem:s22+$0xFFFFFFF0] =	vst v3  }
0x437: {  	v3 =	vld [tilespmem:s24+$0xFFFFFFB0];
	[tilespmem:s22+$0x0] =	vst v0  }
0x438: {  	v0 =	vld [tilespmem:s24+$0xFFFFFFC0];
	[tilespmem:s22+$0x10] =	vst v1  }
0x439: {  	v1 =	vld [tilespmem:s24+$0xFFFFFFD0];
	[tilespmem:s22+$0x20] =	vst v2  }
0x43a: {  	v2 =	vld [tilespmem:s24+$0xFFFFFFE0];
	[tilespmem:s22+$0xFFFFFFC0] =	vst v4  }
0x43b: {  	v4 =	vld [tilespmem:s24+$0xFFFFFFF0]  }
0x43c: {  	v7 =	vld [tilespmem:s24+$0xFFFFFF90]  }
0x43d: {  	v6 =	vld.idx.msk [tilespmem:v6+s14+$0x0], $0xffff  }
0x43e: {  	v8 =	vld.idx.msk [tilespmem:v5+s14+$0x0], $0xffff  }
0x43f: {  	v5 =	vld.idx.msk [tilespmem:v3+s14+$0x0], $0xffff  }
.Ltmp23:
0x440: {  	v3 =	vld.idx.msk [tilespmem:v0+s14+$0x0], $0xffff;
	(pc) =	sbr.rel @p0 .LBB2_48-.Ltmp23, $4  }
0x441: {  	v0 =	vld.idx.msk [tilespmem:v1+s14+$0x0], $0xffff  }
0x442: {  	s22 =	sadd.s32 $0x80, s22;
	v1 =	vld.idx.msk [tilespmem:v2+s14+$0x0], $0xffff  }
0x443: {  	v2 =	vld.idx.msk [tilespmem:v4+s14+$0x0], $0xffff;
	[tilespmem:s22+$0x30] =	vst v6  }
0x444: {  	s24 =	sadd.s32 $0x80, s24;
	v4 =	vld.idx.msk [tilespmem:v7+s14+$0x0], $0xffff;
	[tilespmem:s22+$0xFFFFFFD0] =	vst v8  }
0x445: {  	[tilespmem:s22+$0xFFFFFFE0] =	vst v5  }
0x446: {  	[tilespmem:s22+$0xFFFFFFF0] =	vst v3  }
0x447: {  	[tilespmem:s22+$0x0] =	vst v0  }
0x448: {  	[tilespmem:s22+$0x10] =	vst v1  }
0x449: {  	[tilespmem:s22+$0x20] =	vst v2  }
0x44a: {  	[tilespmem:s22+$0xFFFFFFC0] =	vst v4  }
0x44b: {  	[hbm4b:s2+s12] =	stream.strided.scatter [tilespmem:s18], [sflag:$0x3], $0x1000, s13, s12, $0x38;
	[tilespmem:$0x1E700] =	vst v63  }
0x44c: {  	s22 =	rddreg [dreg:$0x13]  }
0x44d: {  	[tilespmem:s14], [sflag:$0x1] =	stream.strided.gather [hbm4b:s22+s12], $0x18700, s13, s12, $0x38;
	[tilespmem:$0x1E700] =	vst v63  }
0x44e: {  	_ =	swait.ge [sflag:s16], $0x18700  }
0x44f: {  	[sflag:s16] =	ssyncset.done $0x0  }
0x450: {  	[sflag:s16] =	ssyncadd.s32 $0xFFFE7900  }
0x451: {  	_ =	swait.ge [sflag:s19], $0x1000  }
0x452: {  	[sflag:s19] =	ssyncset.done $0x0  }
0x453: {  	s24 =	simm.s32 $0x40;
	[sflag:s19] =	ssyncadd.s32 $0xFFFFF000  }
0x454: {  	v0 =	vld [tilespmem:s24+$0x30]  }
0x455: {  	v1 =	vld [tilespmem:s24+$0xFFFFFFD0]  }
0x456: {  	v2 =	vld [tilespmem:s24+$0xFFFFFFE0]  }
0x457: {  	v3 =	vld [tilespmem:s24+$0xFFFFFFF0]  }
0x458: {  	v4 =	vld [tilespmem:s24+$0x0]  }
0x459: {  	v6 =	vld [tilespmem:s24+$0x10]  }
0x45a: {  	v7 =	vld [tilespmem:s24+$0x20]  }
0x45b: {  	v8 =	vld [tilespmem:s24+$0xFFFFFFC0]  }
0x45c: {  	v9 =	vld.idx.msk [tilespmem:v0+s14+$0x0], $0xffff  }
0x45d: {  	v10 =	vld.idx.msk [tilespmem:v1+s14+$0x0], $0xffff  }
0x45e: {  	v5 =	vld.idx.msk [tilespmem:v2+s14+$0x0], $0xffff  }
0x45f: {  	v3 =	vld.idx.msk [tilespmem:v3+s14+$0x0], $0xffff  }
0x460: {  	v0 =	vld.idx.msk [tilespmem:v4+s14+$0x0], $0xffff  }
0x461: {  	s22 =	simm.s32 $0x1C740;
	v1 =	vld.idx.msk [tilespmem:v6+s14+$0x0], $0xffff  }
0x462: {  	v2 =	vld.idx.msk [tilespmem:v7+s14+$0x0], $0xffff;
	[tilespmem:s22+$0x30] =	vst v9  }
0x463: {  	s23 =	simm.s32 $0x0;
	s24 =	simm.s32 $0xC0;
	v4 =	vld.idx.msk [tilespmem:v8+s14+$0x0], $0xffff;
	[tilespmem:s22+$0xFFFFFFD0] =	vst v10  }
.LBB2_50:
0x464: {  	v6 =	vld [tilespmem:s24+$0x30];
	s23 =	sadd.s32 $0x8, s23;
	[tilespmem:s22+$0xFFFFFFE0] =	vst v5  }
0x465: {  	v5 =	vld [tilespmem:s24+$0xFFFFFFD0];
	p0 =	slt.u32 s23, $0xF8;
	[tilespmem:s22+$0xFFFFFFF0] =	vst v3  }
0x466: {  	v3 =	vld [tilespmem:s24+$0xFFFFFFE0];
	[tilespmem:s22+$0x0] =	vst v0  }
0x467: {  	v0 =	vld [tilespmem:s24+$0xFFFFFFF0];
	[tilespmem:s22+$0x10] =	vst v1  }
0x468: {  	v1 =	vld [tilespmem:s24+$0x0];
	[tilespmem:s22+$0x20] =	vst v2  }
0x469: {  	v2 =	vld [tilespmem:s24+$0x10];
	[tilespmem:s22+$0xFFFFFFC0] =	vst v4  }
0x46a: {  	v4 =	vld [tilespmem:s24+$0x20]  }
0x46b: {  	v7 =	vld [tilespmem:s24+$0xFFFFFFC0]  }
0x46c: {  	v6 =	vld.idx.msk [tilespmem:v6+s14+$0x0], $0xffff  }
0x46d: {  	v8 =	vld.idx.msk [tilespmem:v5+s14+$0x0], $0xffff  }
0x46e: {  	v5 =	vld.idx.msk [tilespmem:v3+s14+$0x0], $0xffff  }
.Ltmp24:
0x46f: {  	v3 =	vld.idx.msk [tilespmem:v0+s14+$0x0], $0xffff;
	(pc) =	sbr.rel @p0 .LBB2_50-.Ltmp24, $4  }
0x470: {  	v0 =	vld.idx.msk [tilespmem:v1+s14+$0x0], $0xffff  }
0x471: {  	s22 =	sadd.s32 $0x80, s22;
	v1 =	vld.idx.msk [tilespmem:v2+s14+$0x0], $0xffff  }
0x472: {  	v2 =	vld.idx.msk [tilespmem:v4+s14+$0x0], $0xffff;
	[tilespmem:s22+$0x30] =	vst v6  }
0x473: {  	s24 =	sadd.s32 $0x80, s24;
	v4 =	vld.idx.msk [tilespmem:v7+s14+$0x0], $0xffff;
	[tilespmem:s22+$0xFFFFFFD0] =	vst v8  }
0x474: {  	[tilespmem:s22+$0xFFFFFFE0] =	vst v5  }
0x475: {  	[tilespmem:s22+$0xFFFFFFF0] =	vst v3  }
0x476: {  	[tilespmem:s22+$0x0] =	vst v0  }
0x477: {  	[tilespmem:s22+$0x10] =	vst v1  }
0x478: {  	[tilespmem:s22+$0x20] =	vst v2  }
0x479: {  	[tilespmem:s22+$0xFFFFFFC0] =	vst v4  }
0x47a: {  	[hbm4b:s3+s12] =	stream.strided.scatter [tilespmem:s17], [sflag:$0x2], $0x1000, s13, s12, $0x38;
	[tilespmem:$0x1E700] =	vst v63  }
0x47b: {  	_ =	swait.ge [sflag:s20], $0x1000  }
0x47c: {  	[sflag:s20] =	ssyncset.done $0x0  }
0x47d: {  	s24 =	simm.s32 $0x1070;
	[sflag:s20] =	ssyncadd.s32 $0xFFFFF000  }
0x47e: {  	v0 =	vld [tilespmem:s24+$0x0]  }
0x47f: {  	v1 =	vld [tilespmem:s24+$0xFFFFFFA0]  }
0x480: {  	v2 =	vld [tilespmem:s24+$0xFFFFFFB0]  }
0x481: {  	v3 =	vld [tilespmem:s24+$0xFFFFFFC0]  }
0x482: {  	v4 =	vld [tilespmem:s24+$0xFFFFFFD0]  }
0x483: {  	v6 =	vld [tilespmem:s24+$0xFFFFFFE0]  }
0x484: {  	v7 =	vld [tilespmem:s24+$0xFFFFFFF0]  }
0x485: {  	v8 =	vld [tilespmem:s24+$0xFFFFFF90]  }
0x486: {  	v9 =	vld.idx.msk [tilespmem:v0+s14+$0x0], $0xffff  }
0x487: {  	v10 =	vld.idx.msk [tilespmem:v1+s14+$0x0], $0xffff  }
0x488: {  	v5 =	vld.idx.msk [tilespmem:v2+s14+$0x0], $0xffff  }
0x489: {  	v3 =	vld.idx.msk [tilespmem:v3+s14+$0x0], $0xffff  }
0x48a: {  	v0 =	vld.idx.msk [tilespmem:v4+s14+$0x0], $0xffff  }
0x48b: {  	s22 =	simm.s32 $0x1D740;
	v1 =	vld.idx.msk [tilespmem:v6+s14+$0x0], $0xffff  }
0x48c: {  	v2 =	vld.idx.msk [tilespmem:v7+s14+$0x0], $0xffff;
	[tilespmem:s22+$0x30] =	vst v9  }
0x48d: {  	s23 =	simm.s32 $0x0;
	s24 =	simm.s32 $0x10F0;
	v4 =	vld.idx.msk [tilespmem:v8+s14+$0x0], $0xffff;
	[tilespmem:s22+$0xFFFFFFD0] =	vst v10  }
.LBB2_52:
0x48e: {  	v6 =	vld [tilespmem:s24+$0x0];
	s23 =	sadd.s32 $0x8, s23;
	[tilespmem:s22+$0xFFFFFFE0] =	vst v5  }
0x48f: {  	v5 =	vld [tilespmem:s24+$0xFFFFFFA0];
	p0 =	slt.u32 s23, $0xF8;
	[tilespmem:s22+$0xFFFFFFF0] =	vst v3  }
0x490: {  	v3 =	vld [tilespmem:s24+$0xFFFFFFB0];
	[tilespmem:s22+$0x0] =	vst v0  }
0x491: {  	v0 =	vld [tilespmem:s24+$0xFFFFFFC0];
	[tilespmem:s22+$0x10] =	vst v1  }
0x492: {  	v1 =	vld [tilespmem:s24+$0xFFFFFFD0];
	[tilespmem:s22+$0x20] =	vst v2  }
0x493: {  	v2 =	vld [tilespmem:s24+$0xFFFFFFE0];
	[tilespmem:s22+$0xFFFFFFC0] =	vst v4  }
0x494: {  	v4 =	vld [tilespmem:s24+$0xFFFFFFF0]  }
0x495: {  	v7 =	vld [tilespmem:s24+$0xFFFFFF90]  }
0x496: {  	v6 =	vld.idx.msk [tilespmem:v6+s14+$0x0], $0xffff  }
0x497: {  	v8 =	vld.idx.msk [tilespmem:v5+s14+$0x0], $0xffff  }
0x498: {  	v5 =	vld.idx.msk [tilespmem:v3+s14+$0x0], $0xffff  }
.Ltmp25:
0x499: {  	v3 =	vld.idx.msk [tilespmem:v0+s14+$0x0], $0xffff;
	(pc) =	sbr.rel @p0 .LBB2_52-.Ltmp25, $4  }
0x49a: {  	v0 =	vld.idx.msk [tilespmem:v1+s14+$0x0], $0xffff  }
0x49b: {  	s22 =	sadd.s32 $0x80, s22;
	v1 =	vld.idx.msk [tilespmem:v2+s14+$0x0], $0xffff  }
0x49c: {  	v2 =	vld.idx.msk [tilespmem:v4+s14+$0x0], $0xffff;
	[tilespmem:s22+$0x30] =	vst v6  }
0x49d: {  	s24 =	sadd.s32 $0x80, s24;
	v4 =	vld.idx.msk [tilespmem:v7+s14+$0x0], $0xffff;
	[tilespmem:s22+$0xFFFFFFD0] =	vst v8  }
0x49e: {  	[tilespmem:s22+$0xFFFFFFE0] =	vst v5  }
0x49f: {  	[tilespmem:s22+$0xFFFFFFF0] =	vst v3  }
0x4a0: {  	[tilespmem:s22+$0x0] =	vst v0  }
0x4a1: {  	[tilespmem:s22+$0x10] =	vst v1  }
0x4a2: {  	[tilespmem:s22+$0x20] =	vst v2  }
0x4a3: {  	[tilespmem:s22+$0xFFFFFFC0] =	vst v4  }
0x4a4: {  	[hbm4b:s4+s12] =	stream.strided.scatter [tilespmem:s18], [sflag:$0x3], $0x1000, s13, s12, $0x38;
	[tilespmem:$0x1E700] =	vst v63  }
0x4a5: {  	_ =	swait.ge [sflag:s19], $0x1000  }
0x4a6: {  	[sflag:s19] =	ssyncset.done $0x0  }
0x4a7: {  	s24 =	simm.s32 $0x2070;
	[sflag:s19] =	ssyncadd.s32 $0xFFFFF000  }
0x4a8: {  	v0 =	vld [tilespmem:s24+$0x0]  }
0x4a9: {  	v1 =	vld [tilespmem:s24+$0xFFFFFFA0]  }
0x4aa: {  	v2 =	vld [tilespmem:s24+$0xFFFFFFB0]  }
0x4ab: {  	v3 =	vld [tilespmem:s24+$0xFFFFFFC0]  }
0x4ac: {  	v4 =	vld [tilespmem:s24+$0xFFFFFFD0]  }
0x4ad: {  	v6 =	vld [tilespmem:s24+$0xFFFFFFE0]  }
0x4ae: {  	v7 =	vld [tilespmem:s24+$0xFFFFFFF0]  }
0x4af: {  	v8 =	vld [tilespmem:s24+$0xFFFFFF90]  }
0x4b0: {  	v9 =	vld.idx.msk [tilespmem:v0+s14+$0x0], $0xffff  }
0x4b1: {  	v10 =	vld.idx.msk [tilespmem:v1+s14+$0x0], $0xffff  }
0x4b2: {  	v5 =	vld.idx.msk [tilespmem:v2+s14+$0x0], $0xffff  }
0x4b3: {  	v3 =	vld.idx.msk [tilespmem:v3+s14+$0x0], $0xffff  }
0x4b4: {  	v0 =	vld.idx.msk [tilespmem:v4+s14+$0x0], $0xffff  }
0x4b5: {  	s22 =	simm.s32 $0x1C740;
	v1 =	vld.idx.msk [tilespmem:v6+s14+$0x0], $0xffff  }
0x4b6: {  	v2 =	vld.idx.msk [tilespmem:v7+s14+$0x0], $0xffff;
	[tilespmem:s22+$0x30] =	vst v9  }
0x4b7: {  	s23 =	simm.s32 $0x0;
	s24 =	simm.s32 $0x20F0;
	v4 =	vld.idx.msk [tilespmem:v8+s14+$0x0], $0xffff;
	[tilespmem:s22+$0xFFFFFFD0] =	vst v10  }
.LBB2_54:
0x4b8: {  	v6 =	vld [tilespmem:s24+$0x0];
	s23 =	sadd.s32 $0x8, s23;
	[tilespmem:s22+$0xFFFFFFE0] =	vst v5  }
0x4b9: {  	v5 =	vld [tilespmem:s24+$0xFFFFFFA0];
	p0 =	slt.u32 s23, $0xF8;
	[tilespmem:s22+$0xFFFFFFF0] =	vst v3  }
0x4ba: {  	v3 =	vld [tilespmem:s24+$0xFFFFFFB0];
	[tilespmem:s22+$0x0] =	vst v0  }
0x4bb: {  	v0 =	vld [tilespmem:s24+$0xFFFFFFC0];
	[tilespmem:s22+$0x10] =	vst v1  }
0x4bc: {  	v1 =	vld [tilespmem:s24+$0xFFFFFFD0];
	[tilespmem:s22+$0x20] =	vst v2  }
0x4bd: {  	v2 =	vld [tilespmem:s24+$0xFFFFFFE0];
	[tilespmem:s22+$0xFFFFFFC0] =	vst v4  }
0x4be: {  	v4 =	vld [tilespmem:s24+$0xFFFFFFF0]  }
0x4bf: {  	v7 =	vld [tilespmem:s24+$0xFFFFFF90]  }
0x4c0: {  	v6 =	vld.idx.msk [tilespmem:v6+s14+$0x0], $0xffff  }
0x4c1: {  	v8 =	vld.idx.msk [tilespmem:v5+s14+$0x0], $0xffff  }
0x4c2: {  	v5 =	vld.idx.msk [tilespmem:v3+s14+$0x0], $0xffff  }
.Ltmp26:
0x4c3: {  	v3 =	vld.idx.msk [tilespmem:v0+s14+$0x0], $0xffff;
	(pc) =	sbr.rel @p0 .LBB2_54-.Ltmp26, $4  }
0x4c4: {  	v0 =	vld.idx.msk [tilespmem:v1+s14+$0x0], $0xffff  }
0x4c5: {  	s22 =	sadd.s32 $0x80, s22;
	v1 =	vld.idx.msk [tilespmem:v2+s14+$0x0], $0xffff  }
0x4c6: {  	v2 =	vld.idx.msk [tilespmem:v4+s14+$0x0], $0xffff;
	[tilespmem:s22+$0x30] =	vst v6  }
0x4c7: {  	s24 =	sadd.s32 $0x80, s24;
	v4 =	vld.idx.msk [tilespmem:v7+s14+$0x0], $0xffff;
	[tilespmem:s22+$0xFFFFFFD0] =	vst v8  }
0x4c8: {  	[tilespmem:s22+$0xFFFFFFE0] =	vst v5  }
0x4c9: {  	[tilespmem:s22+$0xFFFFFFF0] =	vst v3  }
0x4ca: {  	[tilespmem:s22+$0x0] =	vst v0  }
0x4cb: {  	[tilespmem:s22+$0x10] =	vst v1  }
0x4cc: {  	[tilespmem:s22+$0x20] =	vst v2  }
0x4cd: {  	[tilespmem:s22+$0xFFFFFFC0] =	vst v4  }
0x4ce: {  	[hbm4b:s5+s12] =	stream.strided.scatter [tilespmem:s17], [sflag:$0x2], $0x1000, s13, s12, $0x38;
	[tilespmem:$0x1E700] =	vst v63  }
0x4cf: {  	_ =	swait.ge [sflag:s20], $0x1000  }
0x4d0: {  	[sflag:s20] =	ssyncset.done $0x0  }
0x4d1: {  	s24 =	simm.s32 $0x3070;
	[sflag:s20] =	ssyncadd.s32 $0xFFFFF000  }
0x4d2: {  	v0 =	vld [tilespmem:s24+$0x0]  }
0x4d3: {  	v1 =	vld [tilespmem:s24+$0xFFFFFFA0]  }
0x4d4: {  	v2 =	vld [tilespmem:s24+$0xFFFFFFB0]  }
0x4d5: {  	v3 =	vld [tilespmem:s24+$0xFFFFFFC0]  }
0x4d6: {  	v4 =	vld [tilespmem:s24+$0xFFFFFFD0]  }
0x4d7: {  	v6 =	vld [tilespmem:s24+$0xFFFFFFE0]  }
0x4d8: {  	v7 =	vld [tilespmem:s24+$0xFFFFFFF0]  }
0x4d9: {  	v8 =	vld [tilespmem:s24+$0xFFFFFF90]  }
0x4da: {  	v9 =	vld.idx.msk [tilespmem:v0+s14+$0x0], $0xffff  }
0x4db: {  	v10 =	vld.idx.msk [tilespmem:v1+s14+$0x0], $0xffff  }
0x4dc: {  	v5 =	vld.idx.msk [tilespmem:v2+s14+$0x0], $0xffff  }
0x4dd: {  	v3 =	vld.idx.msk [tilespmem:v3+s14+$0x0], $0xffff  }
0x4de: {  	v0 =	vld.idx.msk [tilespmem:v4+s14+$0x0], $0xffff  }
0x4df: {  	s22 =	simm.s32 $0x1D740;
	v1 =	vld.idx.msk [tilespmem:v6+s14+$0x0], $0xffff  }
0x4e0: {  	v2 =	vld.idx.msk [tilespmem:v7+s14+$0x0], $0xffff;
	[tilespmem:s22+$0x30] =	vst v9  }
0x4e1: {  	s23 =	simm.s32 $0x0;
	s24 =	simm.s32 $0x30F0;
	v4 =	vld.idx.msk [tilespmem:v8+s14+$0x0], $0xffff;
	[tilespmem:s22+$0xFFFFFFD0] =	vst v10  }
.LBB2_56:
0x4e2: {  	v6 =	vld [tilespmem:s24+$0x0];
	s23 =	sadd.s32 $0x8, s23;
	[tilespmem:s22+$0xFFFFFFE0] =	vst v5  }
0x4e3: {  	v5 =	vld [tilespmem:s24+$0xFFFFFFA0];
	p0 =	slt.u32 s23, $0xF8;
	[tilespmem:s22+$0xFFFFFFF0] =	vst v3  }
0x4e4: {  	v3 =	vld [tilespmem:s24+$0xFFFFFFB0];
	[tilespmem:s22+$0x0] =	vst v0  }
0x4e5: {  	v0 =	vld [tilespmem:s24+$0xFFFFFFC0];
	[tilespmem:s22+$0x10] =	vst v1  }
0x4e6: {  	v1 =	vld [tilespmem:s24+$0xFFFFFFD0];
	[tilespmem:s22+$0x20] =	vst v2  }
0x4e7: {  	v2 =	vld [tilespmem:s24+$0xFFFFFFE0];
	[tilespmem:s22+$0xFFFFFFC0] =	vst v4  }
0x4e8: {  	v4 =	vld [tilespmem:s24+$0xFFFFFFF0]  }
0x4e9: {  	v7 =	vld [tilespmem:s24+$0xFFFFFF90]  }
0x4ea: {  	v6 =	vld.idx.msk [tilespmem:v6+s14+$0x0], $0xffff  }
0x4eb: {  	v8 =	vld.idx.msk [tilespmem:v5+s14+$0x0], $0xffff  }
0x4ec: {  	v5 =	vld.idx.msk [tilespmem:v3+s14+$0x0], $0xffff  }
.Ltmp27:
0x4ed: {  	v3 =	vld.idx.msk [tilespmem:v0+s14+$0x0], $0xffff;
	(pc) =	sbr.rel @p0 .LBB2_56-.Ltmp27, $4  }
0x4ee: {  	v0 =	vld.idx.msk [tilespmem:v1+s14+$0x0], $0xffff  }
0x4ef: {  	s22 =	sadd.s32 $0x80, s22;
	v1 =	vld.idx.msk [tilespmem:v2+s14+$0x0], $0xffff  }
0x4f0: {  	v2 =	vld.idx.msk [tilespmem:v4+s14+$0x0], $0xffff;
	[tilespmem:s22+$0x30] =	vst v6  }
0x4f1: {  	s24 =	sadd.s32 $0x80, s24;
	v4 =	vld.idx.msk [tilespmem:v7+s14+$0x0], $0xffff;
	[tilespmem:s22+$0xFFFFFFD0] =	vst v8  }
0x4f2: {  	[tilespmem:s22+$0xFFFFFFE0] =	vst v5  }
0x4f3: {  	[tilespmem:s22+$0xFFFFFFF0] =	vst v3  }
0x4f4: {  	[tilespmem:s22+$0x0] =	vst v0  }
0x4f5: {  	[tilespmem:s22+$0x10] =	vst v1  }
0x4f6: {  	[tilespmem:s22+$0x20] =	vst v2  }
0x4f7: {  	[tilespmem:s22+$0xFFFFFFC0] =	vst v4  }
0x4f8: {  	[hbm4b:s6+s12] =	stream.strided.scatter [tilespmem:s18], [sflag:$0x3], $0x1000, s13, s12, $0x38;
	[tilespmem:$0x1E700] =	vst v63  }
0x4f9: {  	s22 =	rddreg [dreg:$0x14]  }
0x4fa: {  	[tilespmem:s14], [sflag:$0x1] =	stream.strided.gather [hbm4b:s22+s12], $0x18700, s13, s12, $0x38;
	[tilespmem:$0x1E700] =	vst v63  }
0x4fb: {  	_ =	swait.ge [sflag:s16], $0x18700  }
0x4fc: {  	[sflag:s16] =	ssyncset.done $0x0  }
0x4fd: {  	[sflag:s16] =	ssyncadd.s32 $0xFFFE7900  }
0x4fe: {  	_ =	swait.ge [sflag:s19], $0x1000  }
0x4ff: {  	[sflag:s19] =	ssyncset.done $0x0  }
0x500: {  	s24 =	simm.s32 $0x40;
	[sflag:s19] =	ssyncadd.s32 $0xFFFFF000  }
0x501: {  	v0 =	vld [tilespmem:s24+$0x30]  }
0x502: {  	v1 =	vld [tilespmem:s24+$0xFFFFFFD0]  }
0x503: {  	v2 =	vld [tilespmem:s24+$0xFFFFFFE0]  }
0x504: {  	v3 =	vld [tilespmem:s24+$0xFFFFFFF0]  }
0x505: {  	v4 =	vld [tilespmem:s24+$0x0]  }
0x506: {  	v6 =	vld [tilespmem:s24+$0x10]  }
0x507: {  	v7 =	vld [tilespmem:s24+$0x20]  }
0x508: {  	v8 =	vld [tilespmem:s24+$0xFFFFFFC0]  }
0x509: {  	v9 =	vld.idx.msk [tilespmem:v0+s14+$0x0], $0xffff  }
0x50a: {  	v10 =	vld.idx.msk [tilespmem:v1+s14+$0x0], $0xffff  }
0x50b: {  	v5 =	vld.idx.msk [tilespmem:v2+s14+$0x0], $0xffff  }
0x50c: {  	v3 =	vld.idx.msk [tilespmem:v3+s14+$0x0], $0xffff  }
0x50d: {  	v0 =	vld.idx.msk [tilespmem:v4+s14+$0x0], $0xffff  }
0x50e: {  	s22 =	simm.s32 $0x1C740;
	v1 =	vld.idx.msk [tilespmem:v6+s14+$0x0], $0xffff  }
0x50f: {  	v2 =	vld.idx.msk [tilespmem:v7+s14+$0x0], $0xffff;
	[tilespmem:s22+$0x30] =	vst v9  }
0x510: {  	s23 =	simm.s32 $0x0;
	s24 =	simm.s32 $0xC0;
	v4 =	vld.idx.msk [tilespmem:v8+s14+$0x0], $0xffff;
	[tilespmem:s22+$0xFFFFFFD0] =	vst v10  }
.LBB2_58:
0x511: {  	v6 =	vld [tilespmem:s24+$0x30];
	s23 =	sadd.s32 $0x8, s23;
	[tilespmem:s22+$0xFFFFFFE0] =	vst v5  }
0x512: {  	v5 =	vld [tilespmem:s24+$0xFFFFFFD0];
	p0 =	slt.u32 s23, $0xF8;
	[tilespmem:s22+$0xFFFFFFF0] =	vst v3  }
0x513: {  	v3 =	vld [tilespmem:s24+$0xFFFFFFE0];
	[tilespmem:s22+$0x0] =	vst v0  }
0x514: {  	v0 =	vld [tilespmem:s24+$0xFFFFFFF0];
	[tilespmem:s22+$0x10] =	vst v1  }
0x515: {  	v1 =	vld [tilespmem:s24+$0x0];
	[tilespmem:s22+$0x20] =	vst v2  }
0x516: {  	v2 =	vld [tilespmem:s24+$0x10];
	[tilespmem:s22+$0xFFFFFFC0] =	vst v4  }
0x517: {  	v4 =	vld [tilespmem:s24+$0x20]  }
0x518: {  	v7 =	vld [tilespmem:s24+$0xFFFFFFC0]  }
0x519: {  	v6 =	vld.idx.msk [tilespmem:v6+s14+$0x0], $0xffff  }
0x51a: {  	v8 =	vld.idx.msk [tilespmem:v5+s14+$0x0], $0xffff  }
0x51b: {  	v5 =	vld.idx.msk [tilespmem:v3+s14+$0x0], $0xffff  }
.Ltmp28:
0x51c: {  	v3 =	vld.idx.msk [tilespmem:v0+s14+$0x0], $0xffff;
	(pc) =	sbr.rel @p0 .LBB2_58-.Ltmp28, $4  }
0x51d: {  	v0 =	vld.idx.msk [tilespmem:v1+s14+$0x0], $0xffff  }
0x51e: {  	s22 =	sadd.s32 $0x80, s22;
	v1 =	vld.idx.msk [tilespmem:v2+s14+$0x0], $0xffff  }
0x51f: {  	v2 =	vld.idx.msk [tilespmem:v4+s14+$0x0], $0xffff;
	[tilespmem:s22+$0x30] =	vst v6  }
0x520: {  	s24 =	sadd.s32 $0x80, s24;
	v4 =	vld.idx.msk [tilespmem:v7+s14+$0x0], $0xffff;
	[tilespmem:s22+$0xFFFFFFD0] =	vst v8  }
0x521: {  	[tilespmem:s22+$0xFFFFFFE0] =	vst v5  }
0x522: {  	[tilespmem:s22+$0xFFFFFFF0] =	vst v3  }
0x523: {  	[tilespmem:s22+$0x0] =	vst v0  }
0x524: {  	[tilespmem:s22+$0x10] =	vst v1  }
0x525: {  	[tilespmem:s22+$0x20] =	vst v2  }
0x526: {  	[tilespmem:s22+$0xFFFFFFC0] =	vst v4  }
0x527: {  	[hbm4b:s7+s12] =	stream.strided.scatter [tilespmem:s17], [sflag:$0x2], $0x1000, s13, s12, $0x38;
	[tilespmem:$0x1E700] =	vst v63  }
0x528: {  	_ =	swait.ge [sflag:s20], $0x1000  }
0x529: {  	[sflag:s20] =	ssyncset.done $0x0  }
0x52a: {  	s24 =	simm.s32 $0x1070;
	[sflag:s20] =	ssyncadd.s32 $0xFFFFF000  }
0x52b: {  	v0 =	vld [tilespmem:s24+$0x0]  }
0x52c: {  	v1 =	vld [tilespmem:s24+$0xFFFFFFA0]  }
0x52d: {  	v2 =	vld [tilespmem:s24+$0xFFFFFFB0]  }
0x52e: {  	v3 =	vld [tilespmem:s24+$0xFFFFFFC0]  }
0x52f: {  	v4 =	vld [tilespmem:s24+$0xFFFFFFD0]  }
0x530: {  	v6 =	vld [tilespmem:s24+$0xFFFFFFE0]  }
0x531: {  	v7 =	vld [tilespmem:s24+$0xFFFFFFF0]  }
0x532: {  	v8 =	vld [tilespmem:s24+$0xFFFFFF90]  }
0x533: {  	v9 =	vld.idx.msk [tilespmem:v0+s14+$0x0], $0xffff  }
0x534: {  	v10 =	vld.idx.msk [tilespmem:v1+s14+$0x0], $0xffff  }
0x535: {  	v5 =	vld.idx.msk [tilespmem:v2+s14+$0x0], $0xffff  }
0x536: {  	v3 =	vld.idx.msk [tilespmem:v3+s14+$0x0], $0xffff  }
0x537: {  	v0 =	vld.idx.msk [tilespmem:v4+s14+$0x0], $0xffff  }
0x538: {  	s22 =	simm.s32 $0x1D740;
	v1 =	vld.idx.msk [tilespmem:v6+s14+$0x0], $0xffff  }
0x539: {  	v2 =	vld.idx.msk [tilespmem:v7+s14+$0x0], $0xffff;
	[tilespmem:s22+$0x30] =	vst v9  }
0x53a: {  	s23 =	simm.s32 $0x0;
	s24 =	simm.s32 $0x10F0;
	v4 =	vld.idx.msk [tilespmem:v8+s14+$0x0], $0xffff;
	[tilespmem:s22+$0xFFFFFFD0] =	vst v10  }
.LBB2_60:
0x53b: {  	v6 =	vld [tilespmem:s24+$0x0];
	s23 =	sadd.s32 $0x8, s23;
	[tilespmem:s22+$0xFFFFFFE0] =	vst v5  }
0x53c: {  	v5 =	vld [tilespmem:s24+$0xFFFFFFA0];
	p0 =	slt.u32 s23, $0xF8;
	[tilespmem:s22+$0xFFFFFFF0] =	vst v3  }
0x53d: {  	v3 =	vld [tilespmem:s24+$0xFFFFFFB0];
	[tilespmem:s22+$0x0] =	vst v0  }
0x53e: {  	v0 =	vld [tilespmem:s24+$0xFFFFFFC0];
	[tilespmem:s22+$0x10] =	vst v1  }
0x53f: {  	v1 =	vld [tilespmem:s24+$0xFFFFFFD0];
	[tilespmem:s22+$0x20] =	vst v2  }
0x540: {  	v2 =	vld [tilespmem:s24+$0xFFFFFFE0];
	[tilespmem:s22+$0xFFFFFFC0] =	vst v4  }
0x541: {  	v4 =	vld [tilespmem:s24+$0xFFFFFFF0]  }
0x542: {  	v7 =	vld [tilespmem:s24+$0xFFFFFF90]  }
0x543: {  	v6 =	vld.idx.msk [tilespmem:v6+s14+$0x0], $0xffff  }
0x544: {  	v8 =	vld.idx.msk [tilespmem:v5+s14+$0x0], $0xffff  }
0x545: {  	v5 =	vld.idx.msk [tilespmem:v3+s14+$0x0], $0xffff  }
.Ltmp29:
0x546: {  	v3 =	vld.idx.msk [tilespmem:v0+s14+$0x0], $0xffff;
	(pc) =	sbr.rel @p0 .LBB2_60-.Ltmp29, $4  }
0x547: {  	v0 =	vld.idx.msk [tilespmem:v1+s14+$0x0], $0xffff  }
0x548: {  	s22 =	sadd.s32 $0x80, s22;
	v1 =	vld.idx.msk [tilespmem:v2+s14+$0x0], $0xffff  }
0x549: {  	v2 =	vld.idx.msk [tilespmem:v4+s14+$0x0], $0xffff;
	[tilespmem:s22+$0x30] =	vst v6  }
0x54a: {  	s24 =	sadd.s32 $0x80, s24;
	v4 =	vld.idx.msk [tilespmem:v7+s14+$0x0], $0xffff;
	[tilespmem:s22+$0xFFFFFFD0] =	vst v8  }
0x54b: {  	[tilespmem:s22+$0xFFFFFFE0] =	vst v5  }
0x54c: {  	[tilespmem:s22+$0xFFFFFFF0] =	vst v3  }
0x54d: {  	[tilespmem:s22+$0x0] =	vst v0  }
0x54e: {  	[tilespmem:s22+$0x10] =	vst v1  }
0x54f: {  	[tilespmem:s22+$0x20] =	vst v2  }
0x550: {  	[tilespmem:s22+$0xFFFFFFC0] =	vst v4  }
0x551: {  	[hbm4b:s8+s12] =	stream.strided.scatter [tilespmem:s18], [sflag:$0x3], $0x1000, s13, s12, $0x38;
	[tilespmem:$0x1E700] =	vst v63  }
0x552: {  	_ =	swait.ge [sflag:s19], $0x1000  }
0x553: {  	[sflag:s19] =	ssyncset.done $0x0  }
0x554: {  	s24 =	simm.s32 $0x2070;
	[sflag:s19] =	ssyncadd.s32 $0xFFFFF000  }
0x555: {  	v0 =	vld [tilespmem:s24+$0x0]  }
0x556: {  	v1 =	vld [tilespmem:s24+$0xFFFFFFA0]  }
0x557: {  	v2 =	vld [tilespmem:s24+$0xFFFFFFB0]  }
0x558: {  	v3 =	vld [tilespmem:s24+$0xFFFFFFC0]  }
0x559: {  	v4 =	vld [tilespmem:s24+$0xFFFFFFD0]  }
0x55a: {  	v6 =	vld [tilespmem:s24+$0xFFFFFFE0]  }
0x55b: {  	v7 =	vld [tilespmem:s24+$0xFFFFFFF0]  }
0x55c: {  	v8 =	vld [tilespmem:s24+$0xFFFFFF90]  }
0x55d: {  	v9 =	vld.idx.msk [tilespmem:v0+s14+$0x0], $0xffff  }
0x55e: {  	v10 =	vld.idx.msk [tilespmem:v1+s14+$0x0], $0xffff  }
0x55f: {  	v5 =	vld.idx.msk [tilespmem:v2+s14+$0x0], $0xffff  }
0x560: {  	v3 =	vld.idx.msk [tilespmem:v3+s14+$0x0], $0xffff  }
0x561: {  	v0 =	vld.idx.msk [tilespmem:v4+s14+$0x0], $0xffff  }
0x562: {  	s22 =	simm.s32 $0x1C740;
	v1 =	vld.idx.msk [tilespmem:v6+s14+$0x0], $0xffff  }
0x563: {  	v2 =	vld.idx.msk [tilespmem:v7+s14+$0x0], $0xffff;
	[tilespmem:s22+$0x30] =	vst v9  }
0x564: {  	s23 =	simm.s32 $0x0;
	s24 =	simm.s32 $0x20F0;
	v4 =	vld.idx.msk [tilespmem:v8+s14+$0x0], $0xffff;
	[tilespmem:s22+$0xFFFFFFD0] =	vst v10  }
.LBB2_62:
0x565: {  	v6 =	vld [tilespmem:s24+$0x0];
	s23 =	sadd.s32 $0x8, s23;
	[tilespmem:s22+$0xFFFFFFE0] =	vst v5  }
0x566: {  	v5 =	vld [tilespmem:s24+$0xFFFFFFA0];
	p0 =	slt.u32 s23, $0xF8;
	[tilespmem:s22+$0xFFFFFFF0] =	vst v3  }
0x567: {  	v3 =	vld [tilespmem:s24+$0xFFFFFFB0];
	[tilespmem:s22+$0x0] =	vst v0  }
0x568: {  	v0 =	vld [tilespmem:s24+$0xFFFFFFC0];
	[tilespmem:s22+$0x10] =	vst v1  }
0x569: {  	v1 =	vld [tilespmem:s24+$0xFFFFFFD0];
	[tilespmem:s22+$0x20] =	vst v2  }
0x56a: {  	v2 =	vld [tilespmem:s24+$0xFFFFFFE0];
	[tilespmem:s22+$0xFFFFFFC0] =	vst v4  }
0x56b: {  	v4 =	vld [tilespmem:s24+$0xFFFFFFF0]  }
0x56c: {  	v7 =	vld [tilespmem:s24+$0xFFFFFF90]  }
0x56d: {  	v6 =	vld.idx.msk [tilespmem:v6+s14+$0x0], $0xffff  }
0x56e: {  	v8 =	vld.idx.msk [tilespmem:v5+s14+$0x0], $0xffff  }
0x56f: {  	v5 =	vld.idx.msk [tilespmem:v3+s14+$0x0], $0xffff  }
.Ltmp30:
0x570: {  	v3 =	vld.idx.msk [tilespmem:v0+s14+$0x0], $0xffff;
	(pc) =	sbr.rel @p0 .LBB2_62-.Ltmp30, $4  }
0x571: {  	v0 =	vld.idx.msk [tilespmem:v1+s14+$0x0], $0xffff  }
0x572: {  	s22 =	sadd.s32 $0x80, s22;
	v1 =	vld.idx.msk [tilespmem:v2+s14+$0x0], $0xffff  }
0x573: {  	v2 =	vld.idx.msk [tilespmem:v4+s14+$0x0], $0xffff;
	[tilespmem:s22+$0x30] =	vst v6  }
0x574: {  	s24 =	sadd.s32 $0x80, s24;
	v4 =	vld.idx.msk [tilespmem:v7+s14+$0x0], $0xffff;
	[tilespmem:s22+$0xFFFFFFD0] =	vst v8  }
0x575: {  	[tilespmem:s22+$0xFFFFFFE0] =	vst v5  }
0x576: {  	[tilespmem:s22+$0xFFFFFFF0] =	vst v3  }
0x577: {  	[tilespmem:s22+$0x0] =	vst v0  }
0x578: {  	[tilespmem:s22+$0x10] =	vst v1  }
0x579: {  	[tilespmem:s22+$0x20] =	vst v2  }
0x57a: {  	[tilespmem:s22+$0xFFFFFFC0] =	vst v4  }
0x57b: {  	[hbm4b:s9+s12] =	stream.strided.scatter [tilespmem:s17], [sflag:$0x2], $0x1000, s13, s12, $0x38;
	[tilespmem:$0x1E700] =	vst v63  }
0x57c: {  	_ =	swait.ge [sflag:s20], $0x1000  }
0x57d: {  	[sflag:s20] =	ssyncset.done $0x0  }
0x57e: {  	s24 =	simm.s32 $0x3070;
	[sflag:s20] =	ssyncadd.s32 $0xFFFFF000  }
0x57f: {  	v0 =	vld [tilespmem:s24+$0x0]  }
0x580: {  	v1 =	vld [tilespmem:s24+$0xFFFFFFA0]  }
0x581: {  	v2 =	vld [tilespmem:s24+$0xFFFFFFB0]  }
0x582: {  	v3 =	vld [tilespmem:s24+$0xFFFFFFC0]  }
0x583: {  	v4 =	vld [tilespmem:s24+$0xFFFFFFD0]  }
0x584: {  	v6 =	vld [tilespmem:s24+$0xFFFFFFE0]  }
0x585: {  	v7 =	vld [tilespmem:s24+$0xFFFFFFF0]  }
0x586: {  	v8 =	vld [tilespmem:s24+$0xFFFFFF90]  }
0x587: {  	v9 =	vld.idx.msk [tilespmem:v0+s14+$0x0], $0xffff  }
0x588: {  	v10 =	vld.idx.msk [tilespmem:v1+s14+$0x0], $0xffff  }
0x589: {  	v5 =	vld.idx.msk [tilespmem:v2+s14+$0x0], $0xffff  }
0x58a: {  	v3 =	vld.idx.msk [tilespmem:v3+s14+$0x0], $0xffff  }
0x58b: {  	v0 =	vld.idx.msk [tilespmem:v4+s14+$0x0], $0xffff  }
0x58c: {  	s22 =	simm.s32 $0x1D740;
	v1 =	vld.idx.msk [tilespmem:v6+s14+$0x0], $0xffff  }
0x58d: {  	v2 =	vld.idx.msk [tilespmem:v7+s14+$0x0], $0xffff;
	[tilespmem:s22+$0x30] =	vst v9  }
0x58e: {  	s23 =	simm.s32 $0x0;
	s24 =	simm.s32 $0x30F0;
	v4 =	vld.idx.msk [tilespmem:v8+s14+$0x0], $0xffff;
	[tilespmem:s22+$0xFFFFFFD0] =	vst v10  }
.LBB2_64:
0x58f: {  	v6 =	vld [tilespmem:s24+$0x0];
	s23 =	sadd.s32 $0x8, s23;
	[tilespmem:s22+$0xFFFFFFE0] =	vst v5  }
0x590: {  	v5 =	vld [tilespmem:s24+$0xFFFFFFA0];
	p0 =	slt.u32 s23, $0xF8;
	[tilespmem:s22+$0xFFFFFFF0] =	vst v3  }
0x591: {  	v3 =	vld [tilespmem:s24+$0xFFFFFFB0];
	[tilespmem:s22+$0x0] =	vst v0  }
0x592: {  	v0 =	vld [tilespmem:s24+$0xFFFFFFC0];
	[tilespmem:s22+$0x10] =	vst v1  }
0x593: {  	v1 =	vld [tilespmem:s24+$0xFFFFFFD0];
	[tilespmem:s22+$0x20] =	vst v2  }
0x594: {  	v2 =	vld [tilespmem:s24+$0xFFFFFFE0];
	[tilespmem:s22+$0xFFFFFFC0] =	vst v4  }
0x595: {  	v4 =	vld [tilespmem:s24+$0xFFFFFFF0]  }
0x596: {  	v7 =	vld [tilespmem:s24+$0xFFFFFF90]  }
0x597: {  	v6 =	vld.idx.msk [tilespmem:v6+s14+$0x0], $0xffff  }
0x598: {  	v8 =	vld.idx.msk [tilespmem:v5+s14+$0x0], $0xffff  }
0x599: {  	v5 =	vld.idx.msk [tilespmem:v3+s14+$0x0], $0xffff  }
.Ltmp31:
0x59a: {  	v3 =	vld.idx.msk [tilespmem:v0+s14+$0x0], $0xffff;
	(pc) =	sbr.rel @p0 .LBB2_64-.Ltmp31, $4  }
0x59b: {  	v0 =	vld.idx.msk [tilespmem:v1+s14+$0x0], $0xffff  }
0x59c: {  	s22 =	sadd.s32 $0x80, s22;
	v1 =	vld.idx.msk [tilespmem:v2+s14+$0x0], $0xffff  }
0x59d: {  	v2 =	vld.idx.msk [tilespmem:v4+s14+$0x0], $0xffff;
	[tilespmem:s22+$0x30] =	vst v6  }
0x59e: {  	s24 =	sadd.s32 $0x80, s24;
	v4 =	vld.idx.msk [tilespmem:v7+s14+$0x0], $0xffff;
	[tilespmem:s22+$0xFFFFFFD0] =	vst v8  }
0x59f: {  	[tilespmem:s22+$0xFFFFFFE0] =	vst v5  }
0x5a0: {  	[tilespmem:s22+$0xFFFFFFF0] =	vst v3  }
0x5a1: {  	[tilespmem:s22+$0x0] =	vst v0  }
0x5a2: {  	[tilespmem:s22+$0x10] =	vst v1  }
0x5a3: {  	[tilespmem:s22+$0x20] =	vst v2  }
0x5a4: {  	s21 =	sadd.s32 $0x1, s21;
	[tilespmem:s22+$0xFFFFFFC0] =	vst v4  }
0x5a5: {  	[hbm4b:s10+s12] =	stream.strided.scatter [tilespmem:s18], [sflag:$0x3], $0x1000, s13, s12, $0x38;
	[tilespmem:$0x1E700] =	vst v63  }
0x5a6: {  	p0 =	sne.s32 s21, s11;
	_ =	swait.ge [sflag:s19], $0x1000  }
.Ltmp32:
0x5a7: {  	[sflag:s19] =	ssyncset.done $0x0;
	(pc) =	sbr.rel @p0 .LBB2_1-.Ltmp32, $4  }
0x5a8: {  	[sflag:s19] =	ssyncadd.s32 $0xFFFFF000  }
0x5a9: {  	_ =	swait.ge [sflag:s20], $0x1000  }
0x5aa: {  	[sflag:s20] =	ssyncset.done $0x0  }
0x5ab: {  	[sflag:s20] =	ssyncadd.s32 $0xFFFFF000  }
0x5ac: {  	_ =	sfence.sel $0x180000  }
0x5ad: {  	[bflag:$0x0] =	sbarrier.arrive $0xFFFF  }
0x5ae: {  	_ =	strace $0x90000047  }
0x5af: {  	s0 =	stileid.u32;
	[bflag:$0x2] =	sbarrier.arrive $0xFFFF  }
0x5b0: {  	p0 =	sne.s32 s0, $0x0;
	s0 =	rddreg [dreg:$0x6]  }
0x5b1: {  	s0 =	sadd.s32 @!p0 $0x100000, s0  }
0x5b2: {  	[sflag:s0] =	ssyncadd.tile.s32 @!p0 $0x1;
	_ =	shalt  }
.Lfunc_end2:
_tile_overlayer_lowered:
.L_overlay_start_2:
0x5b3: {  	(tag) =	ssettag $0x2  }
0x5b4: {  	s0 =	rddreg [dreg:$0x0];
	s2 =	stileid.u32  }
0x5b5: {  	s1 =	rddreg [dreg:$0x1];
	p0 =	sne.s32 s2, $0x0  }
0x5b6: {  	s3 =	rddreg [dreg:$0x2];
	[bflag:$0x3] =	sbarrier.arrive $0xFFFF;
	s2 =	simm.s32 @!p0 $0x1C04  }
0x5b7: {  	[timem:s3], [sflag:s2] =	dma.local @!p0 [hbm:s0], s1  }
0x5b8: {  	s0 =	simm.s32 @!p0 $0x4  }
0x5b9: {  	_ =	swait.ge @!p0 [sflag:s0], s1  }
0x5ba: {  	s1 =	ssub.s32 @!p0 $0x0, s1;
	[sflag:s0] =	ssyncset.done @!p0 $0x0  }
0x5bb: {  	[sflag:s0] =	ssyncadd.s32 @!p0 s1  }
0x5bc: {  	[bflag:$0x3] =	sbarrier.arrive $0xFFFF  }
0x5bd: {  	_ =	shalt  }

</sc_bundles>
